<compile_context>
chip_gen: v7x
topology: tpu7x:2x2x1
jax: 0.10.2.dev20260603
libtpu: 0.0.44.dev20260713+nightly
codegen_flags: <defaults>
</compile_context>

<pallas_src>
import functools

import jax
import jax.numpy as jnp
from jax import lax
from jax.experimental import pallas as pl
from jax.experimental.pallas import tpu as pltpu
from jax.experimental.pallas import tpu_sc as plsc

_N_CLS = 1000
_N_CTX = 16
_D = 512
_L = 77
_NSLOT = 7
_NCYC = _L // _NSLOT
_SCATTER_CYC = 6

_NC = 2
_NS = 16
_NW = _NC * _NS
_CPW = 32


def _body(emb, ctx, pfx, out, bufs, ctx_v, pfx_v, psm, srs, sws, ssc):
    w = lax.axis_index("s") * _NC + lax.axis_index("c")
    c0 = w * _CPW
    cw = jnp.minimum(_N_CLS - c0, _CPW)

    lanes = lax.iota(jnp.int32, 16)

    def stage_params():
        pltpu.sync_copy(ctx, ctx_v)
        pltpu.sync_copy(pfx.at[pl.ds(c0, _CPW)], pfx_v)
        pv0 = pfx_v[pl.ds(0, 16)]
        pv1 = pfx_v[pl.ds(16, 16)]
        for j in range(16):
            psm[j] = pv0[j]
            psm[j + 16] = pv1[j]

    def run(width):
        def fire_read(r, slot):
            pltpu.async_copy(emb.at[pl.ds(r * _N_CLS + c0, width)],
                             bufs[slot].at[pl.ds(0, width)], srs[slot])

        def wait_read(slot):
            pltpu.make_async_copy(emb.at[pl.ds(c0, width)],
                                  bufs[slot].at[pl.ds(0, width)],
                                  srs[slot]).wait()

        def fire_write(r, slot):
            pltpu.async_copy(bufs[slot].at[pl.ds(0, width)],
                             out.at[pl.ds(r * _N_CLS + c0, width)], sws[slot])

        def wait_write(slot):
            pltpu.make_async_copy(bufs[slot].at[pl.ds(0, width)],
                                  out.at[pl.ds(c0, width)], sws[slot]).wait()

        def fire_scatters():
            def cls(t, carry):
                p = psm[t]
                idx = (p + lanes) * _N_CLS + (c0 + t)
                pltpu.async_copy(ctx_v, out.at[idx], ssc)
                return carry

            lax.fori_loop(0, width, cls, None)

        def wait_scatters():
            def cls(t, carry):
                idx = lanes * _N_CLS
                pltpu.make_async_copy(ctx_v, out.at[idx], ssc).wait()
                return carry

            lax.fori_loop(0, width, cls, None)

        for slot in range(_NSLOT):
            fire_read(slot, slot)
        stage_params()

        def step(g, carry):
            r0 = g * _NSLOT
            for slot in range(_NSLOT):
                r = r0 + slot
                wait_read(slot)
                fire_write(r, slot)

                @pl.when(g + 1 < _NCYC)
                def _():
                    wait_write(slot)
                    fire_read(r + _NSLOT, slot)

            @pl.when(g == _SCATTER_CYC)
            def _():
                fire_scatters()

            return carry

        lax.fori_loop(0, _NCYC, step, None)
        for slot in range(_NSLOT):
            wait_write(slot)
        wait_scatters()

    @pl.when(cw >= _CPW)
    def _():
        run(_CPW)

    @pl.when(cw < _CPW)
    def _():
        run(_N_CLS - (_NW - 1) * _CPW)


@functools.partial(
    pl.kernel,
    out_type=jax.ShapeDtypeStruct((_L * _N_CLS, _D), jnp.float32),
    mesh=plsc.VectorSubcoreMesh(core_axis_name="c", subcore_axis_name="s"),
    scratch_types=(
        [pltpu.VMEM((_CPW, _D), jnp.float32) for _ in range(_NSLOT)]
        + [
            pltpu.VMEM((_N_CTX, _D), jnp.float32),
            pltpu.VMEM((_CPW,), jnp.int32),
            pltpu.SMEM((_CPW,), jnp.int32),
        ]
        + [pltpu.SemaphoreType.DMA for _ in range(2 * _NSLOT + 1)]
    ),
)
def _splice_kernel(emb, ctx, pfx, out, *scratch):
    bufs = scratch[:_NSLOT]
    ctx_v, pfx_v, psm = scratch[_NSLOT:_NSLOT + 3]
    sems = scratch[_NSLOT + 3:]
    srs = sems[:_NSLOT]
    sws = sems[_NSLOT:2 * _NSLOT]
    ssc = sems[2 * _NSLOT]
    _body(emb, ctx, pfx, out, bufs, ctx_v, pfx_v, psm, srs, sws, ssc)


def kernel(origin_text_embedding, ctx, prefix_index):
    emb_t = jnp.transpose(origin_text_embedding, (1, 0, 2))
    emb2 = emb_t.reshape(_L * _N_CLS, _D)
    pfx = jnp.pad(prefix_index, (0, _NW * _CPW - _N_CLS))
    out2 = _splice_kernel(emb2, ctx, pfx)
    return jnp.transpose(out2.reshape(_L, _N_CLS, _D), (1, 0, 2))

# --- scband reference (transcript-rebuilt; emitter-appended) ---
"""Pipeline reference for scband-text-prompt-learner-18605798326287 (READ-ONLY COPY).

The authoritative reference and input builder live on the scoring server;
editing this copy changes nothing except your own understanding.
"""

import jax, jax.numpy as jnp
import numpy as np

N_CLS = 1000
N_CTX = 16
CTX_DIM = 512
SEQ_LEN = 77


def setup_inputs(seed: int = 0) -> dict:
    key = jax.random.key(seed)
    k1, k2, k3 = jax.random.split(key, 3)
    origin_text_embedding = jax.random.normal(k1, (N_CLS, SEQ_LEN, CTX_DIM), dtype=jnp.float32)
    ctx = jax.random.normal(k2, (N_CTX, CTX_DIM), dtype=jnp.float32) * 0.02
    prefix_index = jax.random.randint(k3, (N_CLS,), 0, 20, dtype=jnp.int32)
    return {
        'origin_text_embedding': origin_text_embedding,
        'ctx': ctx,
        'prefix_index': prefix_index,
    }


def reference(origin_text_embedding, ctx, prefix_index):
    # Faithful vectorization of the ragged per-class splice:
    # out[i] = concat(emb[i, :p_i], ctx, emb[i, p_i+n_ctx:])
    # Output position j maps to emb[i, j] if j < p_i or j >= p_i + n_ctx,
    # else ctx[j - p_i] (sequence length is preserved, same as the torch concat).
    n_cls, L, d = origin_text_embedding.shape
    n_ctx = ctx.shape[0]
    j = jnp.arange(L)[None, :]                 # [1, L]
    p = prefix_index[:, None]                  # [n_cls, 1]
    in_ctx = (j >= p) & (j < p + n_ctx)        # [n_cls, L]
    ctx_idx = jnp.clip(j - p, 0, n_ctx - 1)    # [n_cls, L]
    ctx_gathered = jnp.take(ctx, ctx_idx, axis=0)  # [n_cls, L, d] gather
    learn_prompts = jnp.where(in_ctx[..., None], ctx_gathered, origin_text_embedding)
    return learn_prompts

if __name__ == "__main__":
    import jax
    _d = setup_inputs()
    print(jax.jit(kernel)(*tuple(_d.values())))

</pallas_src>

<mosaic_0001>
#map = affine_map<(d0, d1) -> (0, 0)>
#map1 = affine_map<(d0, d1) -> (0)>
module attributes {stable_mosaic.version = 14 : i64} {
  func.func @_splice_kernel(%arg0: i32, %arg1: i32, %arg2: memref<77000x512xf32, #tpu.memory_space<hbm>>, %arg3: memref<16x512xf32, #tpu.memory_space<hbm>>, %arg4: memref<1024xi32, #tpu.memory_space<hbm>>, %arg5: memref<77000x512xf32, #tpu.memory_space<hbm>>, %arg6: memref<32x512xf32, #tpu.memory_space<vmem>>, %arg7: memref<32x512xf32, #tpu.memory_space<vmem>>, %arg8: memref<32x512xf32, #tpu.memory_space<vmem>>, %arg9: memref<32x512xf32, #tpu.memory_space<vmem>>, %arg10: memref<32x512xf32, #tpu.memory_space<vmem>>, %arg11: memref<32x512xf32, #tpu.memory_space<vmem>>, %arg12: memref<32x512xf32, #tpu.memory_space<vmem>>, %arg13: memref<16x512xf32, #tpu.memory_space<vmem>>, %arg14: memref<32xi32, #tpu.memory_space<vmem>>, %arg15: memref<32xi32, #tpu.memory_space<smem>>, %arg16: memref<!tpu.dma_semaphore, #tpu.memory_space<semaphore_mem>>, %arg17: memref<!tpu.dma_semaphore, #tpu.memory_space<semaphore_mem>>, %arg18: memref<!tpu.dma_semaphore, #tpu.memory_space<semaphore_mem>>, %arg19: memref<!tpu.dma_semaphore, #tpu.memory_space<semaphore_mem>>, %arg20: memref<!tpu.dma_semaphore, #tpu.memory_space<semaphore_mem>>, %arg21: memref<!tpu.dma_semaphore, #tpu.memory_space<semaphore_mem>>, %arg22: memref<!tpu.dma_semaphore, #tpu.memory_space<semaphore_mem>>, %arg23: memref<!tpu.dma_semaphore, #tpu.memory_space<semaphore_mem>>, %arg24: memref<!tpu.dma_semaphore, #tpu.memory_space<semaphore_mem>>, %arg25: memref<!tpu.dma_semaphore, #tpu.memory_space<semaphore_mem>>, %arg26: memref<!tpu.dma_semaphore, #tpu.memory_space<semaphore_mem>>, %arg27: memref<!tpu.dma_semaphore, #tpu.memory_space<semaphore_mem>>, %arg28: memref<!tpu.dma_semaphore, #tpu.memory_space<semaphore_mem>>, %arg29: memref<!tpu.dma_semaphore, #tpu.memory_space<semaphore_mem>>, %arg30: memref<!tpu.dma_semaphore, #tpu.memory_space<semaphore_mem>>) attributes {dimension_semantics = [#tpu.dimension_semantics<core_parallel>, #tpu.dimension_semantics<subcore_parallel>], iteration_bounds = array<i64: 2, 16>, scalar_prefetch = 0 : i64, scratch_operands = 25 : i64, tpu.core_type = #tpu.core_type<sc_vector_subcore>, window_params = [{transform_indices = #map}, {transform_indices = #map}, {transform_indices = #map1}, {transform_indices = #map}]} {
    %mul3A = arith.constant 2 : i32
    %mul3A_0 = arith.muli %arg1, %mul3A : i32
    %add3A = arith.addi %mul3A_0, %arg0 : i32
    %mul3A_1 = arith.constant 32 : i32
    %mul3A_2 = arith.muli %add3A, %mul3A_1 : i32
    %sub3A = arith.constant 1000 : i32
    %sub3A_3 = arith.subi %sub3A, %mul3A_2 : i32
    %min3A = arith.constant 32 : i32
    %min3A_4 = arith.minsi %sub3A_3, %min3A : i32
    %iota3A = tpu.iota {dimensions = array<i32: 0>} : vector<16xi32>
    %ge3A = arith.constant 32 : i32
    %ge3A_5 = arith.cmpi sge, %min3A_4, %ge3A : i32
    %convert_element_type3A = arith.extui %ge3A_5 : i1 to i32
    %cond3A = arith.constant 0 : i32
    %cond3A_6 = arith.cmpi ne, %convert_element_type3A, %cond3A : i32
    scf.if %cond3A_6 {
      %add3A_11 = arith.constant 0 : i32
      %add3A_12 = arith.addi %add3A_11, %mul3A_2 : i32
      %dma_start3A = arith.constant 0 : i32
      %dma_start3A_13 = arith.constant 0 : i32
      %dma_start3A_14 = tpu.memref_slice %arg6[%dma_start3A, %dma_start3A_13] : memref<32x512xf32, #tpu.memory_space<vmem>> -> memref<32x512xf32, #tpu.memory_space<vmem>>
      %dma_start3A_15 = arith.constant 0 : i32
      %dma_start3A_16 = tpu.memref_slice %arg2[%add3A_12, %dma_start3A_15] : memref<77000x512xf32, #tpu.memory_space<hbm>> -> memref<32x512xf32, #tpu.memory_space<hbm>>
      %dma_start3A_17 = arith.constant 0 : i32
      %dma_start3A_18 = arith.constant 0 : i32
      %dma_start3A_19 = tpu.memref_slice %arg6[%dma_start3A_17, %dma_start3A_18] : memref<32x512xf32, #tpu.memory_space<vmem>> -> memref<32x512xf32, #tpu.memory_space<vmem>>
      %dma_start3A_20 = arith.constant 0 : i32
      %dma_start3A_21 = tpu.memref_slice %arg2[%add3A_12, %dma_start3A_20] : memref<77000x512xf32, #tpu.memory_space<hbm>> -> memref<32x512xf32, #tpu.memory_space<hbm>>
      tpu.enqueue_dma source(%dma_start3A_21 : memref<32x512xf32, #tpu.memory_space<hbm>>) target(%dma_start3A_19 : memref<32x512xf32, #tpu.memory_space<vmem>>) target_semaphore(%arg16 : memref<!tpu.dma_semaphore, #tpu.memory_space<semaphore_mem>>)
      %add3A_22 = arith.constant 1000 : i32
      %add3A_23 = arith.addi %add3A_22, %mul3A_2 : i32
      %dma_start3A_24 = arith.constant 0 : i32
      %dma_start3A_25 = arith.constant 0 : i32
      %dma_start3A_26 = tpu.memref_slice %arg7[%dma_start3A_24, %dma_start3A_25] : memref<32x512xf32, #tpu.memory_space<vmem>> -> memref<32x512xf32, #tpu.memory_space<vmem>>
      %dma_start3A_27 = arith.constant 0 : i32
      %dma_start3A_28 = tpu.memref_slice %arg2[%add3A_23, %dma_start3A_27] : memref<77000x512xf32, #tpu.memory_space<hbm>> -> memref<32x512xf32, #tpu.memory_space<hbm>>
      %dma_start3A_29 = arith.constant 0 : i32
      %dma_start3A_30 = arith.constant 0 : i32
      %dma_start3A_31 = tpu.memref_slice %arg7[%dma_start3A_29, %dma_start3A_30] : memref<32x512xf32, #tpu.memory_space<vmem>> -> memref<32x512xf32, #tpu.memory_space<vmem>>
      %dma_start3A_32 = arith.constant 0 : i32
      %dma_start3A_33 = tpu.memref_slice %arg2[%add3A_23, %dma_start3A_32] : memref<77000x512xf32, #tpu.memory_space<hbm>> -> memref<32x512xf32, #tpu.memory_space<hbm>>
      tpu.enqueue_dma source(%dma_start3A_33 : memref<32x512xf32, #tpu.memory_space<hbm>>) target(%dma_start3A_31 : memref<32x512xf32, #tpu.memory_space<vmem>>) target_semaphore(%arg17 : memref<!tpu.dma_semaphore, #tpu.memory_space<semaphore_mem>>)
      %add3A_34 = arith.constant 2000 : i32
      %add3A_35 = arith.addi %add3A_34, %mul3A_2 : i32
      %dma_start3A_36 = arith.constant 0 : i32
      %dma_start3A_37 = arith.constant 0 : i32
      %dma_start3A_38 = tpu.memref_slice %arg8[%dma_start3A_36, %dma_start3A_37] : memref<32x512xf32, #tpu.memory_space<vmem>> -> memref<32x512xf32, #tpu.memory_space<vmem>>
      %dma_start3A_39 = arith.constant 0 : i32
      %dma_start3A_40 = tpu.memref_slice %arg2[%add3A_35, %dma_start3A_39] : memref<77000x512xf32, #tpu.memory_space<hbm>> -> memref<32x512xf32, #tpu.memory_space<hbm>>
      %dma_start3A_41 = arith.constant 0 : i32
      %dma_start3A_42 = arith.constant 0 : i32
      %dma_start3A_43 = tpu.memref_slice %arg8[%dma_start3A_41, %dma_start3A_42] : memref<32x512xf32, #tpu.memory_space<vmem>> -> memref<32x512xf32, #tpu.memory_space<vmem>>
      %dma_start3A_44 = arith.constant 0 : i32
      %dma_start3A_45 = tpu.memref_slice %arg2[%add3A_35, %dma_start3A_44] : memref<77000x512xf32, #tpu.memory_space<hbm>> -> memref<32x512xf32, #tpu.memory_space<hbm>>
      tpu.enqueue_dma source(%dma_start3A_45 : memref<32x512xf32, #tpu.memory_space<hbm>>) target(%dma_start3A_43 : memref<32x512xf32, #tpu.memory_space<vmem>>) target_semaphore(%arg18 : memref<!tpu.dma_semaphore, #tpu.memory_space<semaphore_mem>>)
      %add3A_46 = arith.constant 3000 : i32
      %add3A_47 = arith.addi %add3A_46, %mul3A_2 : i32
      %dma_start3A_48 = arith.constant 0 : i32
      %dma_start3A_49 = arith.constant 0 : i32
      %dma_start3A_50 = tpu.memref_slice %arg9[%dma_start3A_48, %dma_start3A_49] : memref<32x512xf32, #tpu.memory_space<vmem>> -> memref<32x512xf32, #tpu.memory_space<vmem>>
      %dma_start3A_51 = arith.constant 0 : i32
      %dma_start3A_52 = tpu.memref_slice %arg2[%add3A_47, %dma_start3A_51] : memref<77000x512xf32, #tpu.memory_space<hbm>> -> memref<32x512xf32, #tpu.memory_space<hbm>>
      %dma_start3A_53 = arith.constant 0 : i32
      %dma_start3A_54 = arith.constant 0 : i32
      %dma_start3A_55 = tpu.memref_slice %arg9[%dma_start3A_53, %dma_start3A_54] : memref<32x512xf32, #tpu.memory_space<vmem>> -> memref<32x512xf32, #tpu.memory_space<vmem>>
      %dma_start3A_56 = arith.constant 0 : i32
      %dma_start3A_57 = tpu.memref_slice %arg2[%add3A_47, %dma_start3A_56] : memref<77000x512xf32, #tpu.memory_space<hbm>> -> memref<32x512xf32, #tpu.memory_space<hbm>>
      tpu.enqueue_dma source(%dma_start3A_57 : memref<32x512xf32, #tpu.memory_space<hbm>>) target(%dma_start3A_55 : memref<32x512xf32, #tpu.memory_space<vmem>>) target_semaphore(%arg19 : memref<!tpu.dma_semaphore, #tpu.memory_space<semaphore_mem>>)
      %add3A_58 = arith.constant 4000 : i32
      %add3A_59 = arith.addi %add3A_58, %mul3A_2 : i32
      %dma_start3A_60 = arith.constant 0 : i32
      %dma_start3A_61 = arith.constant 0 : i32
      %dma_start3A_62 = tpu.memref_slice %arg10[%dma_start3A_60, %dma_start3A_61] : memref<32x512xf32, #tpu.memory_space<vmem>> -> memref<32x512xf32, #tpu.memory_space<vmem>>
      %dma_start3A_63 = arith.constant 0 : i32
      %dma_start3A_64 = tpu.memref_slice %arg2[%add3A_59, %dma_start3A_63] : memref<77000x512xf32, #tpu.memory_space<hbm>> -> memref<32x512xf32, #tpu.memory_space<hbm>>
      %dma_start3A_65 = arith.constant 0 : i32
      %dma_start3A_66 = arith.constant 0 : i32
      %dma_start3A_67 = tpu.memref_slice %arg10[%dma_start3A_65, %dma_start3A_66] : memref<32x512xf32, #tpu.memory_space<vmem>> -> memref<32x512xf32, #tpu.memory_space<vmem>>
      %dma_start3A_68 = arith.constant 0 : i32
      %dma_start3A_69 = tpu.memref_slice %arg2[%add3A_59, %dma_start3A_68] : memref<77000x512xf32, #tpu.memory_space<hbm>> -> memref<32x512xf32, #tpu.memory_space<hbm>>
      tpu.enqueue_dma source(%dma_start3A_69 : memref<32x512xf32, #tpu.memory_space<hbm>>) target(%dma_start3A_67 : memref<32x512xf32, #tpu.memory_space<vmem>>) target_semaphore(%arg20 : memref<!tpu.dma_semaphore, #tpu.memory_space<semaphore_mem>>)
      %add3A_70 = arith.constant 5000 : i32
      %add3A_71 = arith.addi %add3A_70, %mul3A_2 : i32
      %dma_start3A_72 = arith.constant 0 : i32
      %dma_start3A_73 = arith.constant 0 : i32
      %dma_start3A_74 = tpu.memref_slice %arg11[%dma_start3A_72, %dma_start3A_73] : memref<32x512xf32, #tpu.memory_space<vmem>> -> memref<32x512xf32, #tpu.memory_space<vmem>>
      %dma_start3A_75 = arith.constant 0 : i32
      %dma_start3A_76 = tpu.memref_slice %arg2[%add3A_71, %dma_start3A_75] : memref<77000x512xf32, #tpu.memory_space<hbm>> -> memref<32x512xf32, #tpu.memory_space<hbm>>
      %dma_start3A_77 = arith.constant 0 : i32
      %dma_start3A_78 = arith.constant 0 : i32
      %dma_start3A_79 = tpu.memref_slice %arg11[%dma_start3A_77, %dma_start3A_78] : memref<32x512xf32, #tpu.memory_space<vmem>> -> memref<32x512xf32, #tpu.memory_space<vmem>>
      %dma_start3A_80 = arith.constant 0 : i32
      %dma_start3A_81 = tpu.memref_slice %arg2[%add3A_71, %dma_start3A_80] : memref<77000x512xf32, #tpu.memory_space<hbm>> -> memref<32x512xf32, #tpu.memory_space<hbm>>
      tpu.enqueue_dma source(%dma_start3A_81 : memref<32x512xf32, #tpu.memory_space<hbm>>) target(%dma_start3A_79 : memref<32x512xf32, #tpu.memory_space<vmem>>) target_semaphore(%arg21 : memref<!tpu.dma_semaphore, #tpu.memory_space<semaphore_mem>>)
      %add3A_82 = arith.constant 6000 : i32
      %add3A_83 = arith.addi %add3A_82, %mul3A_2 : i32
      %dma_start3A_84 = arith.constant 0 : i32
      %dma_start3A_85 = arith.constant 0 : i32
      %dma_start3A_86 = tpu.memref_slice %arg12[%dma_start3A_84, %dma_start3A_85] : memref<32x512xf32, #tpu.memory_space<vmem>> -> memref<32x512xf32, #tpu.memory_space<vmem>>
      %dma_start3A_87 = arith.constant 0 : i32
      %dma_start3A_88 = tpu.memref_slice %arg2[%add3A_83, %dma_start3A_87] : memref<77000x512xf32, #tpu.memory_space<hbm>> -> memref<32x512xf32, #tpu.memory_space<hbm>>
      %dma_start3A_89 = arith.constant 0 : i32
      %dma_start3A_90 = arith.constant 0 : i32
      %dma_start3A_91 = tpu.memref_slice %arg12[%dma_start3A_89, %dma_start3A_90] : memref<32x512xf32, #tpu.memory_space<vmem>> -> memref<32x512xf32, #tpu.memory_space<vmem>>
      %dma_start3A_92 = arith.constant 0 : i32
      %dma_start3A_93 = tpu.memref_slice %arg2[%add3A_83, %dma_start3A_92] : memref<77000x512xf32, #tpu.memory_space<hbm>> -> memref<32x512xf32, #tpu.memory_space<hbm>>
      tpu.enqueue_dma source(%dma_start3A_93 : memref<32x512xf32, #tpu.memory_space<hbm>>) target(%dma_start3A_91 : memref<32x512xf32, #tpu.memory_space<vmem>>) target_semaphore(%arg22 : memref<!tpu.dma_semaphore, #tpu.memory_space<semaphore_mem>>)
      "tpu.region"() ({
        %run_scoped3A = tpu.sem_alloc : memref<!tpu.dma_semaphore, #tpu.memory_space<semaphore_mem>>
        tpu.enqueue_dma source(%arg3 : memref<16x512xf32, #tpu.memory_space<hbm>>) target(%arg13 : memref<16x512xf32, #tpu.memory_space<vmem>>) target_semaphore(%run_scoped3A : memref<!tpu.dma_semaphore, #tpu.memory_space<semaphore_mem>>)
        tpu.wait_dma2 semaphore(%run_scoped3A : memref<!tpu.dma_semaphore, #tpu.memory_space<semaphore_mem>>) src(%arg3 : memref<16x512xf32, #tpu.memory_space<hbm>>) dst(%arg13 : memref<16x512xf32, #tpu.memory_space<vmem>>)
        tpu.yield
      }) : () -> ()
      "tpu.region"() ({
        %run_scoped3A = tpu.sem_alloc : memref<!tpu.dma_semaphore, #tpu.memory_space<semaphore_mem>>
        %dma_start3A_334 = tpu.memref_slice %arg4[%mul3A_2] : memref<1024xi32, #tpu.memory_space<hbm>> -> memref<32xi32, #tpu.memory_space<hbm>>
        %dma_start3A_335 = tpu.memref_slice %arg4[%mul3A_2] : memref<1024xi32, #tpu.memory_space<hbm>> -> memref<32xi32, #tpu.memory_space<hbm>>
        tpu.enqueue_dma source(%dma_start3A_335 : memref<32xi32, #tpu.memory_space<hbm>>) target(%arg14 : memref<32xi32, #tpu.memory_space<vmem>>) target_semaphore(%run_scoped3A : memref<!tpu.dma_semaphore, #tpu.memory_space<semaphore_mem>>)
        %dma_wait3A_336 = tpu.memref_slice %arg4[%mul3A_2] : memref<1024xi32, #tpu.memory_space<hbm>> -> memref<32xi32, #tpu.memory_space<hbm>>
        %dma_wait3A_337 = tpu.memref_slice %arg4[%mul3A_2] : memref<1024xi32, #tpu.memory_space<hbm>> -> memref<32xi32, #tpu.memory_space<hbm>>
        tpu.wait_dma2 semaphore(%run_scoped3A : memref<!tpu.dma_semaphore, #tpu.memory_space<semaphore_mem>>) src(%dma_wait3A_337 : memref<32xi32, #tpu.memory_space<hbm>>) dst(%arg14 : memref<32xi32, #tpu.memory_space<vmem>>)
        tpu.yield
      }) : () -> ()
      %get3A = arith.constant 0 : index
      %get3A_94 = tpu.vector_load %arg14[%get3A] {strides = array<i32>} : memref<32xi32, #tpu.memory_space<vmem>>, vector<16xi32>,
      %get3A_95 = vector.shape_cast %get3A_94 : vector<16xi32> to vector<16xi32>
      %get3A_96 = arith.constant 16 : index
      %get3A_97 = tpu.vector_load %arg14[%get3A_96] {strides = array<i32>} : memref<32xi32, #tpu.memory_space<vmem>>, vector<16xi32>,
      %get3A_98 = vector.shape_cast %get3A_97 : vector<16xi32> to vector<16xi32>
      %slice3A = vector.extract_strided_slice %get3A_95 {offsets = [0], sizes = [1], strides = [1]} : vector<16xi32> to vector<1xi32>
      %squeeze3A = vector.extract %slice3A[0] : i32 from vector<1xi32>
      %swap3A = arith.constant 0 : i32
      %swap3A_99 = arith.index_cast %swap3A : i32 to index
      %swap3A_100 = memref.load %arg15[%swap3A_99] : memref<32xi32, #tpu.memory_space<smem>>
      memref.store %squeeze3A, %arg15[%swap3A_99] : memref<32xi32, #tpu.memory_space<smem>>
      %slice3A_101 = vector.extract_strided_slice %get3A_98 {offsets = [0], sizes = [1], strides = [1]} : vector<16xi32> to vector<1xi32>
      %squeeze3A_102 = vector.extract %slice3A_101[0] : i32 from vector<1xi32>
      %swap3A_103 = arith.constant 16 : i32
      %swap3A_104 = arith.index_cast %swap3A_103 : i32 to index
      %swap3A_105 = memref.load %arg15[%swap3A_104] : memref<32xi32, #tpu.memory_space<smem>>
      memref.store %squeeze3A_102, %arg15[%swap3A_104] : memref<32xi32, #tpu.memory_space<smem>>
      %slice3A_106 = vector.extract_strided_slice %get3A_95 {offsets = [1], sizes = [1], strides = [1]} : vector<16xi32> to vector<1xi32>
      %squeeze3A_107 = vector.extract %slice3A_106[0] : i32 from vector<1xi32>
      %swap3A_108 = arith.constant 1 : i32
      %swap3A_109 = arith.index_cast %swap3A_108 : i32 to index
      %swap3A_110 = memref.load %arg15[%swap3A_109] : memref<32xi32, #tpu.memory_space<smem>>
      memref.store %squeeze3A_107, %arg15[%swap3A_109] : memref<32xi32, #tpu.memory_space<smem>>
      %slice3A_111 = vector.extract_strided_slice %get3A_98 {offsets = [1], sizes = [1], strides = [1]} : vector<16xi32> to vector<1xi32>
      %squeeze3A_112 = vector.extract %slice3A_111[0] : i32 from vector<1xi32>
      %swap3A_113 = arith.constant 17 : i32
      %swap3A_114 = arith.index_cast %swap3A_113 : i32 to index
      %swap3A_115 = memref.load %arg15[%swap3A_114] : memref<32xi32, #tpu.memory_space<smem>>
      memref.store %squeeze3A_112, %arg15[%swap3A_114] : memref<32xi32, #tpu.memory_space<smem>>
      %slice3A_116 = vector.extract_strided_slice %get3A_95 {offsets = [2], sizes = [1], strides = [1]} : vector<16xi32> to vector<1xi32>
      %squeeze3A_117 = vector.extract %slice3A_116[0] : i32 from vector<1xi32>
      %swap3A_118 = arith.constant 2 : i32
      %swap3A_119 = arith.index_cast %swap3A_118 : i32 to index
      %swap3A_120 = memref.load %arg15[%swap3A_119] : memref<32xi32, #tpu.memory_space<smem>>
      memref.store %squeeze3A_117, %arg15[%swap3A_119] : memref<32xi32, #tpu.memory_space<smem>>
      %slice3A_121 = vector.extract_strided_slice %get3A_98 {offsets = [2], sizes = [1], strides = [1]} : vector<16xi32> to vector<1xi32>
      %squeeze3A_122 = vector.extract %slice3A_121[0] : i32 from vector<1xi32>
      %swap3A_123 = arith.constant 18 : i32
      %swap3A_124 = arith.index_cast %swap3A_123 : i32 to index
      %swap3A_125 = memref.load %arg15[%swap3A_124] : memref<32xi32, #tpu.memory_space<smem>>
      memref.store %squeeze3A_122, %arg15[%swap3A_124] : memref<32xi32, #tpu.memory_space<smem>>
      %slice3A_126 = vector.extract_strided_slice %get3A_95 {offsets = [3], sizes = [1], strides = [1]} : vector<16xi32> to vector<1xi32>
      %squeeze3A_127 = vector.extract %slice3A_126[0] : i32 from vector<1xi32>
      %swap3A_128 = arith.constant 3 : i32
      %swap3A_129 = arith.index_cast %swap3A_128 : i32 to index
      %swap3A_130 = memref.load %arg15[%swap3A_129] : memref<32xi32, #tpu.memory_space<smem>>
      memref.store %squeeze3A_127, %arg15[%swap3A_129] : memref<32xi32, #tpu.memory_space<smem>>
      %slice3A_131 = vector.extract_strided_slice %get3A_98 {offsets = [3], sizes = [1], strides = [1]} : vector<16xi32> to vector<1xi32>
      %squeeze3A_132 = vector.extract %slice3A_131[0] : i32 from vector<1xi32>
      %swap3A_133 = arith.constant 19 : i32
      %swap3A_134 = arith.index_cast %swap3A_133 : i32 to index
      %swap3A_135 = memref.load %arg15[%swap3A_134] : memref<32xi32, #tpu.memory_space<smem>>
      memref.store %squeeze3A_132, %arg15[%swap3A_134] : memref<32xi32, #tpu.memory_space<smem>>
      %slice3A_136 = vector.extract_strided_slice %get3A_95 {offsets = [4], sizes = [1], strides = [1]} : vector<16xi32> to vector<1xi32>
      %squeeze3A_137 = vector.extract %slice3A_136[0] : i32 from vector<1xi32>
      %swap3A_138 = arith.constant 4 : i32
      %swap3A_139 = arith.index_cast %swap3A_138 : i32 to index
      %swap3A_140 = memref.load %arg15[%swap3A_139] : memref<32xi32, #tpu.memory_space<smem>>
      memref.store %squeeze3A_137, %arg15[%swap3A_139] : memref<32xi32, #tpu.memory_space<smem>>
      %slice3A_141 = vector.extract_strided_slice %get3A_98 {offsets = [4], sizes = [1], strides = [1]} : vector<16xi32> to vector<1xi32>
      %squeeze3A_142 = vector.extract %slice3A_141[0] : i32 from vector<1xi32>
      %swap3A_143 = arith.constant 20 : i32
      %swap3A_144 = arith.index_cast %swap3A_143 : i32 to index
      %swap3A_145 = memref.load %arg15[%swap3A_144] : memref<32xi32, #tpu.memory_space<smem>>
      memref.store %squeeze3A_142, %arg15[%swap3A_144] : memref<32xi32, #tpu.memory_space<smem>>
      %slice3A_146 = vector.extract_strided_slice %get3A_95 {offsets = [5], sizes = [1], strides = [1]} : vector<16xi32> to vector<1xi32>
      %squeeze3A_147 = vector.extract %slice3A_146[0] : i32 from vector<1xi32>
      %swap3A_148 = arith.constant 5 : i32
      %swap3A_149 = arith.index_cast %swap3A_148 : i32 to index
      %swap3A_150 = memref.load %arg15[%swap3A_149] : memref<32xi32, #tpu.memory_space<smem>>
      memref.store %squeeze3A_147, %arg15[%swap3A_149] : memref<32xi32, #tpu.memory_space<smem>>
      %slice3A_151 = vector.extract_strided_slice %get3A_98 {offsets = [5], sizes = [1], strides = [1]} : vector<16xi32> to vector<1xi32>
      %squeeze3A_152 = vector.extract %slice3A_151[0] : i32 from vector<1xi32>
      %swap3A_153 = arith.constant 21 : i32
      %swap3A_154 = arith.index_cast %swap3A_153 : i32 to index
      %swap3A_155 = memref.load %arg15[%swap3A_154] : memref<32xi32, #tpu.memory_space<smem>>
      memref.store %squeeze3A_152, %arg15[%swap3A_154] : memref<32xi32, #tpu.memory_space<smem>>
      %slice3A_156 = vector.extract_strided_slice %get3A_95 {offsets = [6], sizes = [1], strides = [1]} : vector<16xi32> to vector<1xi32>
      %squeeze3A_157 = vector.extract %slice3A_156[0] : i32 from vector<1xi32>
      %swap3A_158 = arith.constant 6 : i32
      %swap3A_159 = arith.index_cast %swap3A_158 : i32 to index
      %swap3A_160 = memref.load %arg15[%swap3A_159] : memref<32xi32, #tpu.memory_space<smem>>
      memref.store %squeeze3A_157, %arg15[%swap3A_159] : memref<32xi32, #tpu.memory_space<smem>>
      %slice3A_161 = vector.extract_strided_slice %get3A_98 {offsets = [6], sizes = [1], strides = [1]} : vector<16xi32> to vector<1xi32>
      %squeeze3A_162 = vector.extract %slice3A_161[0] : i32 from vector<1xi32>
      %swap3A_163 = arith.constant 22 : i32
      %swap3A_164 = arith.index_cast %swap3A_163 : i32 to index
      %swap3A_165 = memref.load %arg15[%swap3A_164] : memref<32xi32, #tpu.memory_space<smem>>
      memref.store %squeeze3A_162, %arg15[%swap3A_164] : memref<32xi32, #tpu.memory_space<smem>>
      %slice3A_166 = vector.extract_strided_slice %get3A_95 {offsets = [7], sizes = [1], strides = [1]} : vector<16xi32> to vector<1xi32>
      %squeeze3A_167 = vector.extract %slice3A_166[0] : i32 from vector<1xi32>
      %swap3A_168 = arith.constant 7 : i32
      %swap3A_169 = arith.index_cast %swap3A_168 : i32 to index
      %swap3A_170 = memref.load %arg15[%swap3A_169] : memref<32xi32, #tpu.memory_space<smem>>
      memref.store %squeeze3A_167, %arg15[%swap3A_169] : memref<32xi32, #tpu.memory_space<smem>>
      %slice3A_171 = vector.extract_strided_slice %get3A_98 {offsets = [7], sizes = [1], strides = [1]} : vector<16xi32> to vector<1xi32>
      %squeeze3A_172 = vector.extract %slice3A_171[0] : i32 from vector<1xi32>
      %swap3A_173 = arith.constant 23 : i32
      %swap3A_174 = arith.index_cast %swap3A_173 : i32 to index
      %swap3A_175 = memref.load %arg15[%swap3A_174] : memref<32xi32, #tpu.memory_space<smem>>
      memref.store %squeeze3A_172, %arg15[%swap3A_174] : memref<32xi32, #tpu.memory_space<smem>>
      %slice3A_176 = vector.extract_strided_slice %get3A_95 {offsets = [8], sizes = [1], strides = [1]} : vector<16xi32> to vector<1xi32>
      %squeeze3A_177 = vector.extract %slice3A_176[0] : i32 from vector<1xi32>
      %swap3A_178 = arith.constant 8 : i32
      %swap3A_179 = arith.index_cast %swap3A_178 : i32 to index
      %swap3A_180 = memref.load %arg15[%swap3A_179] : memref<32xi32, #tpu.memory_space<smem>>
      memref.store %squeeze3A_177, %arg15[%swap3A_179] : memref<32xi32, #tpu.memory_space<smem>>
      %slice3A_181 = vector.extract_strided_slice %get3A_98 {offsets = [8], sizes = [1], strides = [1]} : vector<16xi32> to vector<1xi32>
      %squeeze3A_182 = vector.extract %slice3A_181[0] : i32 from vector<1xi32>
      %swap3A_183 = arith.constant 24 : i32
      %swap3A_184 = arith.index_cast %swap3A_183 : i32 to index
      %swap3A_185 = memref.load %arg15[%swap3A_184] : memref<32xi32, #tpu.memory_space<smem>>
      memref.store %squeeze3A_182, %arg15[%swap3A_184] : memref<32xi32, #tpu.memory_space<smem>>
      %slice3A_186 = vector.extract_strided_slice %get3A_95 {offsets = [9], sizes = [1], strides = [1]} : vector<16xi32> to vector<1xi32>
      %squeeze3A_187 = vector.extract %slice3A_186[0] : i32 from vector<1xi32>
      %swap3A_188 = arith.constant 9 : i32
      %swap3A_189 = arith.index_cast %swap3A_188 : i32 to index
      %swap3A_190 = memref.load %arg15[%swap3A_189] : memref<32xi32, #tpu.memory_space<smem>>
      memref.store %squeeze3A_187, %arg15[%swap3A_189] : memref<32xi32, #tpu.memory_space<smem>>
      %slice3A_191 = vector.extract_strided_slice %get3A_98 {offsets = [9], sizes = [1], strides = [1]} : vector<16xi32> to vector<1xi32>
      %squeeze3A_192 = vector.extract %slice3A_191[0] : i32 from vector<1xi32>
      %swap3A_193 = arith.constant 25 : i32
      %swap3A_194 = arith.index_cast %swap3A_193 : i32 to index
      %swap3A_195 = memref.load %arg15[%swap3A_194] : memref<32xi32, #tpu.memory_space<smem>>
      memref.store %squeeze3A_192, %arg15[%swap3A_194] : memref<32xi32, #tpu.memory_space<smem>>
      %slice3A_196 = vector.extract_strided_slice %get3A_95 {offsets = [10], sizes = [1], strides = [1]} : vector<16xi32> to vector<1xi32>
      %squeeze3A_197 = vector.extract %slice3A_196[0] : i32 from vector<1xi32>
      %swap3A_198 = arith.constant 10 : i32
      %swap3A_199 = arith.index_cast %swap3A_198 : i32 to index
      %swap3A_200 = memref.load %arg15[%swap3A_199] : memref<32xi32, #tpu.memory_space<smem>>
      memref.store %squeeze3A_197, %arg15[%swap3A_199] : memref<32xi32, #tpu.memory_space<smem>>
      %slice3A_201 = vector.extract_strided_slice %get3A_98 {offsets = [10], sizes = [1], strides = [1]} : vector<16xi32> to vector<1xi32>
      %squeeze3A_202 = vector.extract %slice3A_201[0] : i32 from vector<1xi32>
      %swap3A_203 = arith.constant 26 : i32
      %swap3A_204 = arith.index_cast %swap3A_203 : i32 to index
      %swap3A_205 = memref.load %arg15[%swap3A_204] : memref<32xi32, #tpu.memory_space<smem>>
      memref.store %squeeze3A_202, %arg15[%swap3A_204] : memref<32xi32, #tpu.memory_space<smem>>
      %slice3A_206 = vector.extract_strided_slice %get3A_95 {offsets = [11], sizes = [1], strides = [1]} : vector<16xi32> to vector<1xi32>
      %squeeze3A_207 = vector.extract %slice3A_206[0] : i32 from vector<1xi32>
      %swap3A_208 = arith.constant 11 : i32
      %swap3A_209 = arith.index_cast %swap3A_208 : i32 to index
      %swap3A_210 = memref.load %arg15[%swap3A_209] : memref<32xi32, #tpu.memory_space<smem>>
      memref.store %squeeze3A_207, %arg15[%swap3A_209] : memref<32xi32, #tpu.memory_space<smem>>
      %slice3A_211 = vector.extract_strided_slice %get3A_98 {offsets = [11], sizes = [1], strides = [1]} : vector<16xi32> to vector<1xi32>
      %squeeze3A_212 = vector.extract %slice3A_211[0] : i32 from vector<1xi32>
      %swap3A_213 = arith.constant 27 : i32
      %swap3A_214 = arith.index_cast %swap3A_213 : i32 to index
      %swap3A_215 = memref.load %arg15[%swap3A_214] : memref<32xi32, #tpu.memory_space<smem>>
      memref.store %squeeze3A_212, %arg15[%swap3A_214] : memref<32xi32, #tpu.memory_space<smem>>
      %slice3A_216 = vector.extract_strided_slice %get3A_95 {offsets = [12], sizes = [1], strides = [1]} : vector<16xi32> to vector<1xi32>
      %squeeze3A_217 = vector.extract %slice3A_216[0] : i32 from vector<1xi32>
      %swap3A_218 = arith.constant 12 : i32
      %swap3A_219 = arith.index_cast %swap3A_218 : i32 to index
      %swap3A_220 = memref.load %arg15[%swap3A_219] : memref<32xi32, #tpu.memory_space<smem>>
      memref.store %squeeze3A_217, %arg15[%swap3A_219] : memref<32xi32, #tpu.memory_space<smem>>
      %slice3A_221 = vector.extract_strided_slice %get3A_98 {offsets = [12], sizes = [1], strides = [1]} : vector<16xi32> to vector<1xi32>
      %squeeze3A_222 = vector.extract %slice3A_221[0] : i32 from vector<1xi32>
      %swap3A_223 = arith.constant 28 : i32
      %swap3A_224 = arith.index_cast %swap3A_223 : i32 to index
      %swap3A_225 = memref.load %arg15[%swap3A_224] : memref<32xi32, #tpu.memory_space<smem>>
      memref.store %squeeze3A_222, %arg15[%swap3A_224] : memref<32xi32, #tpu.memory_space<smem>>
      %slice3A_226 = vector.extract_strided_slice %get3A_95 {offsets = [13], sizes = [1], strides = [1]} : vector<16xi32> to vector<1xi32>
      %squeeze3A_227 = vector.extract %slice3A_226[0] : i32 from vector<1xi32>
      %swap3A_228 = arith.constant 13 : i32
      %swap3A_229 = arith.index_cast %swap3A_228 : i32 to index
      %swap3A_230 = memref.load %arg15[%swap3A_229] : memref<32xi32, #tpu.memory_space<smem>>
      memref.store %squeeze3A_227, %arg15[%swap3A_229] : memref<32xi32, #tpu.memory_space<smem>>
      %slice3A_231 = vector.extract_strided_slice %get3A_98 {offsets = [13], sizes = [1], strides = [1]} : vector<16xi32> to vector<1xi32>
      %squeeze3A_232 = vector.extract %slice3A_231[0] : i32 from vector<1xi32>
      %swap3A_233 = arith.constant 29 : i32
      %swap3A_234 = arith.index_cast %swap3A_233 : i32 to index
      %swap3A_235 = memref.load %arg15[%swap3A_234] : memref<32xi32, #tpu.memory_space<smem>>
      memref.store %squeeze3A_232, %arg15[%swap3A_234] : memref<32xi32, #tpu.memory_space<smem>>
      %slice3A_236 = vector.extract_strided_slice %get3A_95 {offsets = [14], sizes = [1], strides = [1]} : vector<16xi32> to vector<1xi32>
      %squeeze3A_237 = vector.extract %slice3A_236[0] : i32 from vector<1xi32>
      %swap3A_238 = arith.constant 14 : i32
      %swap3A_239 = arith.index_cast %swap3A_238 : i32 to index
      %swap3A_240 = memref.load %arg15[%swap3A_239] : memref<32xi32, #tpu.memory_space<smem>>
      memref.store %squeeze3A_237, %arg15[%swap3A_239] : memref<32xi32, #tpu.memory_space<smem>>
      %slice3A_241 = vector.extract_strided_slice %get3A_98 {offsets = [14], sizes = [1], strides = [1]} : vector<16xi32> to vector<1xi32>
      %squeeze3A_242 = vector.extract %slice3A_241[0] : i32 from vector<1xi32>
      %swap3A_243 = arith.constant 30 : i32
      %swap3A_244 = arith.index_cast %swap3A_243 : i32 to index
      %swap3A_245 = memref.load %arg15[%swap3A_244] : memref<32xi32, #tpu.memory_space<smem>>
      memref.store %squeeze3A_242, %arg15[%swap3A_244] : memref<32xi32, #tpu.memory_space<smem>>
      %slice3A_246 = vector.extract_strided_slice %get3A_95 {offsets = [15], sizes = [1], strides = [1]} : vector<16xi32> to vector<1xi32>
      %squeeze3A_247 = vector.extract %slice3A_246[0] : i32 from vector<1xi32>
      %swap3A_248 = arith.constant 15 : i32
      %swap3A_249 = arith.index_cast %swap3A_248 : i32 to index
      %swap3A_250 = memref.load %arg15[%swap3A_249] : memref<32xi32, #tpu.memory_space<smem>>
      memref.store %squeeze3A_247, %arg15[%swap3A_249] : memref<32xi32, #tpu.memory_space<smem>>
      %slice3A_251 = vector.extract_strided_slice %get3A_98 {offsets = [15], sizes = [1], strides = [1]} : vector<16xi32> to vector<1xi32>
      %squeeze3A_252 = vector.extract %slice3A_251[0] : i32 from vector<1xi32>
      %swap3A_253 = arith.constant 31 : i32
      %swap3A_254 = arith.index_cast %swap3A_253 : i32 to index
      %swap3A_255 = memref.load %arg15[%swap3A_254] : memref<32xi32, #tpu.memory_space<smem>>
      memref.store %squeeze3A_252, %arg15[%swap3A_254] : memref<32xi32, #tpu.memory_space<smem>>
      %scan3A = arith.constant 0 : i32
      %scan3A_256 = arith.constant 11 : i32
      %scan3A_257 = arith.addi %scan3A, %scan3A_256 : i32
      %scan3A_258 = arith.constant 1 : i32
      scf.for %scan3A_334 = %scan3A to %scan3A_257 step %scan3A_258  : i32 {
        %mul3A_335 = arith.constant 7 : i32
        %mul3A_336 = arith.muli %scan3A_334, %mul3A_335 : i32
        %add3A_337 = arith.constant 0 : i32
        %add3A_338 = arith.addi %mul3A_336, %add3A_337 : i32
        %dma_wait3A_339 = arith.constant 0 : i32
        %dma_wait3A_340 = arith.constant 0 : i32
        %dma_wait3A_341 = tpu.memref_slice %arg6[%dma_wait3A_339, %dma_wait3A_340] : memref<32x512xf32, #tpu.memory_space<vmem>> -> memref<32x512xf32, #tpu.memory_space<vmem>>
        %dma_wait3A_342 = arith.constant 0 : i32
        %dma_wait3A_343 = tpu.memref_slice %arg2[%mul3A_2, %dma_wait3A_342] : memref<77000x512xf32, #tpu.memory_space<hbm>> -> memref<32x512xf32, #tpu.memory_space<hbm>>
        %dma_wait3A_344 = arith.constant 0 : i32
        %dma_wait3A_345 = arith.constant 0 : i32
        %dma_wait3A_346 = tpu.memref_slice %arg6[%dma_wait3A_344, %dma_wait3A_345] : memref<32x512xf32, #tpu.memory_space<vmem>> -> memref<32x512xf32, #tpu.memory_space<vmem>>
        %dma_wait3A_347 = arith.constant 0 : i32
        %dma_wait3A_348 = tpu.memref_slice %arg2[%mul3A_2, %dma_wait3A_347] : memref<77000x512xf32, #tpu.memory_space<hbm>> -> memref<32x512xf32, #tpu.memory_space<hbm>>
        tpu.wait_dma2 semaphore(%arg16 : memref<!tpu.dma_semaphore, #tpu.memory_space<semaphore_mem>>) src(%dma_wait3A_348 : memref<32x512xf32, #tpu.memory_space<hbm>>) dst(%dma_wait3A_346 : memref<32x512xf32, #tpu.memory_space<vmem>>)
        %mul3A_349 = arith.constant 1000 : i32
        %mul3A_350 = arith.muli %add3A_338, %mul3A_349 : i32
        %add3A_351 = arith.addi %mul3A_350, %mul3A_2 : i32
        %dma_start3A_352 = arith.constant 0 : i32
        %dma_start3A_353 = arith.constant 0 : i32
        %dma_start3A_354 = tpu.memref_slice %arg6[%dma_start3A_352, %dma_start3A_353] : memref<32x512xf32, #tpu.memory_space<vmem>> -> memref<32x512xf32, #tpu.memory_space<vmem>>
        %dma_start3A_355 = arith.constant 0 : i32
        %dma_start3A_356 = tpu.memref_slice %arg5[%add3A_351, %dma_start3A_355] : memref<77000x512xf32, #tpu.memory_space<hbm>> -> memref<32x512xf32, #tpu.memory_space<hbm>>
        %dma_start3A_357 = arith.constant 0 : i32
        %dma_start3A_358 = tpu.memref_slice %arg5[%add3A_351, %dma_start3A_357] : memref<77000x512xf32, #tpu.memory_space<hbm>> -> memref<32x512xf32, #tpu.memory_space<hbm>>
        %dma_start3A_359 = arith.constant 0 : i32
        %dma_start3A_360 = arith.constant 0 : i32
        %dma_start3A_361 = tpu.memref_slice %arg6[%dma_start3A_359, %dma_start3A_360] : memref<32x512xf32, #tpu.memory_space<vmem>> -> memref<32x512xf32, #tpu.memory_space<vmem>>
        tpu.enqueue_dma source(%dma_start3A_361 : memref<32x512xf32, #tpu.memory_space<vmem>>) target(%dma_start3A_358 : memref<32x512xf32, #tpu.memory_space<hbm>>) target_semaphore(%arg23 : memref<!tpu.dma_semaphore, #tpu.memory_space<semaphore_mem>>)
        %add3A_362 = arith.constant 1 : i32
        %add3A_363 = arith.addi %scan3A_334, %add3A_362 : i32
        %lt3A_364 = arith.constant 11 : i32
        %lt3A_365 = arith.cmpi slt, %add3A_363, %lt3A_364 : i32
        %convert_element_type3A_366 = arith.extui %lt3A_365 : i1 to i32
        %cond3A_367 = arith.constant 0 : i32
        %cond3A_368 = arith.cmpi ne, %convert_element_type3A_366, %cond3A_367 : i32
        scf.if %cond3A_368 {
          %dma_wait3A_565 = arith.constant 0 : i32
          %dma_wait3A_566 = arith.constant 0 : i32
          %dma_wait3A_567 = tpu.memref_slice %arg6[%dma_wait3A_565, %dma_wait3A_566] : memref<32x512xf32, #tpu.memory_space<vmem>> -> memref<32x512xf32, #tpu.memory_space<vmem>>
          %dma_wait3A_568 = arith.constant 0 : i32
          %dma_wait3A_569 = tpu.memref_slice %arg5[%mul3A_2, %dma_wait3A_568] : memref<77000x512xf32, #tpu.memory_space<hbm>> -> memref<32x512xf32, #tpu.memory_space<hbm>>
          %dma_wait3A_570 = arith.constant 0 : i32
          %dma_wait3A_571 = tpu.memref_slice %arg5[%mul3A_2, %dma_wait3A_570] : memref<77000x512xf32, #tpu.memory_space<hbm>> -> memref<32x512xf32, #tpu.memory_space<hbm>>
          %dma_wait3A_572 = arith.constant 0 : i32
          %dma_wait3A_573 = arith.constant 0 : i32
          %dma_wait3A_574 = tpu.memref_slice %arg6[%dma_wait3A_572, %dma_wait3A_573] : memref<32x512xf32, #tpu.memory_space<vmem>> -> memref<32x512xf32, #tpu.memory_space<vmem>>
          tpu.wait_dma2 semaphore(%arg23 : memref<!tpu.dma_semaphore, #tpu.memory_space<semaphore_mem>>) src(%dma_wait3A_574 : memref<32x512xf32, #tpu.memory_space<vmem>>) dst(%dma_wait3A_571 : memref<32x512xf32, #tpu.memory_space<hbm>>)
          %add3A_575 = arith.constant 7 : i32
          %add3A_576 = arith.addi %add3A_338, %add3A_575 : i32
          %mul3A_577 = arith.constant 1000 : i32
          %mul3A_578 = arith.muli %add3A_576, %mul3A_577 : i32
          %add3A_579 = arith.addi %mul3A_578, %mul3A_2 : i32
          %dma_start3A_580 = arith.constant 0 : i32
          %dma_start3A_581 = arith.constant 0 : i32
          %dma_start3A_582 = tpu.memref_slice %arg6[%dma_start3A_580, %dma_start3A_581] : memref<32x512xf32, #tpu.memory_space<vmem>> -> memref<32x512xf32, #tpu.memory_space<vmem>>
          %dma_start3A_583 = arith.constant 0 : i32
          %dma_start3A_584 = tpu.memref_slice %arg2[%add3A_579, %dma_start3A_583] : memref<77000x512xf32, #tpu.memory_space<hbm>> -> memref<32x512xf32, #tpu.memory_space<hbm>>
          %dma_start3A_585 = arith.constant 0 : i32
          %dma_start3A_586 = arith.constant 0 : i32
          %dma_start3A_587 = tpu.memref_slice %arg6[%dma_start3A_585, %dma_start3A_586] : memref<32x512xf32, #tpu.memory_space<vmem>> -> memref<32x512xf32, #tpu.memory_space<vmem>>
          %dma_start3A_588 = arith.constant 0 : i32
          %dma_start3A_589 = tpu.memref_slice %arg2[%add3A_579, %dma_start3A_588] : memref<77000x512xf32, #tpu.memory_space<hbm>> -> memref<32x512xf32, #tpu.memory_space<hbm>>
          tpu.enqueue_dma source(%dma_start3A_589 : memref<32x512xf32, #tpu.memory_space<hbm>>) target(%dma_start3A_587 : memref<32x512xf32, #tpu.memory_space<vmem>>) target_semaphore(%arg16 : memref<!tpu.dma_semaphore, #tpu.memory_space<semaphore_mem>>)
        } else {
        }
        %add3A_369 = arith.constant 1 : i32
        %add3A_370 = arith.addi %mul3A_336, %add3A_369 : i32
        %dma_wait3A_371 = arith.constant 0 : i32
        %dma_wait3A_372 = arith.constant 0 : i32
        %dma_wait3A_373 = tpu.memref_slice %arg7[%dma_wait3A_371, %dma_wait3A_372] : memref<32x512xf32, #tpu.memory_space<vmem>> -> memref<32x512xf32, #tpu.memory_space<vmem>>
        %dma_wait3A_374 = arith.constant 0 : i32
        %dma_wait3A_375 = tpu.memref_slice %arg2[%mul3A_2, %dma_wait3A_374] : memref<77000x512xf32, #tpu.memory_space<hbm>> -> memref<32x512xf32, #tpu.memory_space<hbm>>
        %dma_wait3A_376 = arith.constant 0 : i32
        %dma_wait3A_377 = arith.constant 0 : i32
        %dma_wait3A_378 = tpu.memref_slice %arg7[%dma_wait3A_376, %dma_wait3A_377] : memref<32x512xf32, #tpu.memory_space<vmem>> -> memref<32x512xf32, #tpu.memory_space<vmem>>
        %dma_wait3A_379 = arith.constant 0 : i32
        %dma_wait3A_380 = tpu.memref_slice %arg2[%mul3A_2, %dma_wait3A_379] : memref<77000x512xf32, #tpu.memory_space<hbm>> -> memref<32x512xf32, #tpu.memory_space<hbm>>
        tpu.wait_dma2 semaphore(%arg17 : memref<!tpu.dma_semaphore, #tpu.memory_space<semaphore_mem>>) src(%dma_wait3A_380 : memref<32x512xf32, #tpu.memory_space<hbm>>) dst(%dma_wait3A_378 : memref<32x512xf32, #tpu.memory_space<vmem>>)
        %mul3A_381 = arith.constant 1000 : i32
        %mul3A_382 = arith.muli %add3A_370, %mul3A_381 : i32
        %add3A_383 = arith.addi %mul3A_382, %mul3A_2 : i32
        %dma_start3A_384 = arith.constant 0 : i32
        %dma_start3A_385 = arith.constant 0 : i32
        %dma_start3A_386 = tpu.memref_slice %arg7[%dma_start3A_384, %dma_start3A_385] : memref<32x512xf32, #tpu.memory_space<vmem>> -> memref<32x512xf32, #tpu.memory_space<vmem>>
        %dma_start3A_387 = arith.constant 0 : i32
        %dma_start3A_388 = tpu.memref_slice %arg5[%add3A_383, %dma_start3A_387] : memref<77000x512xf32, #tpu.memory_space<hbm>> -> memref<32x512xf32, #tpu.memory_space<hbm>>
        %dma_start3A_389 = arith.constant 0 : i32
        %dma_start3A_390 = tpu.memref_slice %arg5[%add3A_383, %dma_start3A_389] : memref<77000x512xf32, #tpu.memory_space<hbm>> -> memref<32x512xf32, #tpu.memory_space<hbm>>
        %dma_start3A_391 = arith.constant 0 : i32
        %dma_start3A_392 = arith.constant 0 : i32
        %dma_start3A_393 = tpu.memref_slice %arg7[%dma_start3A_391, %dma_start3A_392] : memref<32x512xf32, #tpu.memory_space<vmem>> -> memref<32x512xf32, #tpu.memory_space<vmem>>
        tpu.enqueue_dma source(%dma_start3A_393 : memref<32x512xf32, #tpu.memory_space<vmem>>) target(%dma_start3A_390 : memref<32x512xf32, #tpu.memory_space<hbm>>) target_semaphore(%arg24 : memref<!tpu.dma_semaphore, #tpu.memory_space<semaphore_mem>>)
        %add3A_394 = arith.constant 1 : i32
        %add3A_395 = arith.addi %scan3A_334, %add3A_394 : i32
        %lt3A_396 = arith.constant 11 : i32
        %lt3A_397 = arith.cmpi slt, %add3A_395, %lt3A_396 : i32
        %convert_element_type3A_398 = arith.extui %lt3A_397 : i1 to i32
        %cond3A_399 = arith.constant 0 : i32
        %cond3A_400 = arith.cmpi ne, %convert_element_type3A_398, %cond3A_399 : i32
        scf.if %cond3A_400 {
          %dma_wait3A_565 = arith.constant 0 : i32
          %dma_wait3A_566 = arith.constant 0 : i32
          %dma_wait3A_567 = tpu.memref_slice %arg7[%dma_wait3A_565, %dma_wait3A_566] : memref<32x512xf32, #tpu.memory_space<vmem>> -> memref<32x512xf32, #tpu.memory_space<vmem>>
          %dma_wait3A_568 = arith.constant 0 : i32
          %dma_wait3A_569 = tpu.memref_slice %arg5[%mul3A_2, %dma_wait3A_568] : memref<77000x512xf32, #tpu.memory_space<hbm>> -> memref<32x512xf32, #tpu.memory_space<hbm>>
          %dma_wait3A_570 = arith.constant 0 : i32
          %dma_wait3A_571 = tpu.memref_slice %arg5[%mul3A_2, %dma_wait3A_570] : memref<77000x512xf32, #tpu.memory_space<hbm>> -> memref<32x512xf32, #tpu.memory_space<hbm>>
          %dma_wait3A_572 = arith.constant 0 : i32
          %dma_wait3A_573 = arith.constant 0 : i32
          %dma_wait3A_574 = tpu.memref_slice %arg7[%dma_wait3A_572, %dma_wait3A_573] : memref<32x512xf32, #tpu.memory_space<vmem>> -> memref<32x512xf32, #tpu.memory_space<vmem>>
          tpu.wait_dma2 semaphore(%arg24 : memref<!tpu.dma_semaphore, #tpu.memory_space<semaphore_mem>>) src(%dma_wait3A_574 : memref<32x512xf32, #tpu.memory_space<vmem>>) dst(%dma_wait3A_571 : memref<32x512xf32, #tpu.memory_space<hbm>>)
          %add3A_575 = arith.constant 7 : i32
          %add3A_576 = arith.addi %add3A_370, %add3A_575 : i32
          %mul3A_577 = arith.constant 1000 : i32
          %mul3A_578 = arith.muli %add3A_576, %mul3A_577 : i32
          %add3A_579 = arith.addi %mul3A_578, %mul3A_2 : i32
          %dma_start3A_580 = arith.constant 0 : i32
          %dma_start3A_581 = arith.constant 0 : i32
          %dma_start3A_582 = tpu.memref_slice %arg7[%dma_start3A_580, %dma_start3A_581] : memref<32x512xf32, #tpu.memory_space<vmem>> -> memref<32x512xf32, #tpu.memory_space<vmem>>
          %dma_start3A_583 = arith.constant 0 : i32
          %dma_start3A_584 = tpu.memref_slice %arg2[%add3A_579, %dma_start3A_583] : memref<77000x512xf32, #tpu.memory_space<hbm>> -> memref<32x512xf32, #tpu.memory_space<hbm>>
          %dma_start3A_585 = arith.constant 0 : i32
          %dma_start3A_586 = arith.constant 0 : i32
          %dma_start3A_587 = tpu.memref_slice %arg7[%dma_start3A_585, %dma_start3A_586] : memref<32x512xf32, #tpu.memory_space<vmem>> -> memref<32x512xf32, #tpu.memory_space<vmem>>
          %dma_start3A_588 = arith.constant 0 : i32
          %dma_start3A_589 = tpu.memref_slice %arg2[%add3A_579, %dma_start3A_588] : memref<77000x512xf32, #tpu.memory_space<hbm>> -> memref<32x512xf32, #tpu.memory_space<hbm>>
          tpu.enqueue_dma source(%dma_start3A_589 : memref<32x512xf32, #tpu.memory_space<hbm>>) target(%dma_start3A_587 : memref<32x512xf32, #tpu.memory_space<vmem>>) target_semaphore(%arg17 : memref<!tpu.dma_semaphore, #tpu.memory_space<semaphore_mem>>)
        } else {
        }
        %add3A_401 = arith.constant 2 : i32
        %add3A_402 = arith.addi %mul3A_336, %add3A_401 : i32
        %dma_wait3A_403 = arith.constant 0 : i32
        %dma_wait3A_404 = arith.constant 0 : i32
        %dma_wait3A_405 = tpu.memref_slice %arg8[%dma_wait3A_403, %dma_wait3A_404] : memref<32x512xf32, #tpu.memory_space<vmem>> -> memref<32x512xf32, #tpu.memory_space<vmem>>
        %dma_wait3A_406 = arith.constant 0 : i32
        %dma_wait3A_407 = tpu.memref_slice %arg2[%mul3A_2, %dma_wait3A_406] : memref<77000x512xf32, #tpu.memory_space<hbm>> -> memref<32x512xf32, #tpu.memory_space<hbm>>
        %dma_wait3A_408 = arith.constant 0 : i32
        %dma_wait3A_409 = arith.constant 0 : i32
        %dma_wait3A_410 = tpu.memref_slice %arg8[%dma_wait3A_408, %dma_wait3A_409] : memref<32x512xf32, #tpu.memory_space<vmem>> -> memref<32x512xf32, #tpu.memory_space<vmem>>
        %dma_wait3A_411 = arith.constant 0 : i32
        %dma_wait3A_412 = tpu.memref_slice %arg2[%mul3A_2, %dma_wait3A_411] : memref<77000x512xf32, #tpu.memory_space<hbm>> -> memref<32x512xf32, #tpu.memory_space<hbm>>
        tpu.wait_dma2 semaphore(%arg18 : memref<!tpu.dma_semaphore, #tpu.memory_space<semaphore_mem>>) src(%dma_wait3A_412 : memref<32x512xf32, #tpu.memory_space<hbm>>) dst(%dma_wait3A_410 : memref<32x512xf32, #tpu.memory_space<vmem>>)
        %mul3A_413 = arith.constant 1000 : i32
        %mul3A_414 = arith.muli %add3A_402, %mul3A_413 : i32
        %add3A_415 = arith.addi %mul3A_414, %mul3A_2 : i32
        %dma_start3A_416 = arith.constant 0 : i32
        %dma_start3A_417 = arith.constant 0 : i32
        %dma_start3A_418 = tpu.memref_slice %arg8[%dma_start3A_416, %dma_start3A_417] : memref<32x512xf32, #tpu.memory_space<vmem>> -> memref<32x512xf32, #tpu.memory_space<vmem>>
        %dma_start3A_419 = arith.constant 0 : i32
        %dma_start3A_420 = tpu.memref_slice %arg5[%add3A_415, %dma_start3A_419] : memref<77000x512xf32, #tpu.memory_space<hbm>> -> memref<32x512xf32, #tpu.memory_space<hbm>>
        %dma_start3A_421 = arith.constant 0 : i32
        %dma_start3A_422 = tpu.memref_slice %arg5[%add3A_415, %dma_start3A_421] : memref<77000x512xf32, #tpu.memory_space<hbm>> -> memref<32x512xf32, #tpu.memory_space<hbm>>
        %dma_start3A_423 = arith.constant 0 : i32
        %dma_start3A_424 = arith.constant 0 : i32
        %dma_start3A_425 = tpu.memref_slice %arg8[%dma_start3A_423, %dma_start3A_424] : memref<32x512xf32, #tpu.memory_space<vmem>> -> memref<32x512xf32, #tpu.memory_space<vmem>>
        tpu.enqueue_dma source(%dma_start3A_425 : memref<32x512xf32, #tpu.memory_space<vmem>>) target(%dma_start3A_422 : memref<32x512xf32, #tpu.memory_space<hbm>>) target_semaphore(%arg25 : memref<!tpu.dma_semaphore, #tpu.memory_space<semaphore_mem>>)
        %add3A_426 = arith.constant 1 : i32
        %add3A_427 = arith.addi %scan3A_334, %add3A_426 : i32
        %lt3A_428 = arith.constant 11 : i32
        %lt3A_429 = arith.cmpi slt, %add3A_427, %lt3A_428 : i32
        %convert_element_type3A_430 = arith.extui %lt3A_429 : i1 to i32
        %cond3A_431 = arith.constant 0 : i32
        %cond3A_432 = arith.cmpi ne, %convert_element_type3A_430, %cond3A_431 : i32
        scf.if %cond3A_432 {
          %dma_wait3A_565 = arith.constant 0 : i32
          %dma_wait3A_566 = arith.constant 0 : i32
          %dma_wait3A_567 = tpu.memref_slice %arg8[%dma_wait3A_565, %dma_wait3A_566] : memref<32x512xf32, #tpu.memory_space<vmem>> -> memref<32x512xf32, #tpu.memory_space<vmem>>
          %dma_wait3A_568 = arith.constant 0 : i32
          %dma_wait3A_569 = tpu.memref_slice %arg5[%mul3A_2, %dma_wait3A_568] : memref<77000x512xf32, #tpu.memory_space<hbm>> -> memref<32x512xf32, #tpu.memory_space<hbm>>
          %dma_wait3A_570 = arith.constant 0 : i32
          %dma_wait3A_571 = tpu.memref_slice %arg5[%mul3A_2, %dma_wait3A_570] : memref<77000x512xf32, #tpu.memory_space<hbm>> -> memref<32x512xf32, #tpu.memory_space<hbm>>
          %dma_wait3A_572 = arith.constant 0 : i32
          %dma_wait3A_573 = arith.constant 0 : i32
          %dma_wait3A_574 = tpu.memref_slice %arg8[%dma_wait3A_572, %dma_wait3A_573] : memref<32x512xf32, #tpu.memory_space<vmem>> -> memref<32x512xf32, #tpu.memory_space<vmem>>
          tpu.wait_dma2 semaphore(%arg25 : memref<!tpu.dma_semaphore, #tpu.memory_space<semaphore_mem>>) src(%dma_wait3A_574 : memref<32x512xf32, #tpu.memory_space<vmem>>) dst(%dma_wait3A_571 : memref<32x512xf32, #tpu.memory_space<hbm>>)
          %add3A_575 = arith.constant 7 : i32
          %add3A_576 = arith.addi %add3A_402, %add3A_575 : i32
          %mul3A_577 = arith.constant 1000 : i32
          %mul3A_578 = arith.muli %add3A_576, %mul3A_577 : i32
          %add3A_579 = arith.addi %mul3A_578, %mul3A_2 : i32
          %dma_start3A_580 = arith.constant 0 : i32
          %dma_start3A_581 = arith.constant 0 : i32
          %dma_start3A_582 = tpu.memref_slice %arg8[%dma_start3A_580, %dma_start3A_581] : memref<32x512xf32, #tpu.memory_space<vmem>> -> memref<32x512xf32, #tpu.memory_space<vmem>>
          %dma_start3A_583 = arith.constant 0 : i32
          %dma_start3A_584 = tpu.memref_slice %arg2[%add3A_579, %dma_start3A_583] : memref<77000x512xf32, #tpu.memory_space<hbm>> -> memref<32x512xf32, #tpu.memory_space<hbm>>
          %dma_start3A_585 = arith.constant 0 : i32
          %dma_start3A_586 = arith.constant 0 : i32
          %dma_start3A_587 = tpu.memref_slice %arg8[%dma_start3A_585, %dma_start3A_586] : memref<32x512xf32, #tpu.memory_space<vmem>> -> memref<32x512xf32, #tpu.memory_space<vmem>>
          %dma_start3A_588 = arith.constant 0 : i32
          %dma_start3A_589 = tpu.memref_slice %arg2[%add3A_579, %dma_start3A_588] : memref<77000x512xf32, #tpu.memory_space<hbm>> -> memref<32x512xf32, #tpu.memory_space<hbm>>
          tpu.enqueue_dma source(%dma_start3A_589 : memref<32x512xf32, #tpu.memory_space<hbm>>) target(%dma_start3A_587 : memref<32x512xf32, #tpu.memory_space<vmem>>) target_semaphore(%arg18 : memref<!tpu.dma_semaphore, #tpu.memory_space<semaphore_mem>>)
        } else {
        }
        %add3A_433 = arith.constant 3 : i32
        %add3A_434 = arith.addi %mul3A_336, %add3A_433 : i32
        %dma_wait3A_435 = arith.constant 0 : i32
        %dma_wait3A_436 = arith.constant 0 : i32
        %dma_wait3A_437 = tpu.memref_slice %arg9[%dma_wait3A_435, %dma_wait3A_436] : memref<32x512xf32, #tpu.memory_space<vmem>> -> memref<32x512xf32, #tpu.memory_space<vmem>>
        %dma_wait3A_438 = arith.constant 0 : i32
        %dma_wait3A_439 = tpu.memref_slice %arg2[%mul3A_2, %dma_wait3A_438] : memref<77000x512xf32, #tpu.memory_space<hbm>> -> memref<32x512xf32, #tpu.memory_space<hbm>>
        %dma_wait3A_440 = arith.constant 0 : i32
        %dma_wait3A_441 = arith.constant 0 : i32
        %dma_wait3A_442 = tpu.memref_slice %arg9[%dma_wait3A_440, %dma_wait3A_441] : memref<32x512xf32, #tpu.memory_space<vmem>> -> memref<32x512xf32, #tpu.memory_space<vmem>>
        %dma_wait3A_443 = arith.constant 0 : i32
        %dma_wait3A_444 = tpu.memref_slice %arg2[%mul3A_2, %dma_wait3A_443] : memref<77000x512xf32, #tpu.memory_space<hbm>> -> memref<32x512xf32, #tpu.memory_space<hbm>>
        tpu.wait_dma2 semaphore(%arg19 : memref<!tpu.dma_semaphore, #tpu.memory_space<semaphore_mem>>) src(%dma_wait3A_444 : memref<32x512xf32, #tpu.memory_space<hbm>>) dst(%dma_wait3A_442 : memref<32x512xf32, #tpu.memory_space<vmem>>)
        %mul3A_445 = arith.constant 1000 : i32
        %mul3A_446 = arith.muli %add3A_434, %mul3A_445 : i32
        %add3A_447 = arith.addi %mul3A_446, %mul3A_2 : i32
        %dma_start3A_448 = arith.constant 0 : i32
        %dma_start3A_449 = arith.constant 0 : i32
        %dma_start3A_450 = tpu.memref_slice %arg9[%dma_start3A_448, %dma_start3A_449] : memref<32x512xf32, #tpu.memory_space<vmem>> -> memref<32x512xf32, #tpu.memory_space<vmem>>
        %dma_start3A_451 = arith.constant 0 : i32
        %dma_start3A_452 = tpu.memref_slice %arg5[%add3A_447, %dma_start3A_451] : memref<77000x512xf32, #tpu.memory_space<hbm>> -> memref<32x512xf32, #tpu.memory_space<hbm>>
        %dma_start3A_453 = arith.constant 0 : i32
        %dma_start3A_454 = tpu.memref_slice %arg5[%add3A_447, %dma_start3A_453] : memref<77000x512xf32, #tpu.memory_space<hbm>> -> memref<32x512xf32, #tpu.memory_space<hbm>>
        %dma_start3A_455 = arith.constant 0 : i32
        %dma_start3A_456 = arith.constant 0 : i32
        %dma_start3A_457 = tpu.memref_slice %arg9[%dma_start3A_455, %dma_start3A_456] : memref<32x512xf32, #tpu.memory_space<vmem>> -> memref<32x512xf32, #tpu.memory_space<vmem>>
        tpu.enqueue_dma source(%dma_start3A_457 : memref<32x512xf32, #tpu.memory_space<vmem>>) target(%dma_start3A_454 : memref<32x512xf32, #tpu.memory_space<hbm>>) target_semaphore(%arg26 : memref<!tpu.dma_semaphore, #tpu.memory_space<semaphore_mem>>)
        %add3A_458 = arith.constant 1 : i32
        %add3A_459 = arith.addi %scan3A_334, %add3A_458 : i32
        %lt3A_460 = arith.constant 11 : i32
        %lt3A_461 = arith.cmpi slt, %add3A_459, %lt3A_460 : i32
        %convert_element_type3A_462 = arith.extui %lt3A_461 : i1 to i32
        %cond3A_463 = arith.constant 0 : i32
        %cond3A_464 = arith.cmpi ne, %convert_element_type3A_462, %cond3A_463 : i32
        scf.if %cond3A_464 {
          %dma_wait3A_565 = arith.constant 0 : i32
          %dma_wait3A_566 = arith.constant 0 : i32
          %dma_wait3A_567 = tpu.memref_slice %arg9[%dma_wait3A_565, %dma_wait3A_566] : memref<32x512xf32, #tpu.memory_space<vmem>> -> memref<32x512xf32, #tpu.memory_space<vmem>>
          %dma_wait3A_568 = arith.constant 0 : i32
          %dma_wait3A_569 = tpu.memref_slice %arg5[%mul3A_2, %dma_wait3A_568] : memref<77000x512xf32, #tpu.memory_space<hbm>> -> memref<32x512xf32, #tpu.memory_space<hbm>>
          %dma_wait3A_570 = arith.constant 0 : i32
          %dma_wait3A_571 = tpu.memref_slice %arg5[%mul3A_2, %dma_wait3A_570] : memref<77000x512xf32, #tpu.memory_space<hbm>> -> memref<32x512xf32, #tpu.memory_space<hbm>>
          %dma_wait3A_572 = arith.constant 0 : i32
          %dma_wait3A_573 = arith.constant 0 : i32
          %dma_wait3A_574 = tpu.memref_slice %arg9[%dma_wait3A_572, %dma_wait3A_573] : memref<32x512xf32, #tpu.memory_space<vmem>> -> memref<32x512xf32, #tpu.memory_space<vmem>>
          tpu.wait_dma2 semaphore(%arg26 : memref<!tpu.dma_semaphore, #tpu.memory_space<semaphore_mem>>) src(%dma_wait3A_574 : memref<32x512xf32, #tpu.memory_space<vmem>>) dst(%dma_wait3A_571 : memref<32x512xf32, #tpu.memory_space<hbm>>)
          %add3A_575 = arith.constant 7 : i32
          %add3A_576 = arith.addi %add3A_434, %add3A_575 : i32
          %mul3A_577 = arith.constant 1000 : i32
          %mul3A_578 = arith.muli %add3A_576, %mul3A_577 : i32
          %add3A_579 = arith.addi %mul3A_578, %mul3A_2 : i32
          %dma_start3A_580 = arith.constant 0 : i32
          %dma_start3A_581 = arith.constant 0 : i32
          %dma_start3A_582 = tpu.memref_slice %arg9[%dma_start3A_580, %dma_start3A_581] : memref<32x512xf32, #tpu.memory_space<vmem>> -> memref<32x512xf32, #tpu.memory_space<vmem>>
          %dma_start3A_583 = arith.constant 0 : i32
          %dma_start3A_584 = tpu.memref_slice %arg2[%add3A_579, %dma_start3A_583] : memref<77000x512xf32, #tpu.memory_space<hbm>> -> memref<32x512xf32, #tpu.memory_space<hbm>>
          %dma_start3A_585 = arith.constant 0 : i32
          %dma_start3A_586 = arith.constant 0 : i32
          %dma_start3A_587 = tpu.memref_slice %arg9[%dma_start3A_585, %dma_start3A_586] : memref<32x512xf32, #tpu.memory_space<vmem>> -> memref<32x512xf32, #tpu.memory_space<vmem>>
          %dma_start3A_588 = arith.constant 0 : i32
          %dma_start3A_589 = tpu.memref_slice %arg2[%add3A_579, %dma_start3A_588] : memref<77000x512xf32, #tpu.memory_space<hbm>> -> memref<32x512xf32, #tpu.memory_space<hbm>>
          tpu.enqueue_dma source(%dma_start3A_589 : memref<32x512xf32, #tpu.memory_space<hbm>>) target(%dma_start3A_587 : memref<32x512xf32, #tpu.memory_space<vmem>>) target_semaphore(%arg19 : memref<!tpu.dma_semaphore, #tpu.memory_space<semaphore_mem>>)
        } else {
        }
        %add3A_465 = arith.constant 4 : i32
        %add3A_466 = arith.addi %mul3A_336, %add3A_465 : i32
        %dma_wait3A_467 = arith.constant 0 : i32
        %dma_wait3A_468 = arith.constant 0 : i32
        %dma_wait3A_469 = tpu.memref_slice %arg10[%dma_wait3A_467, %dma_wait3A_468] : memref<32x512xf32, #tpu.memory_space<vmem>> -> memref<32x512xf32, #tpu.memory_space<vmem>>
        %dma_wait3A_470 = arith.constant 0 : i32
        %dma_wait3A_471 = tpu.memref_slice %arg2[%mul3A_2, %dma_wait3A_470] : memref<77000x512xf32, #tpu.memory_space<hbm>> -> memref<32x512xf32, #tpu.memory_space<hbm>>
        %dma_wait3A_472 = arith.constant 0 : i32
        %dma_wait3A_473 = arith.constant 0 : i32
        %dma_wait3A_474 = tpu.memref_slice %arg10[%dma_wait3A_472, %dma_wait3A_473] : memref<32x512xf32, #tpu.memory_space<vmem>> -> memref<32x512xf32, #tpu.memory_space<vmem>>
        %dma_wait3A_475 = arith.constant 0 : i32
        %dma_wait3A_476 = tpu.memref_slice %arg2[%mul3A_2, %dma_wait3A_475] : memref<77000x512xf32, #tpu.memory_space<hbm>> -> memref<32x512xf32, #tpu.memory_space<hbm>>
        tpu.wait_dma2 semaphore(%arg20 : memref<!tpu.dma_semaphore, #tpu.memory_space<semaphore_mem>>) src(%dma_wait3A_476 : memref<32x512xf32, #tpu.memory_space<hbm>>) dst(%dma_wait3A_474 : memref<32x512xf32, #tpu.memory_space<vmem>>)
        %mul3A_477 = arith.constant 1000 : i32
        %mul3A_478 = arith.muli %add3A_466, %mul3A_477 : i32
        %add3A_479 = arith.addi %mul3A_478, %mul3A_2 : i32
        %dma_start3A_480 = arith.constant 0 : i32
        %dma_start3A_481 = arith.constant 0 : i32
        %dma_start3A_482 = tpu.memref_slice %arg10[%dma_start3A_480, %dma_start3A_481] : memref<32x512xf32, #tpu.memory_space<vmem>> -> memref<32x512xf32, #tpu.memory_space<vmem>>
        %dma_start3A_483 = arith.constant 0 : i32
        %dma_start3A_484 = tpu.memref_slice %arg5[%add3A_479, %dma_start3A_483] : memref<77000x512xf32, #tpu.memory_space<hbm>> -> memref<32x512xf32, #tpu.memory_space<hbm>>
        %dma_start3A_485 = arith.constant 0 : i32
        %dma_start3A_486 = tpu.memref_slice %arg5[%add3A_479, %dma_start3A_485] : memref<77000x512xf32, #tpu.memory_space<hbm>> -> memref<32x512xf32, #tpu.memory_space<hbm>>
        %dma_start3A_487 = arith.constant 0 : i32
        %dma_start3A_488 = arith.constant 0 : i32
        %dma_start3A_489 = tpu.memref_slice %arg10[%dma_start3A_487, %dma_start3A_488] : memref<32x512xf32, #tpu.memory_space<vmem>> -> memref<32x512xf32, #tpu.memory_space<vmem>>
        tpu.enqueue_dma source(%dma_start3A_489 : memref<32x512xf32, #tpu.memory_space<vmem>>) target(%dma_start3A_486 : memref<32x512xf32, #tpu.memory_space<hbm>>) target_semaphore(%arg27 : memref<!tpu.dma_semaphore, #tpu.memory_space<semaphore_mem>>)
        %add3A_490 = arith.constant 1 : i32
        %add3A_491 = arith.addi %scan3A_334, %add3A_490 : i32
        %lt3A_492 = arith.constant 11 : i32
        %lt3A_493 = arith.cmpi slt, %add3A_491, %lt3A_492 : i32
        %convert_element_type3A_494 = arith.extui %lt3A_493 : i1 to i32
        %cond3A_495 = arith.constant 0 : i32
        %cond3A_496 = arith.cmpi ne, %convert_element_type3A_494, %cond3A_495 : i32
        scf.if %cond3A_496 {
          %dma_wait3A_565 = arith.constant 0 : i32
          %dma_wait3A_566 = arith.constant 0 : i32
          %dma_wait3A_567 = tpu.memref_slice %arg10[%dma_wait3A_565, %dma_wait3A_566] : memref<32x512xf32, #tpu.memory_space<vmem>> -> memref<32x512xf32, #tpu.memory_space<vmem>>
          %dma_wait3A_568 = arith.constant 0 : i32
          %dma_wait3A_569 = tpu.memref_slice %arg5[%mul3A_2, %dma_wait3A_568] : memref<77000x512xf32, #tpu.memory_space<hbm>> -> memref<32x512xf32, #tpu.memory_space<hbm>>
          %dma_wait3A_570 = arith.constant 0 : i32
          %dma_wait3A_571 = tpu.memref_slice %arg5[%mul3A_2, %dma_wait3A_570] : memref<77000x512xf32, #tpu.memory_space<hbm>> -> memref<32x512xf32, #tpu.memory_space<hbm>>
          %dma_wait3A_572 = arith.constant 0 : i32
          %dma_wait3A_573 = arith.constant 0 : i32
          %dma_wait3A_574 = tpu.memref_slice %arg10[%dma_wait3A_572, %dma_wait3A_573] : memref<32x512xf32, #tpu.memory_space<vmem>> -> memref<32x512xf32, #tpu.memory_space<vmem>>
          tpu.wait_dma2 semaphore(%arg27 : memref<!tpu.dma_semaphore, #tpu.memory_space<semaphore_mem>>) src(%dma_wait3A_574 : memref<32x512xf32, #tpu.memory_space<vmem>>) dst(%dma_wait3A_571 : memref<32x512xf32, #tpu.memory_space<hbm>>)
          %add3A_575 = arith.constant 7 : i32
          %add3A_576 = arith.addi %add3A_466, %add3A_575 : i32
          %mul3A_577 = arith.constant 1000 : i32
          %mul3A_578 = arith.muli %add3A_576, %mul3A_577 : i32
          %add3A_579 = arith.addi %mul3A_578, %mul3A_2 : i32
          %dma_start3A_580 = arith.constant 0 : i32
          %dma_start3A_581 = arith.constant 0 : i32
          %dma_start3A_582 = tpu.memref_slice %arg10[%dma_start3A_580, %dma_start3A_581] : memref<32x512xf32, #tpu.memory_space<vmem>> -> memref<32x512xf32, #tpu.memory_space<vmem>>
          %dma_start3A_583 = arith.constant 0 : i32
          %dma_start3A_584 = tpu.memref_slice %arg2[%add3A_579, %dma_start3A_583] : memref<77000x512xf32, #tpu.memory_space<hbm>> -> memref<32x512xf32, #tpu.memory_space<hbm>>
          %dma_start3A_585 = arith.constant 0 : i32
          %dma_start3A_586 = arith.constant 0 : i32
          %dma_start3A_587 = tpu.memref_slice %arg10[%dma_start3A_585, %dma_start3A_586] : memref<32x512xf32, #tpu.memory_space<vmem>> -> memref<32x512xf32, #tpu.memory_space<vmem>>
          %dma_start3A_588 = arith.constant 0 : i32
          %dma_start3A_589 = tpu.memref_slice %arg2[%add3A_579, %dma_start3A_588] : memref<77000x512xf32, #tpu.memory_space<hbm>> -> memref<32x512xf32, #tpu.memory_space<hbm>>
          tpu.enqueue_dma source(%dma_start3A_589 : memref<32x512xf32, #tpu.memory_space<hbm>>) target(%dma_start3A_587 : memref<32x512xf32, #tpu.memory_space<vmem>>) target_semaphore(%arg20 : memref<!tpu.dma_semaphore, #tpu.memory_space<semaphore_mem>>)
        } else {
        }
        %add3A_497 = arith.constant 5 : i32
        %add3A_498 = arith.addi %mul3A_336, %add3A_497 : i32
        %dma_wait3A_499 = arith.constant 0 : i32
        %dma_wait3A_500 = arith.constant 0 : i32
        %dma_wait3A_501 = tpu.memref_slice %arg11[%dma_wait3A_499, %dma_wait3A_500] : memref<32x512xf32, #tpu.memory_space<vmem>> -> memref<32x512xf32, #tpu.memory_space<vmem>>
        %dma_wait3A_502 = arith.constant 0 : i32
        %dma_wait3A_503 = tpu.memref_slice %arg2[%mul3A_2, %dma_wait3A_502] : memref<77000x512xf32, #tpu.memory_space<hbm>> -> memref<32x512xf32, #tpu.memory_space<hbm>>
        %dma_wait3A_504 = arith.constant 0 : i32
        %dma_wait3A_505 = arith.constant 0 : i32
        %dma_wait3A_506 = tpu.memref_slice %arg11[%dma_wait3A_504, %dma_wait3A_505] : memref<32x512xf32, #tpu.memory_space<vmem>> -> memref<32x512xf32, #tpu.memory_space<vmem>>
        %dma_wait3A_507 = arith.constant 0 : i32
        %dma_wait3A_508 = tpu.memref_slice %arg2[%mul3A_2, %dma_wait3A_507] : memref<77000x512xf32, #tpu.memory_space<hbm>> -> memref<32x512xf32, #tpu.memory_space<hbm>>
        tpu.wait_dma2 semaphore(%arg21 : memref<!tpu.dma_semaphore, #tpu.memory_space<semaphore_mem>>) src(%dma_wait3A_508 : memref<32x512xf32, #tpu.memory_space<hbm>>) dst(%dma_wait3A_506 : memref<32x512xf32, #tpu.memory_space<vmem>>)
        %mul3A_509 = arith.constant 1000 : i32
        %mul3A_510 = arith.muli %add3A_498, %mul3A_509 : i32
        %add3A_511 = arith.addi %mul3A_510, %mul3A_2 : i32
        %dma_start3A_512 = arith.constant 0 : i32
        %dma_start3A_513 = arith.constant 0 : i32
        %dma_start3A_514 = tpu.memref_slice %arg11[%dma_start3A_512, %dma_start3A_513] : memref<32x512xf32, #tpu.memory_space<vmem>> -> memref<32x512xf32, #tpu.memory_space<vmem>>
        %dma_start3A_515 = arith.constant 0 : i32
        %dma_start3A_516 = tpu.memref_slice %arg5[%add3A_511, %dma_start3A_515] : memref<77000x512xf32, #tpu.memory_space<hbm>> -> memref<32x512xf32, #tpu.memory_space<hbm>>
        %dma_start3A_517 = arith.constant 0 : i32
        %dma_start3A_518 = tpu.memref_slice %arg5[%add3A_511, %dma_start3A_517] : memref<77000x512xf32, #tpu.memory_space<hbm>> -> memref<32x512xf32, #tpu.memory_space<hbm>>
        %dma_start3A_519 = arith.constant 0 : i32
        %dma_start3A_520 = arith.constant 0 : i32
        %dma_start3A_521 = tpu.memref_slice %arg11[%dma_start3A_519, %dma_start3A_520] : memref<32x512xf32, #tpu.memory_space<vmem>> -> memref<32x512xf32, #tpu.memory_space<vmem>>
        tpu.enqueue_dma source(%dma_start3A_521 : memref<32x512xf32, #tpu.memory_space<vmem>>) target(%dma_start3A_518 : memref<32x512xf32, #tpu.memory_space<hbm>>) target_semaphore(%arg28 : memref<!tpu.dma_semaphore, #tpu.memory_space<semaphore_mem>>)
        %add3A_522 = arith.constant 1 : i32
        %add3A_523 = arith.addi %scan3A_334, %add3A_522 : i32
        %lt3A_524 = arith.constant 11 : i32
        %lt3A_525 = arith.cmpi slt, %add3A_523, %lt3A_524 : i32
        %convert_element_type3A_526 = arith.extui %lt3A_525 : i1 to i32
        %cond3A_527 = arith.constant 0 : i32
        %cond3A_528 = arith.cmpi ne, %convert_element_type3A_526, %cond3A_527 : i32
        scf.if %cond3A_528 {
          %dma_wait3A_565 = arith.constant 0 : i32
          %dma_wait3A_566 = arith.constant 0 : i32
          %dma_wait3A_567 = tpu.memref_slice %arg11[%dma_wait3A_565, %dma_wait3A_566] : memref<32x512xf32, #tpu.memory_space<vmem>> -> memref<32x512xf32, #tpu.memory_space<vmem>>
          %dma_wait3A_568 = arith.constant 0 : i32
          %dma_wait3A_569 = tpu.memref_slice %arg5[%mul3A_2, %dma_wait3A_568] : memref<77000x512xf32, #tpu.memory_space<hbm>> -> memref<32x512xf32, #tpu.memory_space<hbm>>
          %dma_wait3A_570 = arith.constant 0 : i32
          %dma_wait3A_571 = tpu.memref_slice %arg5[%mul3A_2, %dma_wait3A_570] : memref<77000x512xf32, #tpu.memory_space<hbm>> -> memref<32x512xf32, #tpu.memory_space<hbm>>
          %dma_wait3A_572 = arith.constant 0 : i32
          %dma_wait3A_573 = arith.constant 0 : i32
          %dma_wait3A_574 = tpu.memref_slice %arg11[%dma_wait3A_572, %dma_wait3A_573] : memref<32x512xf32, #tpu.memory_space<vmem>> -> memref<32x512xf32, #tpu.memory_space<vmem>>
          tpu.wait_dma2 semaphore(%arg28 : memref<!tpu.dma_semaphore, #tpu.memory_space<semaphore_mem>>) src(%dma_wait3A_574 : memref<32x512xf32, #tpu.memory_space<vmem>>) dst(%dma_wait3A_571 : memref<32x512xf32, #tpu.memory_space<hbm>>)
          %add3A_575 = arith.constant 7 : i32
          %add3A_576 = arith.addi %add3A_498, %add3A_575 : i32
          %mul3A_577 = arith.constant 1000 : i32
          %mul3A_578 = arith.muli %add3A_576, %mul3A_577 : i32
          %add3A_579 = arith.addi %mul3A_578, %mul3A_2 : i32
          %dma_start3A_580 = arith.constant 0 : i32
          %dma_start3A_581 = arith.constant 0 : i32
          %dma_start3A_582 = tpu.memref_slice %arg11[%dma_start3A_580, %dma_start3A_581] : memref<32x512xf32, #tpu.memory_space<vmem>> -> memref<32x512xf32, #tpu.memory_space<vmem>>
          %dma_start3A_583 = arith.constant 0 : i32
          %dma_start3A_584 = tpu.memref_slice %arg2[%add3A_579, %dma_start3A_583] : memref<77000x512xf32, #tpu.memory_space<hbm>> -> memref<32x512xf32, #tpu.memory_space<hbm>>
          %dma_start3A_585 = arith.constant 0 : i32
          %dma_start3A_586 = arith.constant 0 : i32
          %dma_start3A_587 = tpu.memref_slice %arg11[%dma_start3A_585, %dma_start3A_586] : memref<32x512xf32, #tpu.memory_space<vmem>> -> memref<32x512xf32, #tpu.memory_space<vmem>>
          %dma_start3A_588 = arith.constant 0 : i32
          %dma_start3A_589 = tpu.memref_slice %arg2[%add3A_579, %dma_start3A_588] : memref<77000x512xf32, #tpu.memory_space<hbm>> -> memref<32x512xf32, #tpu.memory_space<hbm>>
          tpu.enqueue_dma source(%dma_start3A_589 : memref<32x512xf32, #tpu.memory_space<hbm>>) target(%dma_start3A_587 : memref<32x512xf32, #tpu.memory_space<vmem>>) target_semaphore(%arg21 : memref<!tpu.dma_semaphore, #tpu.memory_space<semaphore_mem>>)
        } else {
        }
        %add3A_529 = arith.constant 6 : i32
        %add3A_530 = arith.addi %mul3A_336, %add3A_529 : i32
        %dma_wait3A_531 = arith.constant 0 : i32
        %dma_wait3A_532 = arith.constant 0 : i32
        %dma_wait3A_533 = tpu.memref_slice %arg12[%dma_wait3A_531, %dma_wait3A_532] : memref<32x512xf32, #tpu.memory_space<vmem>> -> memref<32x512xf32, #tpu.memory_space<vmem>>
        %dma_wait3A_534 = arith.constant 0 : i32
        %dma_wait3A_535 = tpu.memref_slice %arg2[%mul3A_2, %dma_wait3A_534] : memref<77000x512xf32, #tpu.memory_space<hbm>> -> memref<32x512xf32, #tpu.memory_space<hbm>>
        %dma_wait3A_536 = arith.constant 0 : i32
        %dma_wait3A_537 = arith.constant 0 : i32
        %dma_wait3A_538 = tpu.memref_slice %arg12[%dma_wait3A_536, %dma_wait3A_537] : memref<32x512xf32, #tpu.memory_space<vmem>> -> memref<32x512xf32, #tpu.memory_space<vmem>>
        %dma_wait3A_539 = arith.constant 0 : i32
        %dma_wait3A_540 = tpu.memref_slice %arg2[%mul3A_2, %dma_wait3A_539] : memref<77000x512xf32, #tpu.memory_space<hbm>> -> memref<32x512xf32, #tpu.memory_space<hbm>>
        tpu.wait_dma2 semaphore(%arg22 : memref<!tpu.dma_semaphore, #tpu.memory_space<semaphore_mem>>) src(%dma_wait3A_540 : memref<32x512xf32, #tpu.memory_space<hbm>>) dst(%dma_wait3A_538 : memref<32x512xf32, #tpu.memory_space<vmem>>)
        %mul3A_541 = arith.constant 1000 : i32
        %mul3A_542 = arith.muli %add3A_530, %mul3A_541 : i32
        %add3A_543 = arith.addi %mul3A_542, %mul3A_2 : i32
        %dma_start3A_544 = arith.constant 0 : i32
        %dma_start3A_545 = arith.constant 0 : i32
        %dma_start3A_546 = tpu.memref_slice %arg12[%dma_start3A_544, %dma_start3A_545] : memref<32x512xf32, #tpu.memory_space<vmem>> -> memref<32x512xf32, #tpu.memory_space<vmem>>
        %dma_start3A_547 = arith.constant 0 : i32
        %dma_start3A_548 = tpu.memref_slice %arg5[%add3A_543, %dma_start3A_547] : memref<77000x512xf32, #tpu.memory_space<hbm>> -> memref<32x512xf32, #tpu.memory_space<hbm>>
        %dma_start3A_549 = arith.constant 0 : i32
        %dma_start3A_550 = tpu.memref_slice %arg5[%add3A_543, %dma_start3A_549] : memref<77000x512xf32, #tpu.memory_space<hbm>> -> memref<32x512xf32, #tpu.memory_space<hbm>>
        %dma_start3A_551 = arith.constant 0 : i32
        %dma_start3A_552 = arith.constant 0 : i32
        %dma_start3A_553 = tpu.memref_slice %arg12[%dma_start3A_551, %dma_start3A_552] : memref<32x512xf32, #tpu.memory_space<vmem>> -> memref<32x512xf32, #tpu.memory_space<vmem>>
        tpu.enqueue_dma source(%dma_start3A_553 : memref<32x512xf32, #tpu.memory_space<vmem>>) target(%dma_start3A_550 : memref<32x512xf32, #tpu.memory_space<hbm>>) target_semaphore(%arg29 : memref<!tpu.dma_semaphore, #tpu.memory_space<semaphore_mem>>)
        %add3A_554 = arith.constant 1 : i32
        %add3A_555 = arith.addi %scan3A_334, %add3A_554 : i32
        %lt3A_556 = arith.constant 11 : i32
        %lt3A_557 = arith.cmpi slt, %add3A_555, %lt3A_556 : i32
        %convert_element_type3A_558 = arith.extui %lt3A_557 : i1 to i32
        %cond3A_559 = arith.constant 0 : i32
        %cond3A_560 = arith.cmpi ne, %convert_element_type3A_558, %cond3A_559 : i32
        scf.if %cond3A_560 {
          %dma_wait3A_565 = arith.constant 0 : i32
          %dma_wait3A_566 = arith.constant 0 : i32
          %dma_wait3A_567 = tpu.memref_slice %arg12[%dma_wait3A_565, %dma_wait3A_566] : memref<32x512xf32, #tpu.memory_space<vmem>> -> memref<32x512xf32, #tpu.memory_space<vmem>>
          %dma_wait3A_568 = arith.constant 0 : i32
          %dma_wait3A_569 = tpu.memref_slice %arg5[%mul3A_2, %dma_wait3A_568] : memref<77000x512xf32, #tpu.memory_space<hbm>> -> memref<32x512xf32, #tpu.memory_space<hbm>>
          %dma_wait3A_570 = arith.constant 0 : i32
          %dma_wait3A_571 = tpu.memref_slice %arg5[%mul3A_2, %dma_wait3A_570] : memref<77000x512xf32, #tpu.memory_space<hbm>> -> memref<32x512xf32, #tpu.memory_space<hbm>>
          %dma_wait3A_572 = arith.constant 0 : i32
          %dma_wait3A_573 = arith.constant 0 : i32
          %dma_wait3A_574 = tpu.memref_slice %arg12[%dma_wait3A_572, %dma_wait3A_573] : memref<32x512xf32, #tpu.memory_space<vmem>> -> memref<32x512xf32, #tpu.memory_space<vmem>>
          tpu.wait_dma2 semaphore(%arg29 : memref<!tpu.dma_semaphore, #tpu.memory_space<semaphore_mem>>) src(%dma_wait3A_574 : memref<32x512xf32, #tpu.memory_space<vmem>>) dst(%dma_wait3A_571 : memref<32x512xf32, #tpu.memory_space<hbm>>)
          %add3A_575 = arith.constant 7 : i32
          %add3A_576 = arith.addi %add3A_530, %add3A_575 : i32
          %mul3A_577 = arith.constant 1000 : i32
          %mul3A_578 = arith.muli %add3A_576, %mul3A_577 : i32
          %add3A_579 = arith.addi %mul3A_578, %mul3A_2 : i32
          %dma_start3A_580 = arith.constant 0 : i32
          %dma_start3A_581 = arith.constant 0 : i32
          %dma_start3A_582 = tpu.memref_slice %arg12[%dma_start3A_580, %dma_start3A_581] : memref<32x512xf32, #tpu.memory_space<vmem>> -> memref<32x512xf32, #tpu.memory_space<vmem>>
          %dma_start3A_583 = arith.constant 0 : i32
          %dma_start3A_584 = tpu.memref_slice %arg2[%add3A_579, %dma_start3A_583] : memref<77000x512xf32, #tpu.memory_space<hbm>> -> memref<32x512xf32, #tpu.memory_space<hbm>>
          %dma_start3A_585 = arith.constant 0 : i32
          %dma_start3A_586 = arith.constant 0 : i32
          %dma_start3A_587 = tpu.memref_slice %arg12[%dma_start3A_585, %dma_start3A_586] : memref<32x512xf32, #tpu.memory_space<vmem>> -> memref<32x512xf32, #tpu.memory_space<vmem>>
          %dma_start3A_588 = arith.constant 0 : i32
          %dma_start3A_589 = tpu.memref_slice %arg2[%add3A_579, %dma_start3A_588] : memref<77000x512xf32, #tpu.memory_space<hbm>> -> memref<32x512xf32, #tpu.memory_space<hbm>>
          tpu.enqueue_dma source(%dma_start3A_589 : memref<32x512xf32, #tpu.memory_space<hbm>>) target(%dma_start3A_587 : memref<32x512xf32, #tpu.memory_space<vmem>>) target_semaphore(%arg22 : memref<!tpu.dma_semaphore, #tpu.memory_space<semaphore_mem>>)
        } else {
        }
        %eq3A = arith.constant 6 : i32
        %eq3A_561 = arith.cmpi eq, %scan3A_334, %eq3A : i32
        %convert_element_type3A_562 = arith.extui %eq3A_561 : i1 to i32
        %cond3A_563 = arith.constant 0 : i32
        %cond3A_564 = arith.cmpi ne, %convert_element_type3A_562, %cond3A_563 : i32
        scf.if %cond3A_564 {
          %scan3A_565 = arith.constant 0 : i32
          %scan3A_566 = arith.constant 32 : i32
          %scan3A_567 = arith.addi %scan3A_565, %scan3A_566 : i32
          %scan3A_568 = arith.constant 1 : i32
          scf.for %scan3A_570 = %scan3A_565 to %scan3A_567 step %scan3A_568  : i32 {
            %get3A_571 = arith.index_cast %scan3A_570 : i32 to index
            %get3A_572 = memref.load %arg15[%get3A_571] : memref<32xi32, #tpu.memory_space<smem>>
            %add3A_573 = vector.broadcast %get3A_572 : i32 to vector<16xi32>
            %add3A_574 = arith.addi %add3A_573, %iota3A : vector<16xi32>
            %mul3A_575 = arith.constant 1000 : i32
            %mul3A_576 = vector.broadcast %mul3A_575 : i32 to vector<16xi32>
            %mul3A_577 = arith.muli %add3A_574, %mul3A_576 : vector<16xi32>
            %add3A_578 = arith.addi %mul3A_2, %scan3A_570 : i32
            %add3A_579 = vector.broadcast %add3A_578 : i32 to vector<16xi32>
            %add3A_580 = arith.addi %mul3A_577, %add3A_579 : vector<16xi32>
            %dma_start3A_581 = arith.constant 0 : i32
            %dma_start3A_582 = arith.constant 0 : i32
            %dma_start3A_583 = tpu.memref_slice %arg5[%dma_start3A_581, %dma_start3A_582] : memref<77000x512xf32, #tpu.memory_space<hbm>> -> memref<77000x512xf32, #tpu.memory_space<hbm>>
            tpu.enqueue_indirect_dma source(%arg13 : memref<16x512xf32, #tpu.memory_space<vmem>>) target(%dma_start3A_583 : memref<77000x512xf32, #tpu.memory_space<hbm>>) offsets(%add3A_580 : vector<16xi32>) semaphore(%arg30 : memref<!tpu.dma_semaphore, #tpu.memory_space<semaphore_mem>>)
          }
          %scan3A_569 = arith.constant 32 : i32
        } else {
        }
      }
      %scan3A_259 = arith.constant 11 : i32
      %dma_wait3A = arith.constant 0 : i32
      %dma_wait3A_260 = arith.constant 0 : i32
      %dma_wait3A_261 = tpu.memref_slice %arg6[%dma_wait3A, %dma_wait3A_260] : memref<32x512xf32, #tpu.memory_space<vmem>> -> memref<32x512xf32, #tpu.memory_space<vmem>>
      %dma_wait3A_262 = arith.constant 0 : i32
      %dma_wait3A_263 = tpu.memref_slice %arg5[%mul3A_2, %dma_wait3A_262] : memref<77000x512xf32, #tpu.memory_space<hbm>> -> memref<32x512xf32, #tpu.memory_space<hbm>>
      %dma_wait3A_264 = arith.constant 0 : i32
      %dma_wait3A_265 = tpu.memref_slice %arg5[%mul3A_2, %dma_wait3A_264] : memref<77000x512xf32, #tpu.memory_space<hbm>> -> memref<32x512xf32, #tpu.memory_space<hbm>>
      %dma_wait3A_266 = arith.constant 0 : i32
      %dma_wait3A_267 = arith.constant 0 : i32
      %dma_wait3A_268 = tpu.memref_slice %arg6[%dma_wait3A_266, %dma_wait3A_267] : memref<32x512xf32, #tpu.memory_space<vmem>> -> memref<32x512xf32, #tpu.memory_space<vmem>>
      tpu.wait_dma2 semaphore(%arg23 : memref<!tpu.dma_semaphore, #tpu.memory_space<semaphore_mem>>) src(%dma_wait3A_268 : memref<32x512xf32, #tpu.memory_space<vmem>>) dst(%dma_wait3A_265 : memref<32x512xf32, #tpu.memory_space<hbm>>)
      %dma_wait3A_269 = arith.constant 0 : i32
      %dma_wait3A_270 = arith.constant 0 : i32
      %dma_wait3A_271 = tpu.memref_slice %arg7[%dma_wait3A_269, %dma_wait3A_270] : memref<32x512xf32, #tpu.memory_space<vmem>> -> memref<32x512xf32, #tpu.memory_space<vmem>>
      %dma_wait3A_272 = arith.constant 0 : i32
      %dma_wait3A_273 = tpu.memref_slice %arg5[%mul3A_2, %dma_wait3A_272] : memref<77000x512xf32, #tpu.memory_space<hbm>> -> memref<32x512xf32, #tpu.memory_space<hbm>>
      %dma_wait3A_274 = arith.constant 0 : i32
      %dma_wait3A_275 = tpu.memref_slice %arg5[%mul3A_2, %dma_wait3A_274] : memref<77000x512xf32, #tpu.memory_space<hbm>> -> memref<32x512xf32, #tpu.memory_space<hbm>>
      %dma_wait3A_276 = arith.constant 0 : i32
      %dma_wait3A_277 = arith.constant 0 : i32
      %dma_wait3A_278 = tpu.memref_slice %arg7[%dma_wait3A_276, %dma_wait3A_277] : memref<32x512xf32, #tpu.memory_space<vmem>> -> memref<32x512xf32, #tpu.memory_space<vmem>>
      tpu.wait_dma2 semaphore(%arg24 : memref<!tpu.dma_semaphore, #tpu.memory_space<semaphore_mem>>) src(%dma_wait3A_278 : memref<32x512xf32, #tpu.memory_space<vmem>>) dst(%dma_wait3A_275 : memref<32x512xf32, #tpu.memory_space<hbm>>)
      %dma_wait3A_279 = arith.constant 0 : i32
      %dma_wait3A_280 = arith.constant 0 : i32
      %dma_wait3A_281 = tpu.memref_slice %arg8[%dma_wait3A_279, %dma_wait3A_280] : memref<32x512xf32, #tpu.memory_space<vmem>> -> memref<32x512xf32, #tpu.memory_space<vmem>>
      %dma_wait3A_282 = arith.constant 0 : i32
      %dma_wait3A_283 = tpu.memref_slice %arg5[%mul3A_2, %dma_wait3A_282] : memref<77000x512xf32, #tpu.memory_space<hbm>> -> memref<32x512xf32, #tpu.memory_space<hbm>>
      %dma_wait3A_284 = arith.constant 0 : i32
      %dma_wait3A_285 = tpu.memref_slice %arg5[%mul3A_2, %dma_wait3A_284] : memref<77000x512xf32, #tpu.memory_space<hbm>> -> memref<32x512xf32, #tpu.memory_space<hbm>>
      %dma_wait3A_286 = arith.constant 0 : i32
      %dma_wait3A_287 = arith.constant 0 : i32
      %dma_wait3A_288 = tpu.memref_slice %arg8[%dma_wait3A_286, %dma_wait3A_287] : memref<32x512xf32, #tpu.memory_space<vmem>> -> memref<32x512xf32, #tpu.memory_space<vmem>>
      tpu.wait_dma2 semaphore(%arg25 : memref<!tpu.dma_semaphore, #tpu.memory_space<semaphore_mem>>) src(%dma_wait3A_288 : memref<32x512xf32, #tpu.memory_space<vmem>>) dst(%dma_wait3A_285 : memref<32x512xf32, #tpu.memory_space<hbm>>)
      %dma_wait3A_289 = arith.constant 0 : i32
      %dma_wait3A_290 = arith.constant 0 : i32
      %dma_wait3A_291 = tpu.memref_slice %arg9[%dma_wait3A_289, %dma_wait3A_290] : memref<32x512xf32, #tpu.memory_space<vmem>> -> memref<32x512xf32, #tpu.memory_space<vmem>>
      %dma_wait3A_292 = arith.constant 0 : i32
      %dma_wait3A_293 = tpu.memref_slice %arg5[%mul3A_2, %dma_wait3A_292] : memref<77000x512xf32, #tpu.memory_space<hbm>> -> memref<32x512xf32, #tpu.memory_space<hbm>>
      %dma_wait3A_294 = arith.constant 0 : i32
      %dma_wait3A_295 = tpu.memref_slice %arg5[%mul3A_2, %dma_wait3A_294] : memref<77000x512xf32, #tpu.memory_space<hbm>> -> memref<32x512xf32, #tpu.memory_space<hbm>>
      %dma_wait3A_296 = arith.constant 0 : i32
      %dma_wait3A_297 = arith.constant 0 : i32
      %dma_wait3A_298 = tpu.memref_slice %arg9[%dma_wait3A_296, %dma_wait3A_297] : memref<32x512xf32, #tpu.memory_space<vmem>> -> memref<32x512xf32, #tpu.memory_space<vmem>>
      tpu.wait_dma2 semaphore(%arg26 : memref<!tpu.dma_semaphore, #tpu.memory_space<semaphore_mem>>) src(%dma_wait3A_298 : memref<32x512xf32, #tpu.memory_space<vmem>>) dst(%dma_wait3A_295 : memref<32x512xf32, #tpu.memory_space<hbm>>)
      %dma_wait3A_299 = arith.constant 0 : i32
      %dma_wait3A_300 = arith.constant 0 : i32
      %dma_wait3A_301 = tpu.memref_slice %arg10[%dma_wait3A_299, %dma_wait3A_300] : memref<32x512xf32, #tpu.memory_space<vmem>> -> memref<32x512xf32, #tpu.memory_space<vmem>>
      %dma_wait3A_302 = arith.constant 0 : i32
      %dma_wait3A_303 = tpu.memref_slice %arg5[%mul3A_2, %dma_wait3A_302] : memref<77000x512xf32, #tpu.memory_space<hbm>> -> memref<32x512xf32, #tpu.memory_space<hbm>>
      %dma_wait3A_304 = arith.constant 0 : i32
      %dma_wait3A_305 = tpu.memref_slice %arg5[%mul3A_2, %dma_wait3A_304] : memref<77000x512xf32, #tpu.memory_space<hbm>> -> memref<32x512xf32, #tpu.memory_space<hbm>>
      %dma_wait3A_306 = arith.constant 0 : i32
      %dma_wait3A_307 = arith.constant 0 : i32
      %dma_wait3A_308 = tpu.memref_slice %arg10[%dma_wait3A_306, %dma_wait3A_307] : memref<32x512xf32, #tpu.memory_space<vmem>> -> memref<32x512xf32, #tpu.memory_space<vmem>>
      tpu.wait_dma2 semaphore(%arg27 : memref<!tpu.dma_semaphore, #tpu.memory_space<semaphore_mem>>) src(%dma_wait3A_308 : memref<32x512xf32, #tpu.memory_space<vmem>>) dst(%dma_wait3A_305 : memref<32x512xf32, #tpu.memory_space<hbm>>)
      %dma_wait3A_309 = arith.constant 0 : i32
      %dma_wait3A_310 = arith.constant 0 : i32
      %dma_wait3A_311 = tpu.memref_slice %arg11[%dma_wait3A_309, %dma_wait3A_310] : memref<32x512xf32, #tpu.memory_space<vmem>> -> memref<32x512xf32, #tpu.memory_space<vmem>>
      %dma_wait3A_312 = arith.constant 0 : i32
      %dma_wait3A_313 = tpu.memref_slice %arg5[%mul3A_2, %dma_wait3A_312] : memref<77000x512xf32, #tpu.memory_space<hbm>> -> memref<32x512xf32, #tpu.memory_space<hbm>>
      %dma_wait3A_314 = arith.constant 0 : i32
      %dma_wait3A_315 = tpu.memref_slice %arg5[%mul3A_2, %dma_wait3A_314] : memref<77000x512xf32, #tpu.memory_space<hbm>> -> memref<32x512xf32, #tpu.memory_space<hbm>>
      %dma_wait3A_316 = arith.constant 0 : i32
      %dma_wait3A_317 = arith.constant 0 : i32
      %dma_wait3A_318 = tpu.memref_slice %arg11[%dma_wait3A_316, %dma_wait3A_317] : memref<32x512xf32, #tpu.memory_space<vmem>> -> memref<32x512xf32, #tpu.memory_space<vmem>>
      tpu.wait_dma2 semaphore(%arg28 : memref<!tpu.dma_semaphore, #tpu.memory_space<semaphore_mem>>) src(%dma_wait3A_318 : memref<32x512xf32, #tpu.memory_space<vmem>>) dst(%dma_wait3A_315 : memref<32x512xf32, #tpu.memory_space<hbm>>)
      %dma_wait3A_319 = arith.constant 0 : i32
      %dma_wait3A_320 = arith.constant 0 : i32
      %dma_wait3A_321 = tpu.memref_slice %arg12[%dma_wait3A_319, %dma_wait3A_320] : memref<32x512xf32, #tpu.memory_space<vmem>> -> memref<32x512xf32, #tpu.memory_space<vmem>>
      %dma_wait3A_322 = arith.constant 0 : i32
      %dma_wait3A_323 = tpu.memref_slice %arg5[%mul3A_2, %dma_wait3A_322] : memref<77000x512xf32, #tpu.memory_space<hbm>> -> memref<32x512xf32, #tpu.memory_space<hbm>>
      %dma_wait3A_324 = arith.constant 0 : i32
      %dma_wait3A_325 = tpu.memref_slice %arg5[%mul3A_2, %dma_wait3A_324] : memref<77000x512xf32, #tpu.memory_space<hbm>> -> memref<32x512xf32, #tpu.memory_space<hbm>>
      %dma_wait3A_326 = arith.constant 0 : i32
      %dma_wait3A_327 = arith.constant 0 : i32
      %dma_wait3A_328 = tpu.memref_slice %arg12[%dma_wait3A_326, %dma_wait3A_327] : memref<32x512xf32, #tpu.memory_space<vmem>> -> memref<32x512xf32, #tpu.memory_space<vmem>>
      tpu.wait_dma2 semaphore(%arg29 : memref<!tpu.dma_semaphore, #tpu.memory_space<semaphore_mem>>) src(%dma_wait3A_328 : memref<32x512xf32, #tpu.memory_space<vmem>>) dst(%dma_wait3A_325 : memref<32x512xf32, #tpu.memory_space<hbm>>)
      %scan3A_329 = arith.constant 0 : i32
      %scan3A_330 = arith.constant 32 : i32
      %scan3A_331 = arith.addi %scan3A_329, %scan3A_330 : i32
      %scan3A_332 = arith.constant 1 : i32
      scf.for %scan3A_334 = %scan3A_329 to %scan3A_331 step %scan3A_332  : i32 {
        %mul3A_335 = arith.constant 1000 : i32
        %mul3A_336 = vector.broadcast %mul3A_335 : i32 to vector<16xi32>
        %mul3A_337 = arith.muli %iota3A, %mul3A_336 : vector<16xi32>
        %dma_wait3A_338 = arith.constant 0 : i32
        %dma_wait3A_339 = arith.constant 0 : i32
        %dma_wait3A_340 = tpu.memref_slice %arg5[%dma_wait3A_338, %dma_wait3A_339] : memref<77000x512xf32, #tpu.memory_space<hbm>> -> memref<77000x512xf32, #tpu.memory_space<hbm>>
        tpu.wait_indirect_dma semaphore(%arg30 : memref<!tpu.dma_semaphore, #tpu.memory_space<semaphore_mem>>) src(%arg13 : memref<16x512xf32, #tpu.memory_space<vmem>>) dst(%dma_wait3A_340 : memref<77000x512xf32, #tpu.memory_space<hbm>>)
      }
      %scan3A_333 = arith.constant 32 : i32
    } else {
    }
    %lt3A = arith.constant 32 : i32
    %lt3A_7 = arith.cmpi slt, %min3A_4, %lt3A : i32
    %convert_element_type3A_8 = arith.extui %lt3A_7 : i1 to i32
    %cond3A_9 = arith.constant 0 : i32
    %cond3A_10 = arith.cmpi ne, %convert_element_type3A_8, %cond3A_9 : i32
    scf.if %cond3A_10 {
      %add3A_11 = arith.constant 0 : i32
      %add3A_12 = arith.addi %add3A_11, %mul3A_2 : i32
      %dma_start3A = arith.constant 0 : i32
      %dma_start3A_13 = arith.constant 0 : i32
      %dma_start3A_14 = tpu.memref_slice %arg6[%dma_start3A, %dma_start3A_13] : memref<32x512xf32, #tpu.memory_space<vmem>> -> memref<8x512xf32, #tpu.memory_space<vmem>>
      %dma_start3A_15 = arith.constant 0 : i32
      %dma_start3A_16 = tpu.memref_slice %arg2[%add3A_12, %dma_start3A_15] : memref<77000x512xf32, #tpu.memory_space<hbm>> -> memref<8x512xf32, #tpu.memory_space<hbm>>
      %dma_start3A_17 = arith.constant 0 : i32
      %dma_start3A_18 = arith.constant 0 : i32
      %dma_start3A_19 = tpu.memref_slice %arg6[%dma_start3A_17, %dma_start3A_18] : memref<32x512xf32, #tpu.memory_space<vmem>> -> memref<8x512xf32, #tpu.memory_space<vmem>>
      %dma_start3A_20 = arith.constant 0 : i32
      %dma_start3A_21 = tpu.memref_slice %arg2[%add3A_12, %dma_start3A_20] : memref<77000x512xf32, #tpu.memory_space<hbm>> -> memref<8x512xf32, #tpu.memory_space<hbm>>
      tpu.enqueue_dma source(%dma_start3A_21 : memref<8x512xf32, #tpu.memory_space<hbm>>) target(%dma_start3A_19 : memref<8x512xf32, #tpu.memory_space<vmem>>) target_semaphore(%arg16 : memref<!tpu.dma_semaphore, #tpu.memory_space<semaphore_mem>>)
      %add3A_22 = arith.constant 1000 : i32
      %add3A_23 = arith.addi %add3A_22, %mul3A_2 : i32
      %dma_start3A_24 = arith.constant 0 : i32
      %dma_start3A_25 = arith.constant 0 : i32
      %dma_start3A_26 = tpu.memref_slice %arg7[%dma_start3A_24, %dma_start3A_25] : memref<32x512xf32, #tpu.memory_space<vmem>> -> memref<8x512xf32, #tpu.memory_space<vmem>>
      %dma_start3A_27 = arith.constant 0 : i32
      %dma_start3A_28 = tpu.memref_slice %arg2[%add3A_23, %dma_start3A_27] : memref<77000x512xf32, #tpu.memory_space<hbm>> -> memref<8x512xf32, #tpu.memory_space<hbm>>
      %dma_start3A_29 = arith.constant 0 : i32
      %dma_start3A_30 = arith.constant 0 : i32
      %dma_start3A_31 = tpu.memref_slice %arg7[%dma_start3A_29, %dma_start3A_30] : memref<32x512xf32, #tpu.memory_space<vmem>> -> memref<8x512xf32, #tpu.memory_space<vmem>>
      %dma_start3A_32 = arith.constant 0 : i32
      %dma_start3A_33 = tpu.memref_slice %arg2[%add3A_23, %dma_start3A_32] : memref<77000x512xf32, #tpu.memory_space<hbm>> -> memref<8x512xf32, #tpu.memory_space<hbm>>
      tpu.enqueue_dma source(%dma_start3A_33 : memref<8x512xf32, #tpu.memory_space<hbm>>) target(%dma_start3A_31 : memref<8x512xf32, #tpu.memory_space<vmem>>) target_semaphore(%arg17 : memref<!tpu.dma_semaphore, #tpu.memory_space<semaphore_mem>>)
      %add3A_34 = arith.constant 2000 : i32
      %add3A_35 = arith.addi %add3A_34, %mul3A_2 : i32
      %dma_start3A_36 = arith.constant 0 : i32
      %dma_start3A_37 = arith.constant 0 : i32
      %dma_start3A_38 = tpu.memref_slice %arg8[%dma_start3A_36, %dma_start3A_37] : memref<32x512xf32, #tpu.memory_space<vmem>> -> memref<8x512xf32, #tpu.memory_space<vmem>>
      %dma_start3A_39 = arith.constant 0 : i32
      %dma_start3A_40 = tpu.memref_slice %arg2[%add3A_35, %dma_start3A_39] : memref<77000x512xf32, #tpu.memory_space<hbm>> -> memref<8x512xf32, #tpu.memory_space<hbm>>
      %dma_start3A_41 = arith.constant 0 : i32
      %dma_start3A_42 = arith.constant 0 : i32
      %dma_start3A_43 = tpu.memref_slice %arg8[%dma_start3A_41, %dma_start3A_42] : memref<32x512xf32, #tpu.memory_space<vmem>> -> memref<8x512xf32, #tpu.memory_space<vmem>>
      %dma_start3A_44 = arith.constant 0 : i32
      %dma_start3A_45 = tpu.memref_slice %arg2[%add3A_35, %dma_start3A_44] : memref<77000x512xf32, #tpu.memory_space<hbm>> -> memref<8x512xf32, #tpu.memory_space<hbm>>
      tpu.enqueue_dma source(%dma_start3A_45 : memref<8x512xf32, #tpu.memory_space<hbm>>) target(%dma_start3A_43 : memref<8x512xf32, #tpu.memory_space<vmem>>) target_semaphore(%arg18 : memref<!tpu.dma_semaphore, #tpu.memory_space<semaphore_mem>>)
      %add3A_46 = arith.constant 3000 : i32
      %add3A_47 = arith.addi %add3A_46, %mul3A_2 : i32
      %dma_start3A_48 = arith.constant 0 : i32
      %dma_start3A_49 = arith.constant 0 : i32
      %dma_start3A_50 = tpu.memref_slice %arg9[%dma_start3A_48, %dma_start3A_49] : memref<32x512xf32, #tpu.memory_space<vmem>> -> memref<8x512xf32, #tpu.memory_space<vmem>>
      %dma_start3A_51 = arith.constant 0 : i32
      %dma_start3A_52 = tpu.memref_slice %arg2[%add3A_47, %dma_start3A_51] : memref<77000x512xf32, #tpu.memory_space<hbm>> -> memref<8x512xf32, #tpu.memory_space<hbm>>
      %dma_start3A_53 = arith.constant 0 : i32
      %dma_start3A_54 = arith.constant 0 : i32
      %dma_start3A_55 = tpu.memref_slice %arg9[%dma_start3A_53, %dma_start3A_54] : memref<32x512xf32, #tpu.memory_space<vmem>> -> memref<8x512xf32, #tpu.memory_space<vmem>>
      %dma_start3A_56 = arith.constant 0 : i32
      %dma_start3A_57 = tpu.memref_slice %arg2[%add3A_47, %dma_start3A_56] : memref<77000x512xf32, #tpu.memory_space<hbm>> -> memref<8x512xf32, #tpu.memory_space<hbm>>
      tpu.enqueue_dma source(%dma_start3A_57 : memref<8x512xf32, #tpu.memory_space<hbm>>) target(%dma_start3A_55 : memref<8x512xf32, #tpu.memory_space<vmem>>) target_semaphore(%arg19 : memref<!tpu.dma_semaphore, #tpu.memory_space<semaphore_mem>>)
      %add3A_58 = arith.constant 4000 : i32
      %add3A_59 = arith.addi %add3A_58, %mul3A_2 : i32
      %dma_start3A_60 = arith.constant 0 : i32
      %dma_start3A_61 = arith.constant 0 : i32
      %dma_start3A_62 = tpu.memref_slice %arg10[%dma_start3A_60, %dma_start3A_61] : memref<32x512xf32, #tpu.memory_space<vmem>> -> memref<8x512xf32, #tpu.memory_space<vmem>>
      %dma_start3A_63 = arith.constant 0 : i32
      %dma_start3A_64 = tpu.memref_slice %arg2[%add3A_59, %dma_start3A_63] : memref<77000x512xf32, #tpu.memory_space<hbm>> -> memref<8x512xf32, #tpu.memory_space<hbm>>
      %dma_start3A_65 = arith.constant 0 : i32
      %dma_start3A_66 = arith.constant 0 : i32
      %dma_start3A_67 = tpu.memref_slice %arg10[%dma_start3A_65, %dma_start3A_66] : memref<32x512xf32, #tpu.memory_space<vmem>> -> memref<8x512xf32, #tpu.memory_space<vmem>>
      %dma_start3A_68 = arith.constant 0 : i32
      %dma_start3A_69 = tpu.memref_slice %arg2[%add3A_59, %dma_start3A_68] : memref<77000x512xf32, #tpu.memory_space<hbm>> -> memref<8x512xf32, #tpu.memory_space<hbm>>
      tpu.enqueue_dma source(%dma_start3A_69 : memref<8x512xf32, #tpu.memory_space<hbm>>) target(%dma_start3A_67 : memref<8x512xf32, #tpu.memory_space<vmem>>) target_semaphore(%arg20 : memref<!tpu.dma_semaphore, #tpu.memory_space<semaphore_mem>>)
      %add3A_70 = arith.constant 5000 : i32
      %add3A_71 = arith.addi %add3A_70, %mul3A_2 : i32
      %dma_start3A_72 = arith.constant 0 : i32
      %dma_start3A_73 = arith.constant 0 : i32
      %dma_start3A_74 = tpu.memref_slice %arg11[%dma_start3A_72, %dma_start3A_73] : memref<32x512xf32, #tpu.memory_space<vmem>> -> memref<8x512xf32, #tpu.memory_space<vmem>>
      %dma_start3A_75 = arith.constant 0 : i32
      %dma_start3A_76 = tpu.memref_slice %arg2[%add3A_71, %dma_start3A_75] : memref<77000x512xf32, #tpu.memory_space<hbm>> -> memref<8x512xf32, #tpu.memory_space<hbm>>
      %dma_start3A_77 = arith.constant 0 : i32
      %dma_start3A_78 = arith.constant 0 : i32
      %dma_start3A_79 = tpu.memref_slice %arg11[%dma_start3A_77, %dma_start3A_78] : memref<32x512xf32, #tpu.memory_space<vmem>> -> memref<8x512xf32, #tpu.memory_space<vmem>>
      %dma_start3A_80 = arith.constant 0 : i32
      %dma_start3A_81 = tpu.memref_slice %arg2[%add3A_71, %dma_start3A_80] : memref<77000x512xf32, #tpu.memory_space<hbm>> -> memref<8x512xf32, #tpu.memory_space<hbm>>
      tpu.enqueue_dma source(%dma_start3A_81 : memref<8x512xf32, #tpu.memory_space<hbm>>) target(%dma_start3A_79 : memref<8x512xf32, #tpu.memory_space<vmem>>) target_semaphore(%arg21 : memref<!tpu.dma_semaphore, #tpu.memory_space<semaphore_mem>>)
      %add3A_82 = arith.constant 6000 : i32
      %add3A_83 = arith.addi %add3A_82, %mul3A_2 : i32
      %dma_start3A_84 = arith.constant 0 : i32
      %dma_start3A_85 = arith.constant 0 : i32
      %dma_start3A_86 = tpu.memref_slice %arg12[%dma_start3A_84, %dma_start3A_85] : memref<32x512xf32, #tpu.memory_space<vmem>> -> memref<8x512xf32, #tpu.memory_space<vmem>>
      %dma_start3A_87 = arith.constant 0 : i32
      %dma_start3A_88 = tpu.memref_slice %arg2[%add3A_83, %dma_start3A_87] : memref<77000x512xf32, #tpu.memory_space<hbm>> -> memref<8x512xf32, #tpu.memory_space<hbm>>
      %dma_start3A_89 = arith.constant 0 : i32
      %dma_start3A_90 = arith.constant 0 : i32
      %dma_start3A_91 = tpu.memref_slice %arg12[%dma_start3A_89, %dma_start3A_90] : memref<32x512xf32, #tpu.memory_space<vmem>> -> memref<8x512xf32, #tpu.memory_space<vmem>>
      %dma_start3A_92 = arith.constant 0 : i32
      %dma_start3A_93 = tpu.memref_slice %arg2[%add3A_83, %dma_start3A_92] : memref<77000x512xf32, #tpu.memory_space<hbm>> -> memref<8x512xf32, #tpu.memory_space<hbm>>
      tpu.enqueue_dma source(%dma_start3A_93 : memref<8x512xf32, #tpu.memory_space<hbm>>) target(%dma_start3A_91 : memref<8x512xf32, #tpu.memory_space<vmem>>) target_semaphore(%arg22 : memref<!tpu.dma_semaphore, #tpu.memory_space<semaphore_mem>>)
      "tpu.region"() ({
        %run_scoped3A = tpu.sem_alloc : memref<!tpu.dma_semaphore, #tpu.memory_space<semaphore_mem>>
        tpu.enqueue_dma source(%arg3 : memref<16x512xf32, #tpu.memory_space<hbm>>) target(%arg13 : memref<16x512xf32, #tpu.memory_space<vmem>>) target_semaphore(%run_scoped3A : memref<!tpu.dma_semaphore, #tpu.memory_space<semaphore_mem>>)
        tpu.wait_dma2 semaphore(%run_scoped3A : memref<!tpu.dma_semaphore, #tpu.memory_space<semaphore_mem>>) src(%arg3 : memref<16x512xf32, #tpu.memory_space<hbm>>) dst(%arg13 : memref<16x512xf32, #tpu.memory_space<vmem>>)
        tpu.yield
      }) : () -> ()
      "tpu.region"() ({
        %run_scoped3A = tpu.sem_alloc : memref<!tpu.dma_semaphore, #tpu.memory_space<semaphore_mem>>
        %dma_start3A_334 = tpu.memref_slice %arg4[%mul3A_2] : memref<1024xi32, #tpu.memory_space<hbm>> -> memref<32xi32, #tpu.memory_space<hbm>>
        %dma_start3A_335 = tpu.memref_slice %arg4[%mul3A_2] : memref<1024xi32, #tpu.memory_space<hbm>> -> memref<32xi32, #tpu.memory_space<hbm>>
        tpu.enqueue_dma source(%dma_start3A_335 : memref<32xi32, #tpu.memory_space<hbm>>) target(%arg14 : memref<32xi32, #tpu.memory_space<vmem>>) target_semaphore(%run_scoped3A : memref<!tpu.dma_semaphore, #tpu.memory_space<semaphore_mem>>)
        %dma_wait3A_336 = tpu.memref_slice %arg4[%mul3A_2] : memref<1024xi32, #tpu.memory_space<hbm>> -> memref<32xi32, #tpu.memory_space<hbm>>
        %dma_wait3A_337 = tpu.memref_slice %arg4[%mul3A_2] : memref<1024xi32, #tpu.memory_space<hbm>> -> memref<32xi32, #tpu.memory_space<hbm>>
        tpu.wait_dma2 semaphore(%run_scoped3A : memref<!tpu.dma_semaphore, #tpu.memory_space<semaphore_mem>>) src(%dma_wait3A_337 : memref<32xi32, #tpu.memory_space<hbm>>) dst(%arg14 : memref<32xi32, #tpu.memory_space<vmem>>)
        tpu.yield
      }) : () -> ()
      %get3A = arith.constant 0 : index
      %get3A_94 = tpu.vector_load %arg14[%get3A] {strides = array<i32>} : memref<32xi32, #tpu.memory_space<vmem>>, vector<16xi32>,
      %get3A_95 = vector.shape_cast %get3A_94 : vector<16xi32> to vector<16xi32>
      %get3A_96 = arith.constant 16 : index
      %get3A_97 = tpu.vector_load %arg14[%get3A_96] {strides = array<i32>} : memref<32xi32, #tpu.memory_space<vmem>>, vector<16xi32>,
      %get3A_98 = vector.shape_cast %get3A_97 : vector<16xi32> to vector<16xi32>
      %slice3A = vector.extract_strided_slice %get3A_95 {offsets = [0], sizes = [1], strides = [1]} : vector<16xi32> to vector<1xi32>
      %squeeze3A = vector.extract %slice3A[0] : i32 from vector<1xi32>
      %swap3A = arith.constant 0 : i32
      %swap3A_99 = arith.index_cast %swap3A : i32 to index
      %swap3A_100 = memref.load %arg15[%swap3A_99] : memref<32xi32, #tpu.memory_space<smem>>
      memref.store %squeeze3A, %arg15[%swap3A_99] : memref<32xi32, #tpu.memory_space<smem>>
      %slice3A_101 = vector.extract_strided_slice %get3A_98 {offsets = [0], sizes = [1], strides = [1]} : vector<16xi32> to vector<1xi32>
      %squeeze3A_102 = vector.extract %slice3A_101[0] : i32 from vector<1xi32>
      %swap3A_103 = arith.constant 16 : i32
      %swap3A_104 = arith.index_cast %swap3A_103 : i32 to index
      %swap3A_105 = memref.load %arg15[%swap3A_104] : memref<32xi32, #tpu.memory_space<smem>>
      memref.store %squeeze3A_102, %arg15[%swap3A_104] : memref<32xi32, #tpu.memory_space<smem>>
      %slice3A_106 = vector.extract_strided_slice %get3A_95 {offsets = [1], sizes = [1], strides = [1]} : vector<16xi32> to vector<1xi32>
      %squeeze3A_107 = vector.extract %slice3A_106[0] : i32 from vector<1xi32>
      %swap3A_108 = arith.constant 1 : i32
      %swap3A_109 = arith.index_cast %swap3A_108 : i32 to index
      %swap3A_110 = memref.load %arg15[%swap3A_109] : memref<32xi32, #tpu.memory_space<smem>>
      memref.store %squeeze3A_107, %arg15[%swap3A_109] : memref<32xi32, #tpu.memory_space<smem>>
      %slice3A_111 = vector.extract_strided_slice %get3A_98 {offsets = [1], sizes = [1], strides = [1]} : vector<16xi32> to vector<1xi32>
      %squeeze3A_112 = vector.extract %slice3A_111[0] : i32 from vector<1xi32>
      %swap3A_113 = arith.constant 17 : i32
      %swap3A_114 = arith.index_cast %swap3A_113 : i32 to index
      %swap3A_115 = memref.load %arg15[%swap3A_114] : memref<32xi32, #tpu.memory_space<smem>>
      memref.store %squeeze3A_112, %arg15[%swap3A_114] : memref<32xi32, #tpu.memory_space<smem>>
      %slice3A_116 = vector.extract_strided_slice %get3A_95 {offsets = [2], sizes = [1], strides = [1]} : vector<16xi32> to vector<1xi32>
      %squeeze3A_117 = vector.extract %slice3A_116[0] : i32 from vector<1xi32>
      %swap3A_118 = arith.constant 2 : i32
      %swap3A_119 = arith.index_cast %swap3A_118 : i32 to index
      %swap3A_120 = memref.load %arg15[%swap3A_119] : memref<32xi32, #tpu.memory_space<smem>>
      memref.store %squeeze3A_117, %arg15[%swap3A_119] : memref<32xi32, #tpu.memory_space<smem>>
      %slice3A_121 = vector.extract_strided_slice %get3A_98 {offsets = [2], sizes = [1], strides = [1]} : vector<16xi32> to vector<1xi32>
      %squeeze3A_122 = vector.extract %slice3A_121[0] : i32 from vector<1xi32>
      %swap3A_123 = arith.constant 18 : i32
      %swap3A_124 = arith.index_cast %swap3A_123 : i32 to index
      %swap3A_125 = memref.load %arg15[%swap3A_124] : memref<32xi32, #tpu.memory_space<smem>>
      memref.store %squeeze3A_122, %arg15[%swap3A_124] : memref<32xi32, #tpu.memory_space<smem>>
      %slice3A_126 = vector.extract_strided_slice %get3A_95 {offsets = [3], sizes = [1], strides = [1]} : vector<16xi32> to vector<1xi32>
      %squeeze3A_127 = vector.extract %slice3A_126[0] : i32 from vector<1xi32>
      %swap3A_128 = arith.constant 3 : i32
      %swap3A_129 = arith.index_cast %swap3A_128 : i32 to index
      %swap3A_130 = memref.load %arg15[%swap3A_129] : memref<32xi32, #tpu.memory_space<smem>>
      memref.store %squeeze3A_127, %arg15[%swap3A_129] : memref<32xi32, #tpu.memory_space<smem>>
      %slice3A_131 = vector.extract_strided_slice %get3A_98 {offsets = [3], sizes = [1], strides = [1]} : vector<16xi32> to vector<1xi32>
      %squeeze3A_132 = vector.extract %slice3A_131[0] : i32 from vector<1xi32>
      %swap3A_133 = arith.constant 19 : i32
      %swap3A_134 = arith.index_cast %swap3A_133 : i32 to index
      %swap3A_135 = memref.load %arg15[%swap3A_134] : memref<32xi32, #tpu.memory_space<smem>>
      memref.store %squeeze3A_132, %arg15[%swap3A_134] : memref<32xi32, #tpu.memory_space<smem>>
      %slice3A_136 = vector.extract_strided_slice %get3A_95 {offsets = [4], sizes = [1], strides = [1]} : vector<16xi32> to vector<1xi32>
      %squeeze3A_137 = vector.extract %slice3A_136[0] : i32 from vector<1xi32>
      %swap3A_138 = arith.constant 4 : i32
      %swap3A_139 = arith.index_cast %swap3A_138 : i32 to index
      %swap3A_140 = memref.load %arg15[%swap3A_139] : memref<32xi32, #tpu.memory_space<smem>>
      memref.store %squeeze3A_137, %arg15[%swap3A_139] : memref<32xi32, #tpu.memory_space<smem>>
      %slice3A_141 = vector.extract_strided_slice %get3A_98 {offsets = [4], sizes = [1], strides = [1]} : vector<16xi32> to vector<1xi32>
      %squeeze3A_142 = vector.extract %slice3A_141[0] : i32 from vector<1xi32>
      %swap3A_143 = arith.constant 20 : i32
      %swap3A_144 = arith.index_cast %swap3A_143 : i32 to index
      %swap3A_145 = memref.load %arg15[%swap3A_144] : memref<32xi32, #tpu.memory_space<smem>>
      memref.store %squeeze3A_142, %arg15[%swap3A_144] : memref<32xi32, #tpu.memory_space<smem>>
      %slice3A_146 = vector.extract_strided_slice %get3A_95 {offsets = [5], sizes = [1], strides = [1]} : vector<16xi32> to vector<1xi32>
      %squeeze3A_147 = vector.extract %slice3A_146[0] : i32 from vector<1xi32>
      %swap3A_148 = arith.constant 5 : i32
      %swap3A_149 = arith.index_cast %swap3A_148 : i32 to index
      %swap3A_150 = memref.load %arg15[%swap3A_149] : memref<32xi32, #tpu.memory_space<smem>>
      memref.store %squeeze3A_147, %arg15[%swap3A_149] : memref<32xi32, #tpu.memory_space<smem>>
      %slice3A_151 = vector.extract_strided_slice %get3A_98 {offsets = [5], sizes = [1], strides = [1]} : vector<16xi32> to vector<1xi32>
      %squeeze3A_152 = vector.extract %slice3A_151[0] : i32 from vector<1xi32>
      %swap3A_153 = arith.constant 21 : i32
      %swap3A_154 = arith.index_cast %swap3A_153 : i32 to index
      %swap3A_155 = memref.load %arg15[%swap3A_154] : memref<32xi32, #tpu.memory_space<smem>>
      memref.store %squeeze3A_152, %arg15[%swap3A_154] : memref<32xi32, #tpu.memory_space<smem>>
      %slice3A_156 = vector.extract_strided_slice %get3A_95 {offsets = [6], sizes = [1], strides = [1]} : vector<16xi32> to vector<1xi32>
      %squeeze3A_157 = vector.extract %slice3A_156[0] : i32 from vector<1xi32>
      %swap3A_158 = arith.constant 6 : i32
      %swap3A_159 = arith.index_cast %swap3A_158 : i32 to index
      %swap3A_160 = memref.load %arg15[%swap3A_159] : memref<32xi32, #tpu.memory_space<smem>>
      memref.store %squeeze3A_157, %arg15[%swap3A_159] : memref<32xi32, #tpu.memory_space<smem>>
      %slice3A_161 = vector.extract_strided_slice %get3A_98 {offsets = [6], sizes = [1], strides = [1]} : vector<16xi32> to vector<1xi32>
      %squeeze3A_162 = vector.extract %slice3A_161[0] : i32 from vector<1xi32>
      %swap3A_163 = arith.constant 22 : i32
      %swap3A_164 = arith.index_cast %swap3A_163 : i32 to index
      %swap3A_165 = memref.load %arg15[%swap3A_164] : memref<32xi32, #tpu.memory_space<smem>>
      memref.store %squeeze3A_162, %arg15[%swap3A_164] : memref<32xi32, #tpu.memory_space<smem>>
      %slice3A_166 = vector.extract_strided_slice %get3A_95 {offsets = [7], sizes = [1], strides = [1]} : vector<16xi32> to vector<1xi32>
      %squeeze3A_167 = vector.extract %slice3A_166[0] : i32 from vector<1xi32>
      %swap3A_168 = arith.constant 7 : i32
      %swap3A_169 = arith.index_cast %swap3A_168 : i32 to index
      %swap3A_170 = memref.load %arg15[%swap3A_169] : memref<32xi32, #tpu.memory_space<smem>>
      memref.store %squeeze3A_167, %arg15[%swap3A_169] : memref<32xi32, #tpu.memory_space<smem>>
      %slice3A_171 = vector.extract_strided_slice %get3A_98 {offsets = [7], sizes = [1], strides = [1]} : vector<16xi32> to vector<1xi32>
      %squeeze3A_172 = vector.extract %slice3A_171[0] : i32 from vector<1xi32>
      %swap3A_173 = arith.constant 23 : i32
      %swap3A_174 = arith.index_cast %swap3A_173 : i32 to index
      %swap3A_175 = memref.load %arg15[%swap3A_174] : memref<32xi32, #tpu.memory_space<smem>>
      memref.store %squeeze3A_172, %arg15[%swap3A_174] : memref<32xi32, #tpu.memory_space<smem>>
      %slice3A_176 = vector.extract_strided_slice %get3A_95 {offsets = [8], sizes = [1], strides = [1]} : vector<16xi32> to vector<1xi32>
      %squeeze3A_177 = vector.extract %slice3A_176[0] : i32 from vector<1xi32>
      %swap3A_178 = arith.constant 8 : i32
      %swap3A_179 = arith.index_cast %swap3A_178 : i32 to index
      %swap3A_180 = memref.load %arg15[%swap3A_179] : memref<32xi32, #tpu.memory_space<smem>>
      memref.store %squeeze3A_177, %arg15[%swap3A_179] : memref<32xi32, #tpu.memory_space<smem>>
      %slice3A_181 = vector.extract_strided_slice %get3A_98 {offsets = [8], sizes = [1], strides = [1]} : vector<16xi32> to vector<1xi32>
      %squeeze3A_182 = vector.extract %slice3A_181[0] : i32 from vector<1xi32>
      %swap3A_183 = arith.constant 24 : i32
      %swap3A_184 = arith.index_cast %swap3A_183 : i32 to index
      %swap3A_185 = memref.load %arg15[%swap3A_184] : memref<32xi32, #tpu.memory_space<smem>>
      memref.store %squeeze3A_182, %arg15[%swap3A_184] : memref<32xi32, #tpu.memory_space<smem>>
      %slice3A_186 = vector.extract_strided_slice %get3A_95 {offsets = [9], sizes = [1], strides = [1]} : vector<16xi32> to vector<1xi32>
      %squeeze3A_187 = vector.extract %slice3A_186[0] : i32 from vector<1xi32>
      %swap3A_188 = arith.constant 9 : i32
      %swap3A_189 = arith.index_cast %swap3A_188 : i32 to index
      %swap3A_190 = memref.load %arg15[%swap3A_189] : memref<32xi32, #tpu.memory_space<smem>>
      memref.store %squeeze3A_187, %arg15[%swap3A_189] : memref<32xi32, #tpu.memory_space<smem>>
      %slice3A_191 = vector.extract_strided_slice %get3A_98 {offsets = [9], sizes = [1], strides = [1]} : vector<16xi32> to vector<1xi32>
      %squeeze3A_192 = vector.extract %slice3A_191[0] : i32 from vector<1xi32>
      %swap3A_193 = arith.constant 25 : i32
      %swap3A_194 = arith.index_cast %swap3A_193 : i32 to index
      %swap3A_195 = memref.load %arg15[%swap3A_194] : memref<32xi32, #tpu.memory_space<smem>>
      memref.store %squeeze3A_192, %arg15[%swap3A_194] : memref<32xi32, #tpu.memory_space<smem>>
      %slice3A_196 = vector.extract_strided_slice %get3A_95 {offsets = [10], sizes = [1], strides = [1]} : vector<16xi32> to vector<1xi32>
      %squeeze3A_197 = vector.extract %slice3A_196[0] : i32 from vector<1xi32>
      %swap3A_198 = arith.constant 10 : i32
      %swap3A_199 = arith.index_cast %swap3A_198 : i32 to index
      %swap3A_200 = memref.load %arg15[%swap3A_199] : memref<32xi32, #tpu.memory_space<smem>>
      memref.store %squeeze3A_197, %arg15[%swap3A_199] : memref<32xi32, #tpu.memory_space<smem>>
      %slice3A_201 = vector.extract_strided_slice %get3A_98 {offsets = [10], sizes = [1], strides = [1]} : vector<16xi32> to vector<1xi32>
      %squeeze3A_202 = vector.extract %slice3A_201[0] : i32 from vector<1xi32>
      %swap3A_203 = arith.constant 26 : i32
      %swap3A_204 = arith.index_cast %swap3A_203 : i32 to index
      %swap3A_205 = memref.load %arg15[%swap3A_204] : memref<32xi32, #tpu.memory_space<smem>>
      memref.store %squeeze3A_202, %arg15[%swap3A_204] : memref<32xi32, #tpu.memory_space<smem>>
      %slice3A_206 = vector.extract_strided_slice %get3A_95 {offsets = [11], sizes = [1], strides = [1]} : vector<16xi32> to vector<1xi32>
      %squeeze3A_207 = vector.extract %slice3A_206[0] : i32 from vector<1xi32>
      %swap3A_208 = arith.constant 11 : i32
      %swap3A_209 = arith.index_cast %swap3A_208 : i32 to index
      %swap3A_210 = memref.load %arg15[%swap3A_209] : memref<32xi32, #tpu.memory_space<smem>>
      memref.store %squeeze3A_207, %arg15[%swap3A_209] : memref<32xi32, #tpu.memory_space<smem>>
      %slice3A_211 = vector.extract_strided_slice %get3A_98 {offsets = [11], sizes = [1], strides = [1]} : vector<16xi32> to vector<1xi32>
      %squeeze3A_212 = vector.extract %slice3A_211[0] : i32 from vector<1xi32>
      %swap3A_213 = arith.constant 27 : i32
      %swap3A_214 = arith.index_cast %swap3A_213 : i32 to index
      %swap3A_215 = memref.load %arg15[%swap3A_214] : memref<32xi32, #tpu.memory_space<smem>>
      memref.store %squeeze3A_212, %arg15[%swap3A_214] : memref<32xi32, #tpu.memory_space<smem>>
      %slice3A_216 = vector.extract_strided_slice %get3A_95 {offsets = [12], sizes = [1], strides = [1]} : vector<16xi32> to vector<1xi32>
      %squeeze3A_217 = vector.extract %slice3A_216[0] : i32 from vector<1xi32>
      %swap3A_218 = arith.constant 12 : i32
      %swap3A_219 = arith.index_cast %swap3A_218 : i32 to index
      %swap3A_220 = memref.load %arg15[%swap3A_219] : memref<32xi32, #tpu.memory_space<smem>>
      memref.store %squeeze3A_217, %arg15[%swap3A_219] : memref<32xi32, #tpu.memory_space<smem>>
      %slice3A_221 = vector.extract_strided_slice %get3A_98 {offsets = [12], sizes = [1], strides = [1]} : vector<16xi32> to vector<1xi32>
      %squeeze3A_222 = vector.extract %slice3A_221[0] : i32 from vector<1xi32>
      %swap3A_223 = arith.constant 28 : i32
      %swap3A_224 = arith.index_cast %swap3A_223 : i32 to index
      %swap3A_225 = memref.load %arg15[%swap3A_224] : memref<32xi32, #tpu.memory_space<smem>>
      memref.store %squeeze3A_222, %arg15[%swap3A_224] : memref<32xi32, #tpu.memory_space<smem>>
      %slice3A_226 = vector.extract_strided_slice %get3A_95 {offsets = [13], sizes = [1], strides = [1]} : vector<16xi32> to vector<1xi32>
      %squeeze3A_227 = vector.extract %slice3A_226[0] : i32 from vector<1xi32>
      %swap3A_228 = arith.constant 13 : i32
      %swap3A_229 = arith.index_cast %swap3A_228 : i32 to index
      %swap3A_230 = memref.load %arg15[%swap3A_229] : memref<32xi32, #tpu.memory_space<smem>>
      memref.store %squeeze3A_227, %arg15[%swap3A_229] : memref<32xi32, #tpu.memory_space<smem>>
      %slice3A_231 = vector.extract_strided_slice %get3A_98 {offsets = [13], sizes = [1], strides = [1]} : vector<16xi32> to vector<1xi32>
      %squeeze3A_232 = vector.extract %slice3A_231[0] : i32 from vector<1xi32>
      %swap3A_233 = arith.constant 29 : i32
      %swap3A_234 = arith.index_cast %swap3A_233 : i32 to index
      %swap3A_235 = memref.load %arg15[%swap3A_234] : memref<32xi32, #tpu.memory_space<smem>>
      memref.store %squeeze3A_232, %arg15[%swap3A_234] : memref<32xi32, #tpu.memory_space<smem>>
      %slice3A_236 = vector.extract_strided_slice %get3A_95 {offsets = [14], sizes = [1], strides = [1]} : vector<16xi32> to vector<1xi32>
      %squeeze3A_237 = vector.extract %slice3A_236[0] : i32 from vector<1xi32>
      %swap3A_238 = arith.constant 14 : i32
      %swap3A_239 = arith.index_cast %swap3A_238 : i32 to index
      %swap3A_240 = memref.load %arg15[%swap3A_239] : memref<32xi32, #tpu.memory_space<smem>>
      memref.store %squeeze3A_237, %arg15[%swap3A_239] : memref<32xi32, #tpu.memory_space<smem>>
      %slice3A_241 = vector.extract_strided_slice %get3A_98 {offsets = [14], sizes = [1], strides = [1]} : vector<16xi32> to vector<1xi32>
      %squeeze3A_242 = vector.extract %slice3A_241[0] : i32 from vector<1xi32>
      %swap3A_243 = arith.constant 30 : i32
      %swap3A_244 = arith.index_cast %swap3A_243 : i32 to index
      %swap3A_245 = memref.load %arg15[%swap3A_244] : memref<32xi32, #tpu.memory_space<smem>>
      memref.store %squeeze3A_242, %arg15[%swap3A_244] : memref<32xi32, #tpu.memory_space<smem>>
      %slice3A_246 = vector.extract_strided_slice %get3A_95 {offsets = [15], sizes = [1], strides = [1]} : vector<16xi32> to vector<1xi32>
      %squeeze3A_247 = vector.extract %slice3A_246[0] : i32 from vector<1xi32>
      %swap3A_248 = arith.constant 15 : i32
      %swap3A_249 = arith.index_cast %swap3A_248 : i32 to index
      %swap3A_250 = memref.load %arg15[%swap3A_249] : memref<32xi32, #tpu.memory_space<smem>>
      memref.store %squeeze3A_247, %arg15[%swap3A_249] : memref<32xi32, #tpu.memory_space<smem>>
      %slice3A_251 = vector.extract_strided_slice %get3A_98 {offsets = [15], sizes = [1], strides = [1]} : vector<16xi32> to vector<1xi32>
      %squeeze3A_252 = vector.extract %slice3A_251[0] : i32 from vector<1xi32>
      %swap3A_253 = arith.constant 31 : i32
      %swap3A_254 = arith.index_cast %swap3A_253 : i32 to index
      %swap3A_255 = memref.load %arg15[%swap3A_254] : memref<32xi32, #tpu.memory_space<smem>>
      memref.store %squeeze3A_252, %arg15[%swap3A_254] : memref<32xi32, #tpu.memory_space<smem>>
      %scan3A = arith.constant 0 : i32
      %scan3A_256 = arith.constant 11 : i32
      %scan3A_257 = arith.addi %scan3A, %scan3A_256 : i32
      %scan3A_258 = arith.constant 1 : i32
      scf.for %scan3A_334 = %scan3A to %scan3A_257 step %scan3A_258  : i32 {
        %mul3A_335 = arith.constant 7 : i32
        %mul3A_336 = arith.muli %scan3A_334, %mul3A_335 : i32
        %add3A_337 = arith.constant 0 : i32
        %add3A_338 = arith.addi %mul3A_336, %add3A_337 : i32
        %dma_wait3A_339 = arith.constant 0 : i32
        %dma_wait3A_340 = arith.constant 0 : i32
        %dma_wait3A_341 = tpu.memref_slice %arg6[%dma_wait3A_339, %dma_wait3A_340] : memref<32x512xf32, #tpu.memory_space<vmem>> -> memref<8x512xf32, #tpu.memory_space<vmem>>
        %dma_wait3A_342 = arith.constant 0 : i32
        %dma_wait3A_343 = tpu.memref_slice %arg2[%mul3A_2, %dma_wait3A_342] : memref<77000x512xf32, #tpu.memory_space<hbm>> -> memref<8x512xf32, #tpu.memory_space<hbm>>
        %dma_wait3A_344 = arith.constant 0 : i32
        %dma_wait3A_345 = arith.constant 0 : i32
        %dma_wait3A_346 = tpu.memref_slice %arg6[%dma_wait3A_344, %dma_wait3A_345] : memref<32x512xf32, #tpu.memory_space<vmem>> -> memref<8x512xf32, #tpu.memory_space<vmem>>
        %dma_wait3A_347 = arith.constant 0 : i32
        %dma_wait3A_348 = tpu.memref_slice %arg2[%mul3A_2, %dma_wait3A_347] : memref<77000x512xf32, #tpu.memory_space<hbm>> -> memref<8x512xf32, #tpu.memory_space<hbm>>
        tpu.wait_dma2 semaphore(%arg16 : memref<!tpu.dma_semaphore, #tpu.memory_space<semaphore_mem>>) src(%dma_wait3A_348 : memref<8x512xf32, #tpu.memory_space<hbm>>) dst(%dma_wait3A_346 : memref<8x512xf32, #tpu.memory_space<vmem>>)
        %mul3A_349 = arith.constant 1000 : i32
        %mul3A_350 = arith.muli %add3A_338, %mul3A_349 : i32
        %add3A_351 = arith.addi %mul3A_350, %mul3A_2 : i32
        %dma_start3A_352 = arith.constant 0 : i32
        %dma_start3A_353 = arith.constant 0 : i32
        %dma_start3A_354 = tpu.memref_slice %arg6[%dma_start3A_352, %dma_start3A_353] : memref<32x512xf32, #tpu.memory_space<vmem>> -> memref<8x512xf32, #tpu.memory_space<vmem>>
        %dma_start3A_355 = arith.constant 0 : i32
        %dma_start3A_356 = tpu.memref_slice %arg5[%add3A_351, %dma_start3A_355] : memref<77000x512xf32, #tpu.memory_space<hbm>> -> memref<8x512xf32, #tpu.memory_space<hbm>>
        %dma_start3A_357 = arith.constant 0 : i32
        %dma_start3A_358 = tpu.memref_slice %arg5[%add3A_351, %dma_start3A_357] : memref<77000x512xf32, #tpu.memory_space<hbm>> -> memref<8x512xf32, #tpu.memory_space<hbm>>
        %dma_start3A_359 = arith.constant 0 : i32
        %dma_start3A_360 = arith.constant 0 : i32
        %dma_start3A_361 = tpu.memref_slice %arg6[%dma_start3A_359, %dma_start3A_360] : memref<32x512xf32, #tpu.memory_space<vmem>> -> memref<8x512xf32, #tpu.memory_space<vmem>>
        tpu.enqueue_dma source(%dma_start3A_361 : memref<8x512xf32, #tpu.memory_space<vmem>>) target(%dma_start3A_358 : memref<8x512xf32, #tpu.memory_space<hbm>>) target_semaphore(%arg23 : memref<!tpu.dma_semaphore, #tpu.memory_space<semaphore_mem>>)
        %add3A_362 = arith.constant 1 : i32
        %add3A_363 = arith.addi %scan3A_334, %add3A_362 : i32
        %lt3A_364 = arith.constant 11 : i32
        %lt3A_365 = arith.cmpi slt, %add3A_363, %lt3A_364 : i32
        %convert_element_type3A_366 = arith.extui %lt3A_365 : i1 to i32
        %cond3A_367 = arith.constant 0 : i32
        %cond3A_368 = arith.cmpi ne, %convert_element_type3A_366, %cond3A_367 : i32
        scf.if %cond3A_368 {
          %dma_wait3A_565 = arith.constant 0 : i32
          %dma_wait3A_566 = arith.constant 0 : i32
          %dma_wait3A_567 = tpu.memref_slice %arg6[%dma_wait3A_565, %dma_wait3A_566] : memref<32x512xf32, #tpu.memory_space<vmem>> -> memref<8x512xf32, #tpu.memory_space<vmem>>
          %dma_wait3A_568 = arith.constant 0 : i32
          %dma_wait3A_569 = tpu.memref_slice %arg5[%mul3A_2, %dma_wait3A_568] : memref<77000x512xf32, #tpu.memory_space<hbm>> -> memref<8x512xf32, #tpu.memory_space<hbm>>
          %dma_wait3A_570 = arith.constant 0 : i32
          %dma_wait3A_571 = tpu.memref_slice %arg5[%mul3A_2, %dma_wait3A_570] : memref<77000x512xf32, #tpu.memory_space<hbm>> -> memref<8x512xf32, #tpu.memory_space<hbm>>
          %dma_wait3A_572 = arith.constant 0 : i32
          %dma_wait3A_573 = arith.constant 0 : i32
          %dma_wait3A_574 = tpu.memref_slice %arg6[%dma_wait3A_572, %dma_wait3A_573] : memref<32x512xf32, #tpu.memory_space<vmem>> -> memref<8x512xf32, #tpu.memory_space<vmem>>
          tpu.wait_dma2 semaphore(%arg23 : memref<!tpu.dma_semaphore, #tpu.memory_space<semaphore_mem>>) src(%dma_wait3A_574 : memref<8x512xf32, #tpu.memory_space<vmem>>) dst(%dma_wait3A_571 : memref<8x512xf32, #tpu.memory_space<hbm>>)
          %add3A_575 = arith.constant 7 : i32
          %add3A_576 = arith.addi %add3A_338, %add3A_575 : i32
          %mul3A_577 = arith.constant 1000 : i32
          %mul3A_578 = arith.muli %add3A_576, %mul3A_577 : i32
          %add3A_579 = arith.addi %mul3A_578, %mul3A_2 : i32
          %dma_start3A_580 = arith.constant 0 : i32
          %dma_start3A_581 = arith.constant 0 : i32
          %dma_start3A_582 = tpu.memref_slice %arg6[%dma_start3A_580, %dma_start3A_581] : memref<32x512xf32, #tpu.memory_space<vmem>> -> memref<8x512xf32, #tpu.memory_space<vmem>>
          %dma_start3A_583 = arith.constant 0 : i32
          %dma_start3A_584 = tpu.memref_slice %arg2[%add3A_579, %dma_start3A_583] : memref<77000x512xf32, #tpu.memory_space<hbm>> -> memref<8x512xf32, #tpu.memory_space<hbm>>
          %dma_start3A_585 = arith.constant 0 : i32
          %dma_start3A_586 = arith.constant 0 : i32
          %dma_start3A_587 = tpu.memref_slice %arg6[%dma_start3A_585, %dma_start3A_586] : memref<32x512xf32, #tpu.memory_space<vmem>> -> memref<8x512xf32, #tpu.memory_space<vmem>>
          %dma_start3A_588 = arith.constant 0 : i32
          %dma_start3A_589 = tpu.memref_slice %arg2[%add3A_579, %dma_start3A_588] : memref<77000x512xf32, #tpu.memory_space<hbm>> -> memref<8x512xf32, #tpu.memory_space<hbm>>
          tpu.enqueue_dma source(%dma_start3A_589 : memref<8x512xf32, #tpu.memory_space<hbm>>) target(%dma_start3A_587 : memref<8x512xf32, #tpu.memory_space<vmem>>) target_semaphore(%arg16 : memref<!tpu.dma_semaphore, #tpu.memory_space<semaphore_mem>>)
        } else {
        }
        %add3A_369 = arith.constant 1 : i32
        %add3A_370 = arith.addi %mul3A_336, %add3A_369 : i32
        %dma_wait3A_371 = arith.constant 0 : i32
        %dma_wait3A_372 = arith.constant 0 : i32
        %dma_wait3A_373 = tpu.memref_slice %arg7[%dma_wait3A_371, %dma_wait3A_372] : memref<32x512xf32, #tpu.memory_space<vmem>> -> memref<8x512xf32, #tpu.memory_space<vmem>>
        %dma_wait3A_374 = arith.constant 0 : i32
        %dma_wait3A_375 = tpu.memref_slice %arg2[%mul3A_2, %dma_wait3A_374] : memref<77000x512xf32, #tpu.memory_space<hbm>> -> memref<8x512xf32, #tpu.memory_space<hbm>>
        %dma_wait3A_376 = arith.constant 0 : i32
        %dma_wait3A_377 = arith.constant 0 : i32
        %dma_wait3A_378 = tpu.memref_slice %arg7[%dma_wait3A_376, %dma_wait3A_377] : memref<32x512xf32, #tpu.memory_space<vmem>> -> memref<8x512xf32, #tpu.memory_space<vmem>>
        %dma_wait3A_379 = arith.constant 0 : i32
        %dma_wait3A_380 = tpu.memref_slice %arg2[%mul3A_2, %dma_wait3A_379] : memref<77000x512xf32, #tpu.memory_space<hbm>> -> memref<8x512xf32, #tpu.memory_space<hbm>>
        tpu.wait_dma2 semaphore(%arg17 : memref<!tpu.dma_semaphore, #tpu.memory_space<semaphore_mem>>) src(%dma_wait3A_380 : memref<8x512xf32, #tpu.memory_space<hbm>>) dst(%dma_wait3A_378 : memref<8x512xf32, #tpu.memory_space<vmem>>)
        %mul3A_381 = arith.constant 1000 : i32
        %mul3A_382 = arith.muli %add3A_370, %mul3A_381 : i32
        %add3A_383 = arith.addi %mul3A_382, %mul3A_2 : i32
        %dma_start3A_384 = arith.constant 0 : i32
        %dma_start3A_385 = arith.constant 0 : i32
        %dma_start3A_386 = tpu.memref_slice %arg7[%dma_start3A_384, %dma_start3A_385] : memref<32x512xf32, #tpu.memory_space<vmem>> -> memref<8x512xf32, #tpu.memory_space<vmem>>
        %dma_start3A_387 = arith.constant 0 : i32
        %dma_start3A_388 = tpu.memref_slice %arg5[%add3A_383, %dma_start3A_387] : memref<77000x512xf32, #tpu.memory_space<hbm>> -> memref<8x512xf32, #tpu.memory_space<hbm>>
        %dma_start3A_389 = arith.constant 0 : i32
        %dma_start3A_390 = tpu.memref_slice %arg5[%add3A_383, %dma_start3A_389] : memref<77000x512xf32, #tpu.memory_space<hbm>> -> memref<8x512xf32, #tpu.memory_space<hbm>>
        %dma_start3A_391 = arith.constant 0 : i32
        %dma_start3A_392 = arith.constant 0 : i32
        %dma_start3A_393 = tpu.memref_slice %arg7[%dma_start3A_391, %dma_start3A_392] : memref<32x512xf32, #tpu.memory_space<vmem>> -> memref<8x512xf32, #tpu.memory_space<vmem>>
        tpu.enqueue_dma source(%dma_start3A_393 : memref<8x512xf32, #tpu.memory_space<vmem>>) target(%dma_start3A_390 : memref<8x512xf32, #tpu.memory_space<hbm>>) target_semaphore(%arg24 : memref<!tpu.dma_semaphore, #tpu.memory_space<semaphore_mem>>)
        %add3A_394 = arith.constant 1 : i32
        %add3A_395 = arith.addi %scan3A_334, %add3A_394 : i32
        %lt3A_396 = arith.constant 11 : i32
        %lt3A_397 = arith.cmpi slt, %add3A_395, %lt3A_396 : i32
        %convert_element_type3A_398 = arith.extui %lt3A_397 : i1 to i32
        %cond3A_399 = arith.constant 0 : i32
        %cond3A_400 = arith.cmpi ne, %convert_element_type3A_398, %cond3A_399 : i32
        scf.if %cond3A_400 {
          %dma_wait3A_565 = arith.constant 0 : i32
          %dma_wait3A_566 = arith.constant 0 : i32
          %dma_wait3A_567 = tpu.memref_slice %arg7[%dma_wait3A_565, %dma_wait3A_566] : memref<32x512xf32, #tpu.memory_space<vmem>> -> memref<8x512xf32, #tpu.memory_space<vmem>>
          %dma_wait3A_568 = arith.constant 0 : i32
          %dma_wait3A_569 = tpu.memref_slice %arg5[%mul3A_2, %dma_wait3A_568] : memref<77000x512xf32, #tpu.memory_space<hbm>> -> memref<8x512xf32, #tpu.memory_space<hbm>>
          %dma_wait3A_570 = arith.constant 0 : i32
          %dma_wait3A_571 = tpu.memref_slice %arg5[%mul3A_2, %dma_wait3A_570] : memref<77000x512xf32, #tpu.memory_space<hbm>> -> memref<8x512xf32, #tpu.memory_space<hbm>>
          %dma_wait3A_572 = arith.constant 0 : i32
          %dma_wait3A_573 = arith.constant 0 : i32
          %dma_wait3A_574 = tpu.memref_slice %arg7[%dma_wait3A_572, %dma_wait3A_573] : memref<32x512xf32, #tpu.memory_space<vmem>> -> memref<8x512xf32, #tpu.memory_space<vmem>>
          tpu.wait_dma2 semaphore(%arg24 : memref<!tpu.dma_semaphore, #tpu.memory_space<semaphore_mem>>) src(%dma_wait3A_574 : memref<8x512xf32, #tpu.memory_space<vmem>>) dst(%dma_wait3A_571 : memref<8x512xf32, #tpu.memory_space<hbm>>)
          %add3A_575 = arith.constant 7 : i32
          %add3A_576 = arith.addi %add3A_370, %add3A_575 : i32
          %mul3A_577 = arith.constant 1000 : i32
          %mul3A_578 = arith.muli %add3A_576, %mul3A_577 : i32
          %add3A_579 = arith.addi %mul3A_578, %mul3A_2 : i32
          %dma_start3A_580 = arith.constant 0 : i32
          %dma_start3A_581 = arith.constant 0 : i32
          %dma_start3A_582 = tpu.memref_slice %arg7[%dma_start3A_580, %dma_start3A_581] : memref<32x512xf32, #tpu.memory_space<vmem>> -> memref<8x512xf32, #tpu.memory_space<vmem>>
          %dma_start3A_583 = arith.constant 0 : i32
          %dma_start3A_584 = tpu.memref_slice %arg2[%add3A_579, %dma_start3A_583] : memref<77000x512xf32, #tpu.memory_space<hbm>> -> memref<8x512xf32, #tpu.memory_space<hbm>>
          %dma_start3A_585 = arith.constant 0 : i32
          %dma_start3A_586 = arith.constant 0 : i32
          %dma_start3A_587 = tpu.memref_slice %arg7[%dma_start3A_585, %dma_start3A_586] : memref<32x512xf32, #tpu.memory_space<vmem>> -> memref<8x512xf32, #tpu.memory_space<vmem>>
          %dma_start3A_588 = arith.constant 0 : i32
          %dma_start3A_589 = tpu.memref_slice %arg2[%add3A_579, %dma_start3A_588] : memref<77000x512xf32, #tpu.memory_space<hbm>> -> memref<8x512xf32, #tpu.memory_space<hbm>>
          tpu.enqueue_dma source(%dma_start3A_589 : memref<8x512xf32, #tpu.memory_space<hbm>>) target(%dma_start3A_587 : memref<8x512xf32, #tpu.memory_space<vmem>>) target_semaphore(%arg17 : memref<!tpu.dma_semaphore, #tpu.memory_space<semaphore_mem>>)
        } else {
        }
        %add3A_401 = arith.constant 2 : i32
        %add3A_402 = arith.addi %mul3A_336, %add3A_401 : i32
        %dma_wait3A_403 = arith.constant 0 : i32
        %dma_wait3A_404 = arith.constant 0 : i32
        %dma_wait3A_405 = tpu.memref_slice %arg8[%dma_wait3A_403, %dma_wait3A_404] : memref<32x512xf32, #tpu.memory_space<vmem>> -> memref<8x512xf32, #tpu.memory_space<vmem>>
        %dma_wait3A_406 = arith.constant 0 : i32
        %dma_wait3A_407 = tpu.memref_slice %arg2[%mul3A_2, %dma_wait3A_406] : memref<77000x512xf32, #tpu.memory_space<hbm>> -> memref<8x512xf32, #tpu.memory_space<hbm>>
        %dma_wait3A_408 = arith.constant 0 : i32
        %dma_wait3A_409 = arith.constant 0 : i32
        %dma_wait3A_410 = tpu.memref_slice %arg8[%dma_wait3A_408, %dma_wait3A_409] : memref<32x512xf32, #tpu.memory_space<vmem>> -> memref<8x512xf32, #tpu.memory_space<vmem>>
        %dma_wait3A_411 = arith.constant 0 : i32
        %dma_wait3A_412 = tpu.memref_slice %arg2[%mul3A_2, %dma_wait3A_411] : memref<77000x512xf32, #tpu.memory_space<hbm>> -> memref<8x512xf32, #tpu.memory_space<hbm>>
        tpu.wait_dma2 semaphore(%arg18 : memref<!tpu.dma_semaphore, #tpu.memory_space<semaphore_mem>>) src(%dma_wait3A_412 : memref<8x512xf32, #tpu.memory_space<hbm>>) dst(%dma_wait3A_410 : memref<8x512xf32, #tpu.memory_space<vmem>>)
        %mul3A_413 = arith.constant 1000 : i32
        %mul3A_414 = arith.muli %add3A_402, %mul3A_413 : i32
        %add3A_415 = arith.addi %mul3A_414, %mul3A_2 : i32
        %dma_start3A_416 = arith.constant 0 : i32
        %dma_start3A_417 = arith.constant 0 : i32
        %dma_start3A_418 = tpu.memref_slice %arg8[%dma_start3A_416, %dma_start3A_417] : memref<32x512xf32, #tpu.memory_space<vmem>> -> memref<8x512xf32, #tpu.memory_space<vmem>>
        %dma_start3A_419 = arith.constant 0 : i32
        %dma_start3A_420 = tpu.memref_slice %arg5[%add3A_415, %dma_start3A_419] : memref<77000x512xf32, #tpu.memory_space<hbm>> -> memref<8x512xf32, #tpu.memory_space<hbm>>
        %dma_start3A_421 = arith.constant 0 : i32
        %dma_start3A_422 = tpu.memref_slice %arg5[%add3A_415, %dma_start3A_421] : memref<77000x512xf32, #tpu.memory_space<hbm>> -> memref<8x512xf32, #tpu.memory_space<hbm>>
        %dma_start3A_423 = arith.constant 0 : i32
        %dma_start3A_424 = arith.constant 0 : i32
        %dma_start3A_425 = tpu.memref_slice %arg8[%dma_start3A_423, %dma_start3A_424] : memref<32x512xf32, #tpu.memory_space<vmem>> -> memref<8x512xf32, #tpu.memory_space<vmem>>
        tpu.enqueue_dma source(%dma_start3A_425 : memref<8x512xf32, #tpu.memory_space<vmem>>) target(%dma_start3A_422 : memref<8x512xf32, #tpu.memory_space<hbm>>) target_semaphore(%arg25 : memref<!tpu.dma_semaphore, #tpu.memory_space<semaphore_mem>>)
        %add3A_426 = arith.constant 1 : i32
        %add3A_427 = arith.addi %scan3A_334, %add3A_426 : i32
        %lt3A_428 = arith.constant 11 : i32
        %lt3A_429 = arith.cmpi slt, %add3A_427, %lt3A_428 : i32
        %convert_element_type3A_430 = arith.extui %lt3A_429 : i1 to i32
        %cond3A_431 = arith.constant 0 : i32
        %cond3A_432 = arith.cmpi ne, %convert_element_type3A_430, %cond3A_431 : i32
        scf.if %cond3A_432 {
          %dma_wait3A_565 = arith.constant 0 : i32
          %dma_wait3A_566 = arith.constant 0 : i32
          %dma_wait3A_567 = tpu.memref_slice %arg8[%dma_wait3A_565, %dma_wait3A_566] : memref<32x512xf32, #tpu.memory_space<vmem>> -> memref<8x512xf32, #tpu.memory_space<vmem>>
          %dma_wait3A_568 = arith.constant 0 : i32
          %dma_wait3A_569 = tpu.memref_slice %arg5[%mul3A_2, %dma_wait3A_568] : memref<77000x512xf32, #tpu.memory_space<hbm>> -> memref<8x512xf32, #tpu.memory_space<hbm>>
          %dma_wait3A_570 = arith.constant 0 : i32
          %dma_wait3A_571 = tpu.memref_slice %arg5[%mul3A_2, %dma_wait3A_570] : memref<77000x512xf32, #tpu.memory_space<hbm>> -> memref<8x512xf32, #tpu.memory_space<hbm>>
          %dma_wait3A_572 = arith.constant 0 : i32
          %dma_wait3A_573 = arith.constant 0 : i32
          %dma_wait3A_574 = tpu.memref_slice %arg8[%dma_wait3A_572, %dma_wait3A_573] : memref<32x512xf32, #tpu.memory_space<vmem>> -> memref<8x512xf32, #tpu.memory_space<vmem>>
          tpu.wait_dma2 semaphore(%arg25 : memref<!tpu.dma_semaphore, #tpu.memory_space<semaphore_mem>>) src(%dma_wait3A_574 : memref<8x512xf32, #tpu.memory_space<vmem>>) dst(%dma_wait3A_571 : memref<8x512xf32, #tpu.memory_space<hbm>>)
          %add3A_575 = arith.constant 7 : i32
          %add3A_576 = arith.addi %add3A_402, %add3A_575 : i32
          %mul3A_577 = arith.constant 1000 : i32
          %mul3A_578 = arith.muli %add3A_576, %mul3A_577 : i32
          %add3A_579 = arith.addi %mul3A_578, %mul3A_2 : i32
          %dma_start3A_580 = arith.constant 0 : i32
          %dma_start3A_581 = arith.constant 0 : i32
          %dma_start3A_582 = tpu.memref_slice %arg8[%dma_start3A_580, %dma_start3A_581] : memref<32x512xf32, #tpu.memory_space<vmem>> -> memref<8x512xf32, #tpu.memory_space<vmem>>
          %dma_start3A_583 = arith.constant 0 : i32
          %dma_start3A_584 = tpu.memref_slice %arg2[%add3A_579, %dma_start3A_583] : memref<77000x512xf32, #tpu.memory_space<hbm>> -> memref<8x512xf32, #tpu.memory_space<hbm>>
          %dma_start3A_585 = arith.constant 0 : i32
          %dma_start3A_586 = arith.constant 0 : i32
          %dma_start3A_587 = tpu.memref_slice %arg8[%dma_start3A_585, %dma_start3A_586] : memref<32x512xf32, #tpu.memory_space<vmem>> -> memref<8x512xf32, #tpu.memory_space<vmem>>
          %dma_start3A_588 = arith.constant 0 : i32
          %dma_start3A_589 = tpu.memref_slice %arg2[%add3A_579, %dma_start3A_588] : memref<77000x512xf32, #tpu.memory_space<hbm>> -> memref<8x512xf32, #tpu.memory_space<hbm>>
          tpu.enqueue_dma source(%dma_start3A_589 : memref<8x512xf32, #tpu.memory_space<hbm>>) target(%dma_start3A_587 : memref<8x512xf32, #tpu.memory_space<vmem>>) target_semaphore(%arg18 : memref<!tpu.dma_semaphore, #tpu.memory_space<semaphore_mem>>)
        } else {
        }
        %add3A_433 = arith.constant 3 : i32
        %add3A_434 = arith.addi %mul3A_336, %add3A_433 : i32
        %dma_wait3A_435 = arith.constant 0 : i32
        %dma_wait3A_436 = arith.constant 0 : i32
        %dma_wait3A_437 = tpu.memref_slice %arg9[%dma_wait3A_435, %dma_wait3A_436] : memref<32x512xf32, #tpu.memory_space<vmem>> -> memref<8x512xf32, #tpu.memory_space<vmem>>
        %dma_wait3A_438 = arith.constant 0 : i32
        %dma_wait3A_439 = tpu.memref_slice %arg2[%mul3A_2, %dma_wait3A_438] : memref<77000x512xf32, #tpu.memory_space<hbm>> -> memref<8x512xf32, #tpu.memory_space<hbm>>
        %dma_wait3A_440 = arith.constant 0 : i32
        %dma_wait3A_441 = arith.constant 0 : i32
        %dma_wait3A_442 = tpu.memref_slice %arg9[%dma_wait3A_440, %dma_wait3A_441] : memref<32x512xf32, #tpu.memory_space<vmem>> -> memref<8x512xf32, #tpu.memory_space<vmem>>
        %dma_wait3A_443 = arith.constant 0 : i32
        %dma_wait3A_444 = tpu.memref_slice %arg2[%mul3A_2, %dma_wait3A_443] : memref<77000x512xf32, #tpu.memory_space<hbm>> -> memref<8x512xf32, #tpu.memory_space<hbm>>
        tpu.wait_dma2 semaphore(%arg19 : memref<!tpu.dma_semaphore, #tpu.memory_space<semaphore_mem>>) src(%dma_wait3A_444 : memref<8x512xf32, #tpu.memory_space<hbm>>) dst(%dma_wait3A_442 : memref<8x512xf32, #tpu.memory_space<vmem>>)
        %mul3A_445 = arith.constant 1000 : i32
        %mul3A_446 = arith.muli %add3A_434, %mul3A_445 : i32
        %add3A_447 = arith.addi %mul3A_446, %mul3A_2 : i32
        %dma_start3A_448 = arith.constant 0 : i32
        %dma_start3A_449 = arith.constant 0 : i32
        %dma_start3A_450 = tpu.memref_slice %arg9[%dma_start3A_448, %dma_start3A_449] : memref<32x512xf32, #tpu.memory_space<vmem>> -> memref<8x512xf32, #tpu.memory_space<vmem>>
        %dma_start3A_451 = arith.constant 0 : i32
        %dma_start3A_452 = tpu.memref_slice %arg5[%add3A_447, %dma_start3A_451] : memref<77000x512xf32, #tpu.memory_space<hbm>> -> memref<8x512xf32, #tpu.memory_space<hbm>>
        %dma_start3A_453 = arith.constant 0 : i32
        %dma_start3A_454 = tpu.memref_slice %arg5[%add3A_447, %dma_start3A_453] : memref<77000x512xf32, #tpu.memory_space<hbm>> -> memref<8x512xf32, #tpu.memory_space<hbm>>
        %dma_start3A_455 = arith.constant 0 : i32
        %dma_start3A_456 = arith.constant 0 : i32
        %dma_start3A_457 = tpu.memref_slice %arg9[%dma_start3A_455, %dma_start3A_456] : memref<32x512xf32, #tpu.memory_space<vmem>> -> memref<8x512xf32, #tpu.memory_space<vmem>>
        tpu.enqueue_dma source(%dma_start3A_457 : memref<8x512xf32, #tpu.memory_space<vmem>>) target(%dma_start3A_454 : memref<8x512xf32, #tpu.memory_space<hbm>>) target_semaphore(%arg26 : memref<!tpu.dma_semaphore, #tpu.memory_space<semaphore_mem>>)
        %add3A_458 = arith.constant 1 : i32
        %add3A_459 = arith.addi %scan3A_334, %add3A_458 : i32
        %lt3A_460 = arith.constant 11 : i32
        %lt3A_461 = arith.cmpi slt, %add3A_459, %lt3A_460 : i32
        %convert_element_type3A_462 = arith.extui %lt3A_461 : i1 to i32
        %cond3A_463 = arith.constant 0 : i32
        %cond3A_464 = arith.cmpi ne, %convert_element_type3A_462, %cond3A_463 : i32
        scf.if %cond3A_464 {
          %dma_wait3A_565 = arith.constant 0 : i32
          %dma_wait3A_566 = arith.constant 0 : i32
          %dma_wait3A_567 = tpu.memref_slice %arg9[%dma_wait3A_565, %dma_wait3A_566] : memref<32x512xf32, #tpu.memory_space<vmem>> -> memref<8x512xf32, #tpu.memory_space<vmem>>
          %dma_wait3A_568 = arith.constant 0 : i32
          %dma_wait3A_569 = tpu.memref_slice %arg5[%mul3A_2, %dma_wait3A_568] : memref<77000x512xf32, #tpu.memory_space<hbm>> -> memref<8x512xf32, #tpu.memory_space<hbm>>
          %dma_wait3A_570 = arith.constant 0 : i32
          %dma_wait3A_571 = tpu.memref_slice %arg5[%mul3A_2, %dma_wait3A_570] : memref<77000x512xf32, #tpu.memory_space<hbm>> -> memref<8x512xf32, #tpu.memory_space<hbm>>
          %dma_wait3A_572 = arith.constant 0 : i32
          %dma_wait3A_573 = arith.constant 0 : i32
          %dma_wait3A_574 = tpu.memref_slice %arg9[%dma_wait3A_572, %dma_wait3A_573] : memref<32x512xf32, #tpu.memory_space<vmem>> -> memref<8x512xf32, #tpu.memory_space<vmem>>
          tpu.wait_dma2 semaphore(%arg26 : memref<!tpu.dma_semaphore, #tpu.memory_space<semaphore_mem>>) src(%dma_wait3A_574 : memref<8x512xf32, #tpu.memory_space<vmem>>) dst(%dma_wait3A_571 : memref<8x512xf32, #tpu.memory_space<hbm>>)
          %add3A_575 = arith.constant 7 : i32
          %add3A_576 = arith.addi %add3A_434, %add3A_575 : i32
          %mul3A_577 = arith.constant 1000 : i32
          %mul3A_578 = arith.muli %add3A_576, %mul3A_577 : i32
          %add3A_579 = arith.addi %mul3A_578, %mul3A_2 : i32
          %dma_start3A_580 = arith.constant 0 : i32
          %dma_start3A_581 = arith.constant 0 : i32
          %dma_start3A_582 = tpu.memref_slice %arg9[%dma_start3A_580, %dma_start3A_581] : memref<32x512xf32, #tpu.memory_space<vmem>> -> memref<8x512xf32, #tpu.memory_space<vmem>>
          %dma_start3A_583 = arith.constant 0 : i32
          %dma_start3A_584 = tpu.memref_slice %arg2[%add3A_579, %dma_start3A_583] : memref<77000x512xf32, #tpu.memory_space<hbm>> -> memref<8x512xf32, #tpu.memory_space<hbm>>
          %dma_start3A_585 = arith.constant 0 : i32
          %dma_start3A_586 = arith.constant 0 : i32
          %dma_start3A_587 = tpu.memref_slice %arg9[%dma_start3A_585, %dma_start3A_586] : memref<32x512xf32, #tpu.memory_space<vmem>> -> memref<8x512xf32, #tpu.memory_space<vmem>>
          %dma_start3A_588 = arith.constant 0 : i32
          %dma_start3A_589 = tpu.memref_slice %arg2[%add3A_579, %dma_start3A_588] : memref<77000x512xf32, #tpu.memory_space<hbm>> -> memref<8x512xf32, #tpu.memory_space<hbm>>
          tpu.enqueue_dma source(%dma_start3A_589 : memref<8x512xf32, #tpu.memory_space<hbm>>) target(%dma_start3A_587 : memref<8x512xf32, #tpu.memory_space<vmem>>) target_semaphore(%arg19 : memref<!tpu.dma_semaphore, #tpu.memory_space<semaphore_mem>>)
        } else {
        }
        %add3A_465 = arith.constant 4 : i32
        %add3A_466 = arith.addi %mul3A_336, %add3A_465 : i32
        %dma_wait3A_467 = arith.constant 0 : i32
        %dma_wait3A_468 = arith.constant 0 : i32
        %dma_wait3A_469 = tpu.memref_slice %arg10[%dma_wait3A_467, %dma_wait3A_468] : memref<32x512xf32, #tpu.memory_space<vmem>> -> memref<8x512xf32, #tpu.memory_space<vmem>>
        %dma_wait3A_470 = arith.constant 0 : i32
        %dma_wait3A_471 = tpu.memref_slice %arg2[%mul3A_2, %dma_wait3A_470] : memref<77000x512xf32, #tpu.memory_space<hbm>> -> memref<8x512xf32, #tpu.memory_space<hbm>>
        %dma_wait3A_472 = arith.constant 0 : i32
        %dma_wait3A_473 = arith.constant 0 : i32
        %dma_wait3A_474 = tpu.memref_slice %arg10[%dma_wait3A_472, %dma_wait3A_473] : memref<32x512xf32, #tpu.memory_space<vmem>> -> memref<8x512xf32, #tpu.memory_space<vmem>>
        %dma_wait3A_475 = arith.constant 0 : i32
        %dma_wait3A_476 = tpu.memref_slice %arg2[%mul3A_2, %dma_wait3A_475] : memref<77000x512xf32, #tpu.memory_space<hbm>> -> memref<8x512xf32, #tpu.memory_space<hbm>>
        tpu.wait_dma2 semaphore(%arg20 : memref<!tpu.dma_semaphore, #tpu.memory_space<semaphore_mem>>) src(%dma_wait3A_476 : memref<8x512xf32, #tpu.memory_space<hbm>>) dst(%dma_wait3A_474 : memref<8x512xf32, #tpu.memory_space<vmem>>)
        %mul3A_477 = arith.constant 1000 : i32
        %mul3A_478 = arith.muli %add3A_466, %mul3A_477 : i32
        %add3A_479 = arith.addi %mul3A_478, %mul3A_2 : i32
        %dma_start3A_480 = arith.constant 0 : i32
        %dma_start3A_481 = arith.constant 0 : i32
        %dma_start3A_482 = tpu.memref_slice %arg10[%dma_start3A_480, %dma_start3A_481] : memref<32x512xf32, #tpu.memory_space<vmem>> -> memref<8x512xf32, #tpu.memory_space<vmem>>
        %dma_start3A_483 = arith.constant 0 : i32
        %dma_start3A_484 = tpu.memref_slice %arg5[%add3A_479, %dma_start3A_483] : memref<77000x512xf32, #tpu.memory_space<hbm>> -> memref<8x512xf32, #tpu.memory_space<hbm>>
        %dma_start3A_485 = arith.constant 0 : i32
        %dma_start3A_486 = tpu.memref_slice %arg5[%add3A_479, %dma_start3A_485] : memref<77000x512xf32, #tpu.memory_space<hbm>> -> memref<8x512xf32, #tpu.memory_space<hbm>>
        %dma_start3A_487 = arith.constant 0 : i32
        %dma_start3A_488 = arith.constant 0 : i32
        %dma_start3A_489 = tpu.memref_slice %arg10[%dma_start3A_487, %dma_start3A_488] : memref<32x512xf32, #tpu.memory_space<vmem>> -> memref<8x512xf32, #tpu.memory_space<vmem>>
        tpu.enqueue_dma source(%dma_start3A_489 : memref<8x512xf32, #tpu.memory_space<vmem>>) target(%dma_start3A_486 : memref<8x512xf32, #tpu.memory_space<hbm>>) target_semaphore(%arg27 : memref<!tpu.dma_semaphore, #tpu.memory_space<semaphore_mem>>)
        %add3A_490 = arith.constant 1 : i32
        %add3A_491 = arith.addi %scan3A_334, %add3A_490 : i32
        %lt3A_492 = arith.constant 11 : i32
        %lt3A_493 = arith.cmpi slt, %add3A_491, %lt3A_492 : i32
        %convert_element_type3A_494 = arith.extui %lt3A_493 : i1 to i32
        %cond3A_495 = arith.constant 0 : i32
        %cond3A_496 = arith.cmpi ne, %convert_element_type3A_494, %cond3A_495 : i32
        scf.if %cond3A_496 {
          %dma_wait3A_565 = arith.constant 0 : i32
          %dma_wait3A_566 = arith.constant 0 : i32
          %dma_wait3A_567 = tpu.memref_slice %arg10[%dma_wait3A_565, %dma_wait3A_566] : memref<32x512xf32, #tpu.memory_space<vmem>> -> memref<8x512xf32, #tpu.memory_space<vmem>>
          %dma_wait3A_568 = arith.constant 0 : i32
          %dma_wait3A_569 = tpu.memref_slice %arg5[%mul3A_2, %dma_wait3A_568] : memref<77000x512xf32, #tpu.memory_space<hbm>> -> memref<8x512xf32, #tpu.memory_space<hbm>>
          %dma_wait3A_570 = arith.constant 0 : i32
          %dma_wait3A_571 = tpu.memref_slice %arg5[%mul3A_2, %dma_wait3A_570] : memref<77000x512xf32, #tpu.memory_space<hbm>> -> memref<8x512xf32, #tpu.memory_space<hbm>>
          %dma_wait3A_572 = arith.constant 0 : i32
          %dma_wait3A_573 = arith.constant 0 : i32
          %dma_wait3A_574 = tpu.memref_slice %arg10[%dma_wait3A_572, %dma_wait3A_573] : memref<32x512xf32, #tpu.memory_space<vmem>> -> memref<8x512xf32, #tpu.memory_space<vmem>>
          tpu.wait_dma2 semaphore(%arg27 : memref<!tpu.dma_semaphore, #tpu.memory_space<semaphore_mem>>) src(%dma_wait3A_574 : memref<8x512xf32, #tpu.memory_space<vmem>>) dst(%dma_wait3A_571 : memref<8x512xf32, #tpu.memory_space<hbm>>)
          %add3A_575 = arith.constant 7 : i32
          %add3A_576 = arith.addi %add3A_466, %add3A_575 : i32
          %mul3A_577 = arith.constant 1000 : i32
          %mul3A_578 = arith.muli %add3A_576, %mul3A_577 : i32
          %add3A_579 = arith.addi %mul3A_578, %mul3A_2 : i32
          %dma_start3A_580 = arith.constant 0 : i32
          %dma_start3A_581 = arith.constant 0 : i32
          %dma_start3A_582 = tpu.memref_slice %arg10[%dma_start3A_580, %dma_start3A_581] : memref<32x512xf32, #tpu.memory_space<vmem>> -> memref<8x512xf32, #tpu.memory_space<vmem>>
          %dma_start3A_583 = arith.constant 0 : i32
          %dma_start3A_584 = tpu.memref_slice %arg2[%add3A_579, %dma_start3A_583] : memref<77000x512xf32, #tpu.memory_space<hbm>> -> memref<8x512xf32, #tpu.memory_space<hbm>>
          %dma_start3A_585 = arith.constant 0 : i32
          %dma_start3A_586 = arith.constant 0 : i32
          %dma_start3A_587 = tpu.memref_slice %arg10[%dma_start3A_585, %dma_start3A_586] : memref<32x512xf32, #tpu.memory_space<vmem>> -> memref<8x512xf32, #tpu.memory_space<vmem>>
          %dma_start3A_588 = arith.constant 0 : i32
          %dma_start3A_589 = tpu.memref_slice %arg2[%add3A_579, %dma_start3A_588] : memref<77000x512xf32, #tpu.memory_space<hbm>> -> memref<8x512xf32, #tpu.memory_space<hbm>>
          tpu.enqueue_dma source(%dma_start3A_589 : memref<8x512xf32, #tpu.memory_space<hbm>>) target(%dma_start3A_587 : memref<8x512xf32, #tpu.memory_space<vmem>>) target_semaphore(%arg20 : memref<!tpu.dma_semaphore, #tpu.memory_space<semaphore_mem>>)
        } else {
        }
        %add3A_497 = arith.constant 5 : i32
        %add3A_498 = arith.addi %mul3A_336, %add3A_497 : i32
        %dma_wait3A_499 = arith.constant 0 : i32
        %dma_wait3A_500 = arith.constant 0 : i32
        %dma_wait3A_501 = tpu.memref_slice %arg11[%dma_wait3A_499, %dma_wait3A_500] : memref<32x512xf32, #tpu.memory_space<vmem>> -> memref<8x512xf32, #tpu.memory_space<vmem>>
        %dma_wait3A_502 = arith.constant 0 : i32
        %dma_wait3A_503 = tpu.memref_slice %arg2[%mul3A_2, %dma_wait3A_502] : memref<77000x512xf32, #tpu.memory_space<hbm>> -> memref<8x512xf32, #tpu.memory_space<hbm>>
        %dma_wait3A_504 = arith.constant 0 : i32
        %dma_wait3A_505 = arith.constant 0 : i32
        %dma_wait3A_506 = tpu.memref_slice %arg11[%dma_wait3A_504, %dma_wait3A_505] : memref<32x512xf32, #tpu.memory_space<vmem>> -> memref<8x512xf32, #tpu.memory_space<vmem>>
        %dma_wait3A_507 = arith.constant 0 : i32
        %dma_wait3A_508 = tpu.memref_slice %arg2[%mul3A_2, %dma_wait3A_507] : memref<77000x512xf32, #tpu.memory_space<hbm>> -> memref<8x512xf32, #tpu.memory_space<hbm>>
        tpu.wait_dma2 semaphore(%arg21 : memref<!tpu.dma_semaphore, #tpu.memory_space<semaphore_mem>>) src(%dma_wait3A_508 : memref<8x512xf32, #tpu.memory_space<hbm>>) dst(%dma_wait3A_506 : memref<8x512xf32, #tpu.memory_space<vmem>>)
        %mul3A_509 = arith.constant 1000 : i32
        %mul3A_510 = arith.muli %add3A_498, %mul3A_509 : i32
        %add3A_511 = arith.addi %mul3A_510, %mul3A_2 : i32
        %dma_start3A_512 = arith.constant 0 : i32
        %dma_start3A_513 = arith.constant 0 : i32
        %dma_start3A_514 = tpu.memref_slice %arg11[%dma_start3A_512, %dma_start3A_513] : memref<32x512xf32, #tpu.memory_space<vmem>> -> memref<8x512xf32, #tpu.memory_space<vmem>>
        %dma_start3A_515 = arith.constant 0 : i32
        %dma_start3A_516 = tpu.memref_slice %arg5[%add3A_511, %dma_start3A_515] : memref<77000x512xf32, #tpu.memory_space<hbm>> -> memref<8x512xf32, #tpu.memory_space<hbm>>
        %dma_start3A_517 = arith.constant 0 : i32
        %dma_start3A_518 = tpu.memref_slice %arg5[%add3A_511, %dma_start3A_517] : memref<77000x512xf32, #tpu.memory_space<hbm>> -> memref<8x512xf32, #tpu.memory_space<hbm>>
        %dma_start3A_519 = arith.constant 0 : i32
        %dma_start3A_520 = arith.constant 0 : i32
        %dma_start3A_521 = tpu.memref_slice %arg11[%dma_start3A_519, %dma_start3A_520] : memref<32x512xf32, #tpu.memory_space<vmem>> -> memref<8x512xf32, #tpu.memory_space<vmem>>
        tpu.enqueue_dma source(%dma_start3A_521 : memref<8x512xf32, #tpu.memory_space<vmem>>) target(%dma_start3A_518 : memref<8x512xf32, #tpu.memory_space<hbm>>) target_semaphore(%arg28 : memref<!tpu.dma_semaphore, #tpu.memory_space<semaphore_mem>>)
        %add3A_522 = arith.constant 1 : i32
        %add3A_523 = arith.addi %scan3A_334, %add3A_522 : i32
        %lt3A_524 = arith.constant 11 : i32
        %lt3A_525 = arith.cmpi slt, %add3A_523, %lt3A_524 : i32
        %convert_element_type3A_526 = arith.extui %lt3A_525 : i1 to i32
        %cond3A_527 = arith.constant 0 : i32
        %cond3A_528 = arith.cmpi ne, %convert_element_type3A_526, %cond3A_527 : i32
        scf.if %cond3A_528 {
          %dma_wait3A_565 = arith.constant 0 : i32
          %dma_wait3A_566 = arith.constant 0 : i32
          %dma_wait3A_567 = tpu.memref_slice %arg11[%dma_wait3A_565, %dma_wait3A_566] : memref<32x512xf32, #tpu.memory_space<vmem>> -> memref<8x512xf32, #tpu.memory_space<vmem>>
          %dma_wait3A_568 = arith.constant 0 : i32
          %dma_wait3A_569 = tpu.memref_slice %arg5[%mul3A_2, %dma_wait3A_568] : memref<77000x512xf32, #tpu.memory_space<hbm>> -> memref<8x512xf32, #tpu.memory_space<hbm>>
          %dma_wait3A_570 = arith.constant 0 : i32
          %dma_wait3A_571 = tpu.memref_slice %arg5[%mul3A_2, %dma_wait3A_570] : memref<77000x512xf32, #tpu.memory_space<hbm>> -> memref<8x512xf32, #tpu.memory_space<hbm>>
          %dma_wait3A_572 = arith.constant 0 : i32
          %dma_wait3A_573 = arith.constant 0 : i32
          %dma_wait3A_574 = tpu.memref_slice %arg11[%dma_wait3A_572, %dma_wait3A_573] : memref<32x512xf32, #tpu.memory_space<vmem>> -> memref<8x512xf32, #tpu.memory_space<vmem>>
          tpu.wait_dma2 semaphore(%arg28 : memref<!tpu.dma_semaphore, #tpu.memory_space<semaphore_mem>>) src(%dma_wait3A_574 : memref<8x512xf32, #tpu.memory_space<vmem>>) dst(%dma_wait3A_571 : memref<8x512xf32, #tpu.memory_space<hbm>>)
          %add3A_575 = arith.constant 7 : i32
          %add3A_576 = arith.addi %add3A_498, %add3A_575 : i32
          %mul3A_577 = arith.constant 1000 : i32
          %mul3A_578 = arith.muli %add3A_576, %mul3A_577 : i32
          %add3A_579 = arith.addi %mul3A_578, %mul3A_2 : i32
          %dma_start3A_580 = arith.constant 0 : i32
          %dma_start3A_581 = arith.constant 0 : i32
          %dma_start3A_582 = tpu.memref_slice %arg11[%dma_start3A_580, %dma_start3A_581] : memref<32x512xf32, #tpu.memory_space<vmem>> -> memref<8x512xf32, #tpu.memory_space<vmem>>
          %dma_start3A_583 = arith.constant 0 : i32
          %dma_start3A_584 = tpu.memref_slice %arg2[%add3A_579, %dma_start3A_583] : memref<77000x512xf32, #tpu.memory_space<hbm>> -> memref<8x512xf32, #tpu.memory_space<hbm>>
          %dma_start3A_585 = arith.constant 0 : i32
          %dma_start3A_586 = arith.constant 0 : i32
          %dma_start3A_587 = tpu.memref_slice %arg11[%dma_start3A_585, %dma_start3A_586] : memref<32x512xf32, #tpu.memory_space<vmem>> -> memref<8x512xf32, #tpu.memory_space<vmem>>
          %dma_start3A_588 = arith.constant 0 : i32
          %dma_start3A_589 = tpu.memref_slice %arg2[%add3A_579, %dma_start3A_588] : memref<77000x512xf32, #tpu.memory_space<hbm>> -> memref<8x512xf32, #tpu.memory_space<hbm>>
          tpu.enqueue_dma source(%dma_start3A_589 : memref<8x512xf32, #tpu.memory_space<hbm>>) target(%dma_start3A_587 : memref<8x512xf32, #tpu.memory_space<vmem>>) target_semaphore(%arg21 : memref<!tpu.dma_semaphore, #tpu.memory_space<semaphore_mem>>)
        } else {
        }
        %add3A_529 = arith.constant 6 : i32
        %add3A_530 = arith.addi %mul3A_336, %add3A_529 : i32
        %dma_wait3A_531 = arith.constant 0 : i32
        %dma_wait3A_532 = arith.constant 0 : i32
        %dma_wait3A_533 = tpu.memref_slice %arg12[%dma_wait3A_531, %dma_wait3A_532] : memref<32x512xf32, #tpu.memory_space<vmem>> -> memref<8x512xf32, #tpu.memory_space<vmem>>
        %dma_wait3A_534 = arith.constant 0 : i32
        %dma_wait3A_535 = tpu.memref_slice %arg2[%mul3A_2, %dma_wait3A_534] : memref<77000x512xf32, #tpu.memory_space<hbm>> -> memref<8x512xf32, #tpu.memory_space<hbm>>
        %dma_wait3A_536 = arith.constant 0 : i32
        %dma_wait3A_537 = arith.constant 0 : i32
        %dma_wait3A_538 = tpu.memref_slice %arg12[%dma_wait3A_536, %dma_wait3A_537] : memref<32x512xf32, #tpu.memory_space<vmem>> -> memref<8x512xf32, #tpu.memory_space<vmem>>
        %dma_wait3A_539 = arith.constant 0 : i32
        %dma_wait3A_540 = tpu.memref_slice %arg2[%mul3A_2, %dma_wait3A_539] : memref<77000x512xf32, #tpu.memory_space<hbm>> -> memref<8x512xf32, #tpu.memory_space<hbm>>
        tpu.wait_dma2 semaphore(%arg22 : memref<!tpu.dma_semaphore, #tpu.memory_space<semaphore_mem>>) src(%dma_wait3A_540 : memref<8x512xf32, #tpu.memory_space<hbm>>) dst(%dma_wait3A_538 : memref<8x512xf32, #tpu.memory_space<vmem>>)
        %mul3A_541 = arith.constant 1000 : i32
        %mul3A_542 = arith.muli %add3A_530, %mul3A_541 : i32
        %add3A_543 = arith.addi %mul3A_542, %mul3A_2 : i32
        %dma_start3A_544 = arith.constant 0 : i32
        %dma_start3A_545 = arith.constant 0 : i32
        %dma_start3A_546 = tpu.memref_slice %arg12[%dma_start3A_544, %dma_start3A_545] : memref<32x512xf32, #tpu.memory_space<vmem>> -> memref<8x512xf32, #tpu.memory_space<vmem>>
        %dma_start3A_547 = arith.constant 0 : i32
        %dma_start3A_548 = tpu.memref_slice %arg5[%add3A_543, %dma_start3A_547] : memref<77000x512xf32, #tpu.memory_space<hbm>> -> memref<8x512xf32, #tpu.memory_space<hbm>>
        %dma_start3A_549 = arith.constant 0 : i32
        %dma_start3A_550 = tpu.memref_slice %arg5[%add3A_543, %dma_start3A_549] : memref<77000x512xf32, #tpu.memory_space<hbm>> -> memref<8x512xf32, #tpu.memory_space<hbm>>
        %dma_start3A_551 = arith.constant 0 : i32
        %dma_start3A_552 = arith.constant 0 : i32
        %dma_start3A_553 = tpu.memref_slice %arg12[%dma_start3A_551, %dma_start3A_552] : memref<32x512xf32, #tpu.memory_space<vmem>> -> memref<8x512xf32, #tpu.memory_space<vmem>>
        tpu.enqueue_dma source(%dma_start3A_553 : memref<8x512xf32, #tpu.memory_space<vmem>>) target(%dma_start3A_550 : memref<8x512xf32, #tpu.memory_space<hbm>>) target_semaphore(%arg29 : memref<!tpu.dma_semaphore, #tpu.memory_space<semaphore_mem>>)
        %add3A_554 = arith.constant 1 : i32
        %add3A_555 = arith.addi %scan3A_334, %add3A_554 : i32
        %lt3A_556 = arith.constant 11 : i32
        %lt3A_557 = arith.cmpi slt, %add3A_555, %lt3A_556 : i32
        %convert_element_type3A_558 = arith.extui %lt3A_557 : i1 to i32
        %cond3A_559 = arith.constant 0 : i32
        %cond3A_560 = arith.cmpi ne, %convert_element_type3A_558, %cond3A_559 : i32
        scf.if %cond3A_560 {
          %dma_wait3A_565 = arith.constant 0 : i32
          %dma_wait3A_566 = arith.constant 0 : i32
          %dma_wait3A_567 = tpu.memref_slice %arg12[%dma_wait3A_565, %dma_wait3A_566] : memref<32x512xf32, #tpu.memory_space<vmem>> -> memref<8x512xf32, #tpu.memory_space<vmem>>
          %dma_wait3A_568 = arith.constant 0 : i32
          %dma_wait3A_569 = tpu.memref_slice %arg5[%mul3A_2, %dma_wait3A_568] : memref<77000x512xf32, #tpu.memory_space<hbm>> -> memref<8x512xf32, #tpu.memory_space<hbm>>
          %dma_wait3A_570 = arith.constant 0 : i32
          %dma_wait3A_571 = tpu.memref_slice %arg5[%mul3A_2, %dma_wait3A_570] : memref<77000x512xf32, #tpu.memory_space<hbm>> -> memref<8x512xf32, #tpu.memory_space<hbm>>
          %dma_wait3A_572 = arith.constant 0 : i32
          %dma_wait3A_573 = arith.constant 0 : i32
          %dma_wait3A_574 = tpu.memref_slice %arg12[%dma_wait3A_572, %dma_wait3A_573] : memref<32x512xf32, #tpu.memory_space<vmem>> -> memref<8x512xf32, #tpu.memory_space<vmem>>
          tpu.wait_dma2 semaphore(%arg29 : memref<!tpu.dma_semaphore, #tpu.memory_space<semaphore_mem>>) src(%dma_wait3A_574 : memref<8x512xf32, #tpu.memory_space<vmem>>) dst(%dma_wait3A_571 : memref<8x512xf32, #tpu.memory_space<hbm>>)
          %add3A_575 = arith.constant 7 : i32
          %add3A_576 = arith.addi %add3A_530, %add3A_575 : i32
          %mul3A_577 = arith.constant 1000 : i32
          %mul3A_578 = arith.muli %add3A_576, %mul3A_577 : i32
          %add3A_579 = arith.addi %mul3A_578, %mul3A_2 : i32
          %dma_start3A_580 = arith.constant 0 : i32
          %dma_start3A_581 = arith.constant 0 : i32
          %dma_start3A_582 = tpu.memref_slice %arg12[%dma_start3A_580, %dma_start3A_581] : memref<32x512xf32, #tpu.memory_space<vmem>> -> memref<8x512xf32, #tpu.memory_space<vmem>>
          %dma_start3A_583 = arith.constant 0 : i32
          %dma_start3A_584 = tpu.memref_slice %arg2[%add3A_579, %dma_start3A_583] : memref<77000x512xf32, #tpu.memory_space<hbm>> -> memref<8x512xf32, #tpu.memory_space<hbm>>
          %dma_start3A_585 = arith.constant 0 : i32
          %dma_start3A_586 = arith.constant 0 : i32
          %dma_start3A_587 = tpu.memref_slice %arg12[%dma_start3A_585, %dma_start3A_586] : memref<32x512xf32, #tpu.memory_space<vmem>> -> memref<8x512xf32, #tpu.memory_space<vmem>>
          %dma_start3A_588 = arith.constant 0 : i32
          %dma_start3A_589 = tpu.memref_slice %arg2[%add3A_579, %dma_start3A_588] : memref<77000x512xf32, #tpu.memory_space<hbm>> -> memref<8x512xf32, #tpu.memory_space<hbm>>
          tpu.enqueue_dma source(%dma_start3A_589 : memref<8x512xf32, #tpu.memory_space<hbm>>) target(%dma_start3A_587 : memref<8x512xf32, #tpu.memory_space<vmem>>) target_semaphore(%arg22 : memref<!tpu.dma_semaphore, #tpu.memory_space<semaphore_mem>>)
        } else {
        }
        %eq3A = arith.constant 6 : i32
        %eq3A_561 = arith.cmpi eq, %scan3A_334, %eq3A : i32
        %convert_element_type3A_562 = arith.extui %eq3A_561 : i1 to i32
        %cond3A_563 = arith.constant 0 : i32
        %cond3A_564 = arith.cmpi ne, %convert_element_type3A_562, %cond3A_563 : i32
        scf.if %cond3A_564 {
          %scan3A_565 = arith.constant 0 : i32
          %scan3A_566 = arith.constant 8 : i32
          %scan3A_567 = arith.addi %scan3A_565, %scan3A_566 : i32
          %scan3A_568 = arith.constant 1 : i32
          scf.for %scan3A_570 = %scan3A_565 to %scan3A_567 step %scan3A_568  : i32 {
            %get3A_571 = arith.index_cast %scan3A_570 : i32 to index
            %get3A_572 = memref.load %arg15[%get3A_571] : memref<32xi32, #tpu.memory_space<smem>>
            %add3A_573 = vector.broadcast %get3A_572 : i32 to vector<16xi32>
            %add3A_574 = arith.addi %add3A_573, %iota3A : vector<16xi32>
            %mul3A_575 = arith.constant 1000 : i32
            %mul3A_576 = vector.broadcast %mul3A_575 : i32 to vector<16xi32>
            %mul3A_577 = arith.muli %add3A_574, %mul3A_576 : vector<16xi32>
            %add3A_578 = arith.addi %mul3A_2, %scan3A_570 : i32
            %add3A_579 = vector.broadcast %add3A_578 : i32 to vector<16xi32>
            %add3A_580 = arith.addi %mul3A_577, %add3A_579 : vector<16xi32>
            %dma_start3A_581 = arith.constant 0 : i32
            %dma_start3A_582 = arith.constant 0 : i32
            %dma_start3A_583 = tpu.memref_slice %arg5[%dma_start3A_581, %dma_start3A_582] : memref<77000x512xf32, #tpu.memory_space<hbm>> -> memref<77000x512xf32, #tpu.memory_space<hbm>>
            tpu.enqueue_indirect_dma source(%arg13 : memref<16x512xf32, #tpu.memory_space<vmem>>) target(%dma_start3A_583 : memref<77000x512xf32, #tpu.memory_space<hbm>>) offsets(%add3A_580 : vector<16xi32>) semaphore(%arg30 : memref<!tpu.dma_semaphore, #tpu.memory_space<semaphore_mem>>)
          }
          %scan3A_569 = arith.constant 8 : i32
        } else {
        }
      }
      %scan3A_259 = arith.constant 11 : i32
      %dma_wait3A = arith.constant 0 : i32
      %dma_wait3A_260 = arith.constant 0 : i32
      %dma_wait3A_261 = tpu.memref_slice %arg6[%dma_wait3A, %dma_wait3A_260] : memref<32x512xf32, #tpu.memory_space<vmem>> -> memref<8x512xf32, #tpu.memory_space<vmem>>
      %dma_wait3A_262 = arith.constant 0 : i32
      %dma_wait3A_263 = tpu.memref_slice %arg5[%mul3A_2, %dma_wait3A_262] : memref<77000x512xf32, #tpu.memory_space<hbm>> -> memref<8x512xf32, #tpu.memory_space<hbm>>
      %dma_wait3A_264 = arith.constant 0 : i32
      %dma_wait3A_265 = tpu.memref_slice %arg5[%mul3A_2, %dma_wait3A_264] : memref<77000x512xf32, #tpu.memory_space<hbm>> -> memref<8x512xf32, #tpu.memory_space<hbm>>
      %dma_wait3A_266 = arith.constant 0 : i32
      %dma_wait3A_267 = arith.constant 0 : i32
      %dma_wait3A_268 = tpu.memref_slice %arg6[%dma_wait3A_266, %dma_wait3A_267] : memref<32x512xf32, #tpu.memory_space<vmem>> -> memref<8x512xf32, #tpu.memory_space<vmem>>
      tpu.wait_dma2 semaphore(%arg23 : memref<!tpu.dma_semaphore, #tpu.memory_space<semaphore_mem>>) src(%dma_wait3A_268 : memref<8x512xf32, #tpu.memory_space<vmem>>) dst(%dma_wait3A_265 : memref<8x512xf32, #tpu.memory_space<hbm>>)
      %dma_wait3A_269 = arith.constant 0 : i32
      %dma_wait3A_270 = arith.constant 0 : i32
      %dma_wait3A_271 = tpu.memref_slice %arg7[%dma_wait3A_269, %dma_wait3A_270] : memref<32x512xf32, #tpu.memory_space<vmem>> -> memref<8x512xf32, #tpu.memory_space<vmem>>
      %dma_wait3A_272 = arith.constant 0 : i32
      %dma_wait3A_273 = tpu.memref_slice %arg5[%mul3A_2, %dma_wait3A_272] : memref<77000x512xf32, #tpu.memory_space<hbm>> -> memref<8x512xf32, #tpu.memory_space<hbm>>
      %dma_wait3A_274 = arith.constant 0 : i32
      %dma_wait3A_275 = tpu.memref_slice %arg5[%mul3A_2, %dma_wait3A_274] : memref<77000x512xf32, #tpu.memory_space<hbm>> -> memref<8x512xf32, #tpu.memory_space<hbm>>
      %dma_wait3A_276 = arith.constant 0 : i32
      %dma_wait3A_277 = arith.constant 0 : i32
      %dma_wait3A_278 = tpu.memref_slice %arg7[%dma_wait3A_276, %dma_wait3A_277] : memref<32x512xf32, #tpu.memory_space<vmem>> -> memref<8x512xf32, #tpu.memory_space<vmem>>
      tpu.wait_dma2 semaphore(%arg24 : memref<!tpu.dma_semaphore, #tpu.memory_space<semaphore_mem>>) src(%dma_wait3A_278 : memref<8x512xf32, #tpu.memory_space<vmem>>) dst(%dma_wait3A_275 : memref<8x512xf32, #tpu.memory_space<hbm>>)
      %dma_wait3A_279 = arith.constant 0 : i32
      %dma_wait3A_280 = arith.constant 0 : i32
      %dma_wait3A_281 = tpu.memref_slice %arg8[%dma_wait3A_279, %dma_wait3A_280] : memref<32x512xf32, #tpu.memory_space<vmem>> -> memref<8x512xf32, #tpu.memory_space<vmem>>
      %dma_wait3A_282 = arith.constant 0 : i32
      %dma_wait3A_283 = tpu.memref_slice %arg5[%mul3A_2, %dma_wait3A_282] : memref<77000x512xf32, #tpu.memory_space<hbm>> -> memref<8x512xf32, #tpu.memory_space<hbm>>
      %dma_wait3A_284 = arith.constant 0 : i32
      %dma_wait3A_285 = tpu.memref_slice %arg5[%mul3A_2, %dma_wait3A_284] : memref<77000x512xf32, #tpu.memory_space<hbm>> -> memref<8x512xf32, #tpu.memory_space<hbm>>
      %dma_wait3A_286 = arith.constant 0 : i32
      %dma_wait3A_287 = arith.constant 0 : i32
      %dma_wait3A_288 = tpu.memref_slice %arg8[%dma_wait3A_286, %dma_wait3A_287] : memref<32x512xf32, #tpu.memory_space<vmem>> -> memref<8x512xf32, #tpu.memory_space<vmem>>
      tpu.wait_dma2 semaphore(%arg25 : memref<!tpu.dma_semaphore, #tpu.memory_space<semaphore_mem>>) src(%dma_wait3A_288 : memref<8x512xf32, #tpu.memory_space<vmem>>) dst(%dma_wait3A_285 : memref<8x512xf32, #tpu.memory_space<hbm>>)
      %dma_wait3A_289 = arith.constant 0 : i32
      %dma_wait3A_290 = arith.constant 0 : i32
      %dma_wait3A_291 = tpu.memref_slice %arg9[%dma_wait3A_289, %dma_wait3A_290] : memref<32x512xf32, #tpu.memory_space<vmem>> -> memref<8x512xf32, #tpu.memory_space<vmem>>
      %dma_wait3A_292 = arith.constant 0 : i32
      %dma_wait3A_293 = tpu.memref_slice %arg5[%mul3A_2, %dma_wait3A_292] : memref<77000x512xf32, #tpu.memory_space<hbm>> -> memref<8x512xf32, #tpu.memory_space<hbm>>
      %dma_wait3A_294 = arith.constant 0 : i32
      %dma_wait3A_295 = tpu.memref_slice %arg5[%mul3A_2, %dma_wait3A_294] : memref<77000x512xf32, #tpu.memory_space<hbm>> -> memref<8x512xf32, #tpu.memory_space<hbm>>
      %dma_wait3A_296 = arith.constant 0 : i32
      %dma_wait3A_297 = arith.constant 0 : i32
      %dma_wait3A_298 = tpu.memref_slice %arg9[%dma_wait3A_296, %dma_wait3A_297] : memref<32x512xf32, #tpu.memory_space<vmem>> -> memref<8x512xf32, #tpu.memory_space<vmem>>
      tpu.wait_dma2 semaphore(%arg26 : memref<!tpu.dma_semaphore, #tpu.memory_space<semaphore_mem>>) src(%dma_wait3A_298 : memref<8x512xf32, #tpu.memory_space<vmem>>) dst(%dma_wait3A_295 : memref<8x512xf32, #tpu.memory_space<hbm>>)
      %dma_wait3A_299 = arith.constant 0 : i32
      %dma_wait3A_300 = arith.constant 0 : i32
      %dma_wait3A_301 = tpu.memref_slice %arg10[%dma_wait3A_299, %dma_wait3A_300] : memref<32x512xf32, #tpu.memory_space<vmem>> -> memref<8x512xf32, #tpu.memory_space<vmem>>
      %dma_wait3A_302 = arith.constant 0 : i32
      %dma_wait3A_303 = tpu.memref_slice %arg5[%mul3A_2, %dma_wait3A_302] : memref<77000x512xf32, #tpu.memory_space<hbm>> -> memref<8x512xf32, #tpu.memory_space<hbm>>
      %dma_wait3A_304 = arith.constant 0 : i32
      %dma_wait3A_305 = tpu.memref_slice %arg5[%mul3A_2, %dma_wait3A_304] : memref<77000x512xf32, #tpu.memory_space<hbm>> -> memref<8x512xf32, #tpu.memory_space<hbm>>
      %dma_wait3A_306 = arith.constant 0 : i32
      %dma_wait3A_307 = arith.constant 0 : i32
      %dma_wait3A_308 = tpu.memref_slice %arg10[%dma_wait3A_306, %dma_wait3A_307] : memref<32x512xf32, #tpu.memory_space<vmem>> -> memref<8x512xf32, #tpu.memory_space<vmem>>
      tpu.wait_dma2 semaphore(%arg27 : memref<!tpu.dma_semaphore, #tpu.memory_space<semaphore_mem>>) src(%dma_wait3A_308 : memref<8x512xf32, #tpu.memory_space<vmem>>) dst(%dma_wait3A_305 : memref<8x512xf32, #tpu.memory_space<hbm>>)
      %dma_wait3A_309 = arith.constant 0 : i32
      %dma_wait3A_310 = arith.constant 0 : i32
      %dma_wait3A_311 = tpu.memref_slice %arg11[%dma_wait3A_309, %dma_wait3A_310] : memref<32x512xf32, #tpu.memory_space<vmem>> -> memref<8x512xf32, #tpu.memory_space<vmem>>
      %dma_wait3A_312 = arith.constant 0 : i32
      %dma_wait3A_313 = tpu.memref_slice %arg5[%mul3A_2, %dma_wait3A_312] : memref<77000x512xf32, #tpu.memory_space<hbm>> -> memref<8x512xf32, #tpu.memory_space<hbm>>
      %dma_wait3A_314 = arith.constant 0 : i32
      %dma_wait3A_315 = tpu.memref_slice %arg5[%mul3A_2, %dma_wait3A_314] : memref<77000x512xf32, #tpu.memory_space<hbm>> -> memref<8x512xf32, #tpu.memory_space<hbm>>
      %dma_wait3A_316 = arith.constant 0 : i32
      %dma_wait3A_317 = arith.constant 0 : i32
      %dma_wait3A_318 = tpu.memref_slice %arg11[%dma_wait3A_316, %dma_wait3A_317] : memref<32x512xf32, #tpu.memory_space<vmem>> -> memref<8x512xf32, #tpu.memory_space<vmem>>
      tpu.wait_dma2 semaphore(%arg28 : memref<!tpu.dma_semaphore, #tpu.memory_space<semaphore_mem>>) src(%dma_wait3A_318 : memref<8x512xf32, #tpu.memory_space<vmem>>) dst(%dma_wait3A_315 : memref<8x512xf32, #tpu.memory_space<hbm>>)
      %dma_wait3A_319 = arith.constant 0 : i32
      %dma_wait3A_320 = arith.constant 0 : i32
      %dma_wait3A_321 = tpu.memref_slice %arg12[%dma_wait3A_319, %dma_wait3A_320] : memref<32x512xf32, #tpu.memory_space<vmem>> -> memref<8x512xf32, #tpu.memory_space<vmem>>
      %dma_wait3A_322 = arith.constant 0 : i32
      %dma_wait3A_323 = tpu.memref_slice %arg5[%mul3A_2, %dma_wait3A_322] : memref<77000x512xf32, #tpu.memory_space<hbm>> -> memref<8x512xf32, #tpu.memory_space<hbm>>
      %dma_wait3A_324 = arith.constant 0 : i32
      %dma_wait3A_325 = tpu.memref_slice %arg5[%mul3A_2, %dma_wait3A_324] : memref<77000x512xf32, #tpu.memory_space<hbm>> -> memref<8x512xf32, #tpu.memory_space<hbm>>
      %dma_wait3A_326 = arith.constant 0 : i32
      %dma_wait3A_327 = arith.constant 0 : i32
      %dma_wait3A_328 = tpu.memref_slice %arg12[%dma_wait3A_326, %dma_wait3A_327] : memref<32x512xf32, #tpu.memory_space<vmem>> -> memref<8x512xf32, #tpu.memory_space<vmem>>
      tpu.wait_dma2 semaphore(%arg29 : memref<!tpu.dma_semaphore, #tpu.memory_space<semaphore_mem>>) src(%dma_wait3A_328 : memref<8x512xf32, #tpu.memory_space<vmem>>) dst(%dma_wait3A_325 : memref<8x512xf32, #tpu.memory_space<hbm>>)
      %scan3A_329 = arith.constant 0 : i32
      %scan3A_330 = arith.constant 8 : i32
      %scan3A_331 = arith.addi %scan3A_329, %scan3A_330 : i32
      %scan3A_332 = arith.constant 1 : i32
      scf.for %scan3A_334 = %scan3A_329 to %scan3A_331 step %scan3A_332  : i32 {
        %mul3A_335 = arith.constant 1000 : i32
        %mul3A_336 = vector.broadcast %mul3A_335 : i32 to vector<16xi32>
        %mul3A_337 = arith.muli %iota3A, %mul3A_336 : vector<16xi32>
        %dma_wait3A_338 = arith.constant 0 : i32
        %dma_wait3A_339 = arith.constant 0 : i32
        %dma_wait3A_340 = tpu.memref_slice %arg5[%dma_wait3A_338, %dma_wait3A_339] : memref<77000x512xf32, #tpu.memory_space<hbm>> -> memref<77000x512xf32, #tpu.memory_space<hbm>>
        tpu.wait_indirect_dma semaphore(%arg30 : memref<!tpu.dma_semaphore, #tpu.memory_space<semaphore_mem>>) src(%arg13 : memref<16x512xf32, #tpu.memory_space<vmem>>) dst(%dma_wait3A_340 : memref<77000x512xf32, #tpu.memory_space<hbm>>)
      }
      %scan3A_333 = arith.constant 8 : i32
    } else {
    }
    return
  }
}

</mosaic_0001>

<sc_bundles>
// kernel: kernel.3.cloned.1.call-start
scs
__scs_entry_jumppad:
0x0: {  	(pc) =	sbr.rel $0x88, $3  }
0x1: {  	(tag) =	ssettag $0x0;
	lr =	simm.s32 $0x1  }
0x2: {  	[smem:$0x3F9E] =	sst lr;
	_ =	strace $0xD0000000  }
0x3: {  	_ = 	snop  }
0x4: {  	_ = 	snop  }
0x5: {  	_ = 	snop  }
0x6: {  	_ = 	snop  }
0x7: {  	_ = 	snop  }
__scs_overlays_trampoline_lowered:
0x8: {  	[smem:$0x3FAD] =	sst s0  }
0x9: {  	[smem:$0x3FAE] =	sst s1  }
0xa: {  	[smem:$0x3FAF] =	sst s2  }
0xb: {  	[smem:$0x3FB0] =	sst s3  }
0xc: {  	[smem:$0x3FB1] =	sst s4  }
0xd: {  	[smem:$0x3FB2] =	sst s5  }
0xe: {  	[smem:$0x3FB3] =	sst s6  }
0xf: {  	[smem:$0x3FB4] =	sst s7  }
0x10: {  	[smem:$0x3FB5] =	sst s8  }
0x11: {  	[smem:$0x3FB6] =	sst s9;
	s0 =	simm.s32 @!p0 $0x0  }
0x12: {  	s1 =	sld [smem:$0x3F9C];
	s0 =	simm.s32 @p0 $0x1  }
0x13: {  	[smem:$0x3FB7] =	sst s0;
	s0 =	simm.s32 @!p1 $0x0  }
0x14: {  	s2 =	sld [smem:$0x3F9B];
	s0 =	simm.s32 @p1 $0x1  }
0x15: {  	[smem:$0x3FB8] =	sst s0;
	s0 =	simm.s32 @!p2 $0x0  }
0x16: {  	s3 =	sld [smem:$0x3FDB];
	s0 =	simm.s32 @p2 $0x1  }
0x17: {  	s4 =	simm.s32 $0x1BF5;
	[smem:$0x3FBA] =	sst s0  }
0x18: {  	s0 =	sld [smem:$0x3F9D];
	_ =	swait.ge [sflag:s4], $0x0  }
0x19: {  	s7 =	sld [smem:$0x3F9E]  }
0x1a: {  	s8 =	sadd.s32 $0xFFFFE003, lr  }
0x1b: {  	s9 =	sadd.s32 $0xFFFFFEF7, lr;
	s5 =	simm.s32 $0xFFFFFFFF;
	p2 =	slt.u32 s8, $0xFFFFF086  }
0x1c: {  	p1 =	slt.u32 s9, $0xF7A;
	s5 =	simm.s32 @!p2 $0x0  }
0x1d: {  	s5 =	simm.s32 @p1 $0x1;
	p0 =	seq.s32 s7, s2  }
0x1e: {  	s7 =	smul.u32 @!p0 $0xF7A, s2;
	p2 =	seq.s32 @!p0 s5, $0x0  }
0x1f: {  	s9 =	smul.u32 $0xF7A, s1;
	s8 =	simm.s32 @!p0 $0x1BF5;
	p2 =	por !p2, p0  }
0x20: {  	[sflag:s8] =	ssyncset.s32 @!p0 $0xFFFFF086;
	s6 =	sadd.s32 @!p0 s3, s7;
	s7 =	simm.s32 @!p0 $0x108  }
0x21: {  	s3 =	sadd.s32 s3, s9;
	s6 =	sadd.s32 @!p0 $0x88, s6;
	s7 =	simm.s32 @p2 $0x1082  }
0x22: {  	[simem:s7], [sflag:s8] =	dma.local @!p0 [hbm:s6], $0xF7A  }
0x23: {  	s9 =	sor.u32 $0xD0000000, s2;
	s6 =	simm.s32 $0x108;
	_ =	swait.ge @!p0 [sflag:s8], $0x0  }
0x24: {  	s3 =	sadd.s32 $0x88, s3;
	s6 =	simm.s32 @!p1 $0x1082;
	[sflag:s4] =	ssyncset.s32 $0xFFFFF086  }
0x25: {  	[simem:s6], [sflag:s4] =	dma.local [hbm:s3], $0xF7A  }
0x26: {  	[smem:$0x3F9E] =	sst s1;
	(tag) =	ssettag s2;
	_ =	strace s9  }
0x27: {  	s1 =	sld [smem:$0x3FAE]  }
0x28: {  	s2 =	sld [smem:$0x3FAF]  }
0x29: {  	s4 =	sld [smem:$0x3FB1]  }
0x2a: {  	p0 =	seq.s32 s5, $0x0;
	s5 =	sld [smem:$0x3FB2]  }
0x2b: {  	s6 =	sld [smem:$0x3FB3]  }
0x2c: {  	s7 =	sld [smem:$0x3FB4]  }
0x2d: {  	s3 =	simm.s32 $0x108;
	s8 =	sld [smem:$0x3FB5]  }
0x2e: {  	s3 =	simm.s32 @!p0 $0x1082;
	s9 =	sld [smem:$0x3FB6]  }
0x2f: {  	lr =	sadd.s32 s0, s3;
	s0 =	sld [smem:$0x3FAD]  }
0x30: {  	s3 =	sld [smem:$0x3FB0]  }
0x31: {  	[smem:$0x3FB9] =	sst s10  }
0x32: {  	s10 =	sld [smem:$0x3FB7];
	_ =	sdelay $0x3  }
0x33: {  	p0 =	seq.s32 s10, $0x1;
	s10 =	sld [smem:$0x3FB9];
	_ =	sdelay $0x3  }
0x34: {  	[smem:$0x3FB9] =	sst s10  }
0x35: {  	s10 =	sld [smem:$0x3FB8];
	_ =	sdelay $0x3  }
0x36: {  	p1 =	seq.s32 s10, $0x1;
	s10 =	sld [smem:$0x3FB9];
	_ =	sdelay $0x3  }
0x37: {  	[smem:$0x3FB9] =	sst s10  }
0x38: {  	s10 =	sld [smem:$0x3FBA]  }
0x39: {  	_ = 	snop;
	(pc) =	sbr.ind lr, $3  }
0x3a: {  	_ = 	snop  }
0x3b: {  	_ = 	snop  }
0x3c: {  	p2 =	seq.s32 s10, $0x1;
	s10 =	sld [smem:$0x3FB9]  }
0x3d: {  	_ =	shalt  }
0x3e: {  	_ =	shalt  }
0x3f: {  	_ =	shalt  }
0x40: {  	_ =	shalt  }
0x41: {  	_ =	shalt  }
0x42: {  	_ =	shalt  }
0x43: {  	_ =	shalt  }
0x44: {  	_ =	shalt  }
0x45: {  	_ =	shalt  }
0x46: {  	_ =	shalt  }
0x47: {  	_ =	shalt  }
0x48: {  	_ =	shalt  }
0x49: {  	_ =	shalt  }
0x4a: {  	_ =	shalt  }
0x4b: {  	_ =	shalt  }
0x4c: {  	_ =	shalt  }
0x4d: {  	_ =	shalt  }
0x4e: {  	_ =	shalt  }
0x4f: {  	_ =	shalt  }
0x50: {  	_ =	shalt  }
0x51: {  	_ =	shalt  }
0x52: {  	_ =	shalt  }
0x53: {  	_ =	shalt  }
0x54: {  	_ =	shalt  }
0x55: {  	_ =	shalt  }
0x56: {  	_ =	shalt  }
0x57: {  	_ =	shalt  }
0x58: {  	_ =	shalt  }
0x59: {  	_ =	shalt  }
0x5a: {  	_ =	shalt  }
0x5b: {  	_ =	shalt  }
0x5c: {  	_ =	shalt  }
0x5d: {  	_ =	shalt  }
0x5e: {  	_ =	shalt  }
0x5f: {  	_ =	shalt  }
0x60: {  	_ =	shalt  }
0x61: {  	_ =	shalt  }
0x62: {  	_ =	shalt  }
0x63: {  	_ =	shalt  }
0x64: {  	_ =	shalt  }
0x65: {  	_ =	shalt  }
0x66: {  	_ =	shalt  }
0x67: {  	_ =	shalt  }
0x68: {  	_ =	shalt  }
0x69: {  	_ =	shalt  }
0x6a: {  	_ =	shalt  }
0x6b: {  	_ =	shalt  }
0x6c: {  	_ =	shalt  }
0x6d: {  	_ =	shalt  }
0x6e: {  	_ =	shalt  }
0x6f: {  	_ =	shalt  }
0x70: {  	_ =	shalt  }
0x71: {  	_ =	shalt  }
0x72: {  	_ =	shalt  }
0x73: {  	_ =	shalt  }
0x74: {  	_ =	shalt  }
0x75: {  	_ =	shalt  }
0x76: {  	_ =	shalt  }
0x77: {  	_ =	shalt  }
0x78: {  	_ =	shalt  }
0x79: {  	_ =	shalt  }
0x7a: {  	_ =	shalt  }
0x7b: {  	_ =	shalt  }
0x7c: {  	_ =	shalt  }
0x7d: {  	_ =	shalt  }
0x7e: {  	_ =	shalt  }
0x7f: {  	_ =	shalt  }
0x80: {  	_ =	shalt  }
0x81: {  	_ =	shalt  }
0x82: {  	_ =	shalt  }
0x83: {  	_ =	shalt  }
0x84: {  	_ =	shalt  }
0x85: {  	_ =	shalt  }
0x86: {  	_ =	shalt  }
0x87: {  	_ =	shalt  }
.Lfunc_end0:
.L_simem_size_0:
called_computation_lowered:
.L_overlay_start_0:
0x88: {  	s2 =	sld [smem:$0x3FD9]  }
0x89: {  	s3 =	sld [smem:$0x3FFE];
	_ =	sdelay $0x1  }
0x8a: {  	s1 =	srdreg.scid  }
0x8b: {  	s0 =	sand.u32 $0x1, s1  }
0x8c: {  	s17 =	sshll.u32 s0, $0xA;
	s2 =	sadd.s32 s3, s2  }
0x8d: {  	s2 =	sadd.s32 s2, s17  }
0x8e: {  	[smem:$0x3FC5] =	sst s2  }
0x8f: {  	_ = 	snop  }
0x90: {  	s2 =	sld [smem:$0x3FC9]  }
0x91: {  	s18 =	sld [smem:$0x3FC8]  }
0x92: {  	s4 =	sld [smem:$0x3FD0];
	(tm) =	ssettm $0x1  }
0x93: {  	s5 =	sld [smem:$0x3FFB];
	_ =	sdelay $0x3  }
0x94: {  	_ =	strace s5  }
0x95: {  	s5 =	sld [smem:$0x3FFC];
	_ =	sdelay $0x3  }
0x96: {  	_ =	strace s5  }
0x97: {  	s5 =	sld [smem:$0x3FFD];
	_ =	sdelay $0x3  }
0x98: {  	_ =	strace s5  }
0x99: {  	_ =	strace $0x8FFFFFFF  }
0x9a: {  	s19 =	sld [smem:$0x3FDB];
	_ =	sdelay $0x1  }
0x9b: {  	s6 =	simm.s32 $_scs_section_size  }
0x9c: {  	s7 =	simm.s32 $_size__tile_overlayer_lowered;
	s8 =	simm.s32 $_tile_overlayer_lowered  }
0x9d: {  	s22 =	simm.s32 $0x1BFF;
	s21 =	sshll.u32 s8, $0x1;
	s5 =	sadd.s32 s6, s19  }
0x9e: {  	s9 =	simm.s32 $0x0;
	s20 =	sshll.u32 s7, $0x1;
	s7 =	sadd.s32 s21, s5  }
0x9f: {  	[timem:s9], [sflag:s22] =	dma.local [hbm:s7], s20  }
0xa0: {  	_ =	swait.ge [sflag:s22], s20  }
0xa1: {  	s6 =	ssub.s32 $0x0, s20;
	[sflag:s22] =	ssyncset.done $0x0  }
0xa2: {  	[sflag:s22] =	ssyncadd.s32 s6;
	_ =	sdelay $0x1  }
0xa3: {  	s23 =	simm.s32 $0x1B8B  }
0xa4: {  	_ =	swait.ge [sflag:s23], $0x1  }
0xa5: {  	[sflag:s23] =	ssyncset.done $0x0  }
0xa6: {  	s25 =	simm.s32 $0x1B8E;
	s24 =	sld [smem:$0x3FFE];
	[sflag:s23] =	ssyncadd.s32 $0xFFFFFFFF  }
0xa7: {  	s26 =	simm.s32 $execute0_lowered;
	[smem:$0x3FD2] =	sst s25  }
0xa8: {  	s7 =	sshll.u32 s26, $0x1;
	_ =	strace $0x80000046;
	[dreg:$0x1] =	wrdreg $0xFFFFFFFF  }
0xa9: {  	s28 =	simm.s32 $_size_execute0_lowered;
	s5 =	sadd.s32 s5, s7;
	[dreg:$0x0] =	wrdreg $0x0  }
0xaa: {  	s7 =	sshll.u32 s28, $0x1;
	[dreg:$0x2] =	wrdreg s5  }
0xab: {  	[dreg:$0x3] =	wrdreg s7  }
0xac: {  	[dreg:$0x4] =	wrdreg $0xC0  }
0xad: {  	_ =	task [dreg:s9], $0x5FFFF  }
0xae: {  	[dreg:$0x1] =	wrdreg $0xFFFFFFFF  }
0xaf: {  	[dreg:$0x0] =	wrdreg $0x60  }
0xb0: {  	[dreg:$0x2] =	wrdreg s2  }
0xb1: {  	[dreg:$0x3] =	wrdreg s18  }
0xb2: {  	[dreg:$0x4] =	wrdreg s24  }
0xb3: {  	[dreg:$0x5] =	wrdreg s4  }
0xb4: {  	[dreg:$0x6] =	wrdreg $0x9  }
0xb5: {  	_ =	task.clear_ibuf [dreg:s9], $0x7FFFF;
	_ =	strace $0x90000046  }
0xb6: {  	s29 =	simm.s32 $0x9;
	_ =	strace $0x80000048  }
0xb7: {  	_ =	swait.ge [sflag:s29], $0x1  }
0xb8: {  	[sflag:s29] =	ssyncadd.s32 $0xFFFFFFFF  }
0xb9: {  	_ =	strace $0x90000048  }
0xba: {  	_ =	sfence  }
0xbb: {  	s30 =	sld [smem:$0x0];
	_ =	sdelay $0x2  }
0xbc: {  	s31 =	sshll.u32 s1, $0xD;
	s1 =	sshrl.u32 s1, $0x2  }
0xbd: {  	s3 =	sand.u32 $0x4000, s31;
	s1 =	sadd.s32 s1, s30  }
0xbe: {  	s0 =	sor.u32 s3, s0;
	s1 =	sshll.u32 s1, $0x11  }
0xbf: {  	s0 =	sor.u32 s1, s0  }
0xc0: {  	s0 =	sadd.s32 $0x8F2B, s0  }
0xc1: {  	[sflag:s0] =	ssyncadd.remote.s32 $0x1  }
0xc2: {  	_ =	sfence.sel $0xFFFF  }
0xc3: {  	[dreg:$0x0] =	wrdreg $0xFFFFFFFF;
	(pc) =	sbr.abs _section_cstart, $3  }
0xc4: {  	[dreg:$0x1] =	wrdreg $0xFFFFFFFF  }
0xc5: {  	_ =	task.clear_ibuf [dreg:s9], $0x2FFFF;
	_ =	strace $0x9FFFFFFF  }
0xc6: {  	(tm) =	ssettm $0x7FFFFFFF  }
0xc7: {  	_ =	shalt  }
tec
execute0_lowered:
.L_overlay_start_1:
0x0: {  	(tag) =	ssettag $0x1  }
0x1: {  	s2 =	srdreg.scid  }
0x2: {  	s1 =	rddreg [dreg:$0x0];
	s3 =	stileid.u32;
	s2 =	sand.u32 $0x1, s2  }
0x3: {  	s0 =	rddreg [dreg:$0x2];
	s3 =	sshll.u32 s3, $0x6;
	s6 =	sshll.u32 s2, $0x5  }
0x4: {  	s4 =	rddreg [dreg:$0x3];
	s5 =	simm.s32 $0x0;
	s6 =	sor.u32 s6, s3  }
0x5: {  	[smem:$0x7FF] =	sst s5;
	s15 =	sadd.s32 $0x1B58, s6  }
0x6: {  	_ =	strace $0x80000047;
	s16 =	sadd.s32 $0x3E8, s6;
	[dreg:$0xd] =	wrdreg s15  }
0x7: {  	s17 =	sadd.s32 $0x1F40, s6;
	[dreg:$0xe] =	wrdreg s16  }
0x8: {  	s18 =	sadd.s32 $0x7D0, s6;
	[dreg:$0xf] =	wrdreg s17  }
0x9: {  	s19 =	sadd.s32 $0x2328, s6;
	[dreg:$0x10] =	wrdreg s18  }
0xa: {  	s2 =	ssub.s32 $0x2, s2;
	s20 =	sadd.s32 $0xBB8, s6;
	[dreg:$0x11] =	wrdreg s19  }
0xb: {  	s7 =	sshrl.u32 s2, $0x1;
	s24 =	sadd.s32 $0x2710, s6;
	[dreg:$0x12] =	wrdreg s20  }
0xc: {  	s3 =	sshrl.u32 s6, $0x3;
	s25 =	sadd.s32 $0xFA0, s6;
	[dreg:$0x18] =	wrdreg s24  }
0xd: {  	s8 =	sshll.u32 s6, $0x6;
	s26 =	sadd.s32 $0x2AF8, s6;
	[dreg:$0x19] =	wrdreg s25  }
0xe: {  	s2 =	ssub.s32 s2, s7;
	s10 =	sadd.s32 s1, s8;
	[dreg:$0x1a] =	wrdreg s26  }
0xf: {  	s3 =	sadd.s32 s3, s0;
	s0 =	sadd.s32 $0x47C, s0;
	[dreg:$0x5] =	wrdreg s10  }
0x10: {  	s2 =	smax.u32 s2, $0x1;
	[dreg:$0x13] =	wrdreg s0  }
0x11: {  	s21 =	sadd.s32 s4, s8;
	s8 =	sadd.s32 $0x32C8, s6;
	[dreg:$0x14] =	wrdreg s2  }
0x12: {  	s15 =	sadd.s32 $0x6D400, s1;
	[dreg:$0x1e] =	wrdreg s8  }
0x13: {  	s16 =	sadd.s32 $0xF800, s4;
	[smem:$0x7F2] =	sst s15  }
0x14: {  	s17 =	sadd.s32 $0x7CE00, s1;
	[smem:$0x7F3] =	sst s16  }
0x15: {  	s18 =	sadd.s32 $0x1F200, s4;
	[smem:$0x7F4] =	sst s17  }
0x16: {  	s19 =	sadd.s32 $0x8C800, s1;
	[smem:$0x7F5] =	sst s18  }
0x17: {  	s20 =	sadd.s32 $0x2EC00, s4;
	[smem:$0x7F6] =	sst s19  }
0x18: {  	s24 =	sadd.s32 $0x4E000, s4;
	[smem:$0x7F7] =	sst s20  }
0x19: {  	s25 =	sadd.s32 $0xBB600, s1;
	[smem:$0x7FB] =	sst s24  }
0x1a: {  	s26 =	sadd.s32 $0xDAA00, s1;
	[smem:$0x7FC] =	sst s25  }
0x1b: {  	s9 =	sadd.s32 $0xFA00, s10;
	[smem:$0x7FD] =	sst s26  }
0x1c: {  	s11 =	sadd.s32 $0x1F400, s10;
	[dreg:$0x6] =	wrdreg s9  }
0x1d: {  	s12 =	sadd.s32 $0x2EE00, s10;
	[dreg:$0x7] =	wrdreg s11  }
0x1e: {  	s28 =	simm.s32 $0x3;
	s13 =	sadd.s32 $0x3E800, s10;
	[dreg:$0x8] =	wrdreg s12  }
0x1f: {  	s29 =	simm.s32 $0x5;
	s14 =	sadd.s32 $0x4E200, s10;
	[dreg:$0x9] =	wrdreg s13  }
0x20: {  	s30 =	simm.s32 $0x7;
	s7 =	sadd.s32 $0x5DC00, s10;
	[dreg:$0xa] =	wrdreg s14  }
0x21: {  	s31 =	simm.s32 $0xE;
	s3 =	sadd.s32 $0x400, s3;
	[dreg:$0xb] =	wrdreg s7  }
0x22: {  	p0 =	sgt.u32 s6, $0x3C8;
	s22 =	sadd.s32 $0x455600, s21;
	[dreg:$0xc] =	wrdreg s3  }
0x23: {  	p1 =	sne.s32 s6, $0x3E0;
	s23 =	sadd.s32 $0x474A00, s21;
	[dreg:$0x15] =	wrdreg s22  }
0x24: {  	s0 =	sadd.s32 $0x493E00, s21;
	s2 =	sadd.s32 $0x1388, s6;
	[dreg:$0x16] =	wrdreg s23  }
0x25: {  	s10 =	sadd.s32 $0x1F200, s1;
	s21 =	sadd.s32 $0x9C200, s1;
	[dreg:$0x17] =	wrdreg s0  }
0x26: {  	s15 =	sadd.s32 $0x6D400, s4;
	s17 =	sadd.s32 $0x464E00, s4;
	[dreg:$0x1b] =	wrdreg s2  }
0x27: {  	s16 =	sadd.s32 $0x100, s4;
	s18 =	sadd.s32 $0x484200, s4;
	[smem:$0x7ED] =	sst s10  }
0x28: {  	s20 =	sadd.s32 $0x4A3600, s4;
	s3 =	sadd.s32 $0x2EE0, s6;
	[smem:$0x7F8] =	sst s21  }
0x29: {  	s24 =	simm.s32 $0x10000;
	s7 =	sadd.s32 $0x1770, s6;
	[dreg:$0x1c] =	wrdreg s3  }
0x2a: {  	s25 =	simm.s32 $0x18000;
	s9 =	sadd.s32 $0xF800, s1;
	[dreg:$0x1d] =	wrdreg s7  }
0x2b: {  	s19 =	simm.s32 $0x1C000;
	s11 =	sadd.s32 $0x2EC00, s1;
	[dreg:$0x1f] =	wrdreg s9  }
0x2c: {  	s26 =	simm.s32 $0x1;
	s12 =	sadd.s32 $0x3E600, s1;
	[smem:$0x7EE] =	sst s11  }
0x2d: {  	s13 =	sadd.s32 $0x4E000, s1;
	s14 =	sadd.s32 $0x5DA00, s1;
	[smem:$0x7EF] =	sst s12  }
.Ltmp0:
0x2e: {  	s22 =	sadd.s32 $0x3E600, s4;
	[smem:$0x7F0] =	sst s13;
	(pc) =	sbr.rel .LBB2_1-.Ltmp0, $4  }
0x2f: {  	v3 =	vlaneseq.u32;
	s23 =	sadd.s32 $0xABC00, s1;
	s0 =	simm.s32 $0xF;
	[smem:$0x7F1] =	sst s14  }
0x30: {  	v2 =	vshrl.u32 v3, $0x3;
	s21 =	simm.s32 $0x1D000;
	s2 =	simm.s32 $0x1D800;
	[smem:$0x7F9] =	sst s22  }
0x31: {  	v0 =	vmul.u32 $0xFA0, v3;
	v2 =	vmul.u32 $0x8, v2;
	[smem:$0x7FA] =	sst s23;
	s22 =	sadd.s32 $0x5DA00, s4;
	s3 =	sadd.s32 $0xCB000, s1  }
0x32: {  	vm0 =	vmmov $0xffff;
	v1 =	vand.u32 $0x7, v3;
	v3 =	vor.u32 $0x8, v3;
	s23 =	simm.s32 $0x8000;
	s14 =	simm.s32 $0x1C800;
	s13 =	simm.s32 $0x0  }
.LBB2_18:
0x33: {  	s7 =	simm.s32 $0x8  }
0x34: {  	_ =	swait.ge [sflag:s7], $0x1000  }
0x35: {  	[sflag:s7] =	ssyncset.done $0x0  }
0x36: {  	s8 =	simm.s32 $0x9;
	[sflag:s7] =	ssyncadd.s32 $0xFFFFF000  }
0x37: {  	_ =	swait.ge [sflag:s8], $0x1000  }
0x38: {  	[sflag:s8] =	ssyncset.done $0x0  }
0x39: {  	s9 =	simm.s32 $0xA;
	[sflag:s8] =	ssyncadd.s32 $0xFFFFF000  }
0x3a: {  	_ =	swait.ge [sflag:s9], $0x1000  }
0x3b: {  	[sflag:s9] =	ssyncset.done $0x0  }
0x3c: {  	s10 =	simm.s32 $0xB;
	[sflag:s9] =	ssyncadd.s32 $0xFFFFF000  }
0x3d: {  	_ =	swait.ge [sflag:s10], $0x1000  }
0x3e: {  	[sflag:s10] =	ssyncset.done $0x0  }
0x3f: {  	s11 =	simm.s32 $0xC;
	[sflag:s10] =	ssyncadd.s32 $0xFFFFF000  }
0x40: {  	_ =	swait.ge [sflag:s11], $0x1000  }
0x41: {  	[sflag:s11] =	ssyncset.done $0x0  }
0x42: {  	s12 =	simm.s32 $0xD;
	[sflag:s11] =	ssyncadd.s32 $0xFFFFF000  }
0x43: {  	_ =	swait.ge [sflag:s12], $0x1000  }
0x44: {  	[sflag:s12] =	ssyncset.done $0x0  }
0x45: {  	[sflag:s12] =	ssyncadd.s32 $0xFFFFF000  }
0x46: {  	_ =	swait.ge [sflag:s31], $0x1000  }
0x47: {  	[sflag:s31] =	ssyncset.done $0x0  }
0x48: {  	[sflag:s31] =	ssyncadd.s32 $0xFFFFF000  }
0x49: {  	_ =	swait.ge [sflag:s0], $0x2000  }
0x4a: {  	[sflag:s0] =	ssyncset.done $0x0  }
0x4b: {  	[sflag:s0] =	ssyncadd.s32 $0xFFFFE000  }
0x4c: {  	_ =	swait.ge [sflag:s0], $0x2000  }
0x4d: {  	[sflag:s0] =	ssyncset.done $0x0  }
0x4e: {  	[sflag:s0] =	ssyncadd.s32 $0xFFFFE000  }
0x4f: {  	_ =	swait.ge [sflag:s0], $0x2000  }
0x50: {  	[sflag:s0] =	ssyncset.done $0x0  }
0x51: {  	[sflag:s0] =	ssyncadd.s32 $0xFFFFE000  }
0x52: {  	_ =	swait.ge [sflag:s0], $0x2000  }
0x53: {  	[sflag:s0] =	ssyncset.done $0x0  }
0x54: {  	[sflag:s0] =	ssyncadd.s32 $0xFFFFE000  }
0x55: {  	_ =	swait.ge [sflag:s0], $0x2000  }
0x56: {  	[sflag:s0] =	ssyncset.done $0x0  }
0x57: {  	[sflag:s0] =	ssyncadd.s32 $0xFFFFE000  }
0x58: {  	_ =	swait.ge [sflag:s0], $0x2000  }
0x59: {  	[sflag:s0] =	ssyncset.done $0x0  }
0x5a: {  	[sflag:s0] =	ssyncadd.s32 $0xFFFFE000  }
0x5b: {  	_ =	swait.ge [sflag:s0], $0x2000  }
0x5c: {  	[sflag:s0] =	ssyncset.done $0x0  }
0x5d: {  	[sflag:s0] =	ssyncadd.s32 $0xFFFFE000  }
0x5e: {  	_ =	swait.ge [sflag:s0], $0x2000  }
0x5f: {  	[sflag:s0] =	ssyncset.done $0x0  }
0x60: {  	[sflag:s0] =	ssyncadd.s32 $0xFFFFE000  }
.LBB2_19:
0x61: {  	s13 =	sadd.s32 $0x1, s13;
	s7 =	rddreg [dreg:$0x14]  }
0x62: {  	p2 =	sne.s32 s13, s7  }
.Ltmp1:
0x63: {  	_ = 	snop;
	(pc) =	sbr.rel @!p2 .LBB2_20-.Ltmp1, $1  }
0x64: {  	_ =	sdelay $0x3  }
.LBB2_1:
.Ltmp2:
0x65: {  	(pc) =	sbr.rel @p0 .LBB2_10-.Ltmp2, $1  }
0x66: {  	_ =	sdelay $0x3  }
0x67: {  	[smem:$0x7EC] =	sst s13  }
0x68: {  	s8 =	simm.s32 $0x0;
	s7 =	rddreg [dreg:$0x5]  }
0x69: {  	[tilespmem:s8], [sflag:$0x1] =	stream.linear.gather [hbm4b:s7+s8], $0x4000, $0x38;
	[tilespmem:$0x1E080] =	vst v63  }
0x6a: {  	s13 =	rddreg [dreg:$0x6];
	s9 =	simm.s32 $0x4000  }
0x6b: {  	[tilespmem:s9], [sflag:$0x2] =	stream.linear.gather [hbm4b:s13+s8], $0x4000, $0x38;
	[tilespmem:$0x1E080] =	vst v63  }
0x6c: {  	s10 =	rddreg [dreg:$0x7]  }
0x6d: {  	[tilespmem:s23], [sflag:$0x3] =	stream.linear.gather [hbm4b:s10+s8], $0x4000, $0x38;
	[tilespmem:$0x1E080] =	vst v63  }
0x6e: {  	s11 =	rddreg [dreg:$0x8];
	s12 =	simm.s32 $0xC000  }
0x6f: {  	[tilespmem:s12], [sflag:$0x4] =	stream.linear.gather [hbm4b:s11+s8], $0x4000, $0x38;
	[tilespmem:$0x1E080] =	vst v63  }
0x70: {  	s13 =	rddreg [dreg:$0x9]  }
0x71: {  	[tilespmem:s24], [sflag:$0x5] =	stream.linear.gather [hbm4b:s13+s8], $0x4000, $0x38;
	[tilespmem:$0x1E080] =	vst v63  }
0x72: {  	s9 =	rddreg [dreg:$0xa];
	s10 =	simm.s32 $0x14000  }
0x73: {  	[tilespmem:s10], [sflag:$0x6] =	stream.linear.gather [hbm4b:s9+s8], $0x4000, $0x38;
	[tilespmem:$0x1E080] =	vst v63  }
0x74: {  	s11 =	rddreg [dreg:$0xb]  }
0x75: {  	[tilespmem:s25], [sflag:$0x7] =	stream.linear.gather [hbm4b:s11+s8], $0x4000, $0x38;
	[tilespmem:$0x1E080] =	vst v63  }
0x76: {  	s12 =	rddreg [dreg:$0x1];
	s13 =	simm.s32 $0x10  }
0x77: {  	[tilespmem:s19], [sflag:$0x10] =	stream.linear.gather [hbm4b:s12+s8], $0x2000, $0x38;
	[tilespmem:$0x1E080] =	vst v63  }
0x78: {  	_ =	swait.ge [sflag:s13], $0x2000  }
0x79: {  	[sflag:s13] =	ssyncset.done $0x0  }
0x7a: {  	s10 =	simm.s32 $0x1E000;
	s11 =	rddreg [dreg:$0xc];
	[sflag:s13] =	ssyncadd.s32 $0xFFFFE000  }
0x7b: {  	[tilespmem:s10], [sflag:$0x10] =	stream.linear.gather [hbm4b:s11+s8], $0x20, $0x38;
	[tilespmem:$0x1E080] =	vst v63  }
0x7c: {  	_ =	swait.ge [sflag:s13], $0x20  }
0x7d: {  	[sflag:s13] =	ssyncset.done $0x0  }
0x7e: {  	[sflag:s13] =	ssyncadd.s32 $0xFFFFFFE0  }
0x7f: {  	v4 =	vld [tilespmem:$0x1E000]  }
0x80: {  	v5 =	vld [tilespmem:$0x1E010];
	_ =	sdelay $0x3  }
0x81: {  	(v2sf) =	vpush v4, $0x0  }
0x82: {  	(v2sf) =	vpush v5, $0x0  }
0x83: {  	(v2sf) =	vpush v4, $0x1  }
0x84: {  	(v2sf) =	vpush v5, $0x1  }
0x85: {  	(v2sf) =	vpush v4, $0x2  }
0x86: {  	(v2sf) =	vpush v5, $0x2  }
0x87: {  	(v2sf) =	vpush v4, $0x3  }
0x88: {  	(v2sf) =	vpush v5, $0x3  }
0x89: {  	(v2sf) =	vpush v4, $0x4  }
0x8a: {  	(v2sf) =	vpush v5, $0x4  }
0x8b: {  	(v2sf) =	vpush v4, $0x5  }
0x8c: {  	(v2sf) =	vpush v5, $0x5  }
0x8d: {  	(v2sf) =	vpush v4, $0x6  }
0x8e: {  	(v2sf) =	vpush v5, $0x6  }
0x8f: {  	(v2sf) =	vpush v4, $0x7  }
0x90: {  	s12 =	spop (v2sf);
	(v2sf) =	vpush v5, $0x7  }
0x91: {  	[smem:$0x0] =	sst s12;
	s13 =	spop (v2sf);
	(v2sf) =	vpush v4, $0x8  }
0x92: {  	[smem:$0x10] =	sst s13;
	s7 =	spop (v2sf);
	(v2sf) =	vpush v5, $0x8  }
0x93: {  	[smem:$0x1] =	sst s7;
	s10 =	spop (v2sf);
	(v2sf) =	vpush v4, $0x9  }
0x94: {  	[smem:$0x11] =	sst s10;
	s11 =	spop (v2sf);
	(v2sf) =	vpush v5, $0x9  }
0x95: {  	[smem:$0x2] =	sst s11;
	s12 =	spop (v2sf);
	(v2sf) =	vpush v4, $0xA  }
0x96: {  	[smem:$0x12] =	sst s12;
	s13 =	spop (v2sf);
	(v2sf) =	vpush v5, $0xA  }
0x97: {  	[smem:$0x3] =	sst s13;
	s7 =	spop (v2sf);
	(v2sf) =	vpush v4, $0xB  }
0x98: {  	[smem:$0x13] =	sst s7;
	s10 =	spop (v2sf);
	(v2sf) =	vpush v5, $0xB  }
0x99: {  	[smem:$0x4] =	sst s10;
	s11 =	spop (v2sf);
	(v2sf) =	vpush v4, $0xC  }
0x9a: {  	[smem:$0x14] =	sst s11;
	s12 =	spop (v2sf);
	(v2sf) =	vpush v5, $0xC  }
0x9b: {  	[smem:$0x5] =	sst s12;
	s13 =	spop (v2sf);
	(v2sf) =	vpush v4, $0xD  }
0x9c: {  	[smem:$0x15] =	sst s13;
	s7 =	spop (v2sf);
	(v2sf) =	vpush v5, $0xD  }
0x9d: {  	[smem:$0x6] =	sst s7;
	s10 =	spop (v2sf)  }
0x9e: {  	(v2sf) =	vpush v4, $0xE;
	[smem:$0x16] =	sst s10;
	s11 =	spop (v2sf)  }
0x9f: {  	(v2sf) =	vpush v5, $0xE;
	[smem:$0x7] =	sst s11;
	s12 =	spop (v2sf)  }
0xa0: {  	(v2sf) =	vpush v4, $0xF;
	[smem:$0x17] =	sst s12;
	s13 =	spop (v2sf)  }
0xa1: {  	(v2sf) =	vpush v5, $0xF;
	[smem:$0x8] =	sst s13;
	s7 =	spop (v2sf)  }
0xa2: {  	[smem:$0x18] =	sst s7;
	s10 =	spop (v2sf)  }
0xa3: {  	[smem:$0x9] =	sst s10;
	s11 =	spop (v2sf)  }
0xa4: {  	[smem:$0x19] =	sst s11;
	s12 =	spop (v2sf)  }
0xa5: {  	[smem:$0xA] =	sst s12;
	s13 =	spop (v2sf)  }
0xa6: {  	[smem:$0x1A] =	sst s13;
	s7 =	spop (v2sf)  }
0xa7: {  	[smem:$0xB] =	sst s7;
	s10 =	spop (v2sf)  }
0xa8: {  	[smem:$0x1B] =	sst s10;
	s11 =	spop (v2sf)  }
0xa9: {  	[smem:$0xC] =	sst s11;
	s12 =	spop (v2sf)  }
0xaa: {  	[smem:$0x1C] =	sst s12;
	s13 =	spop (v2sf)  }
0xab: {  	[smem:$0xD] =	sst s13;
	s7 =	spop (v2sf)  }
0xac: {  	[smem:$0x1D] =	sst s7  }
.Ltmp3:
0xad: {  	s10 =	spop (v2sf);
	(pc) =	sbr.rel .LBB2_3-.Ltmp3, $4  }
0xae: {  	[smem:$0xE] =	sst s10;
	s11 =	spop (v2sf)  }
0xaf: {  	[smem:$0x1E] =	sst s11;
	s12 =	spop (v2sf)  }
0xb0: {  	[smem:$0xF] =	sst s12;
	s13 =	spop (v2sf)  }
0xb1: {  	[smem:$0x1F] =	sst s13  }
.LBB2_8:
0xb2: {  	s8 =	sadd.s32 $0x1, s8  }
0xb3: {  	p2 =	sne.s32 s8, $0xB  }
.Ltmp4:
0xb4: {  	_ = 	snop;
	(pc) =	sbr.rel @!p2 .LBB2_9-.Ltmp4, $1  }
0xb5: {  	_ =	sdelay $0x3  }
.LBB2_3:
0xb6: {  	s9 =	smul.u32 $0x1B58, s8;
	_ =	sdelay $0x1  }
0xb7: {  	_ =	swait.ge [sflag:s26], $0x4000;
	s10 =	sadd.s32 s6, s9  }
0xb8: {  	[sflag:s26] =	ssyncset.done $0x0;
	s10 =	sshll.u32 s10, $0x6  }
0xb9: {  	p2 =	seq.s32 s8, $0xA;
	[sflag:s26] =	ssyncadd.s32 $0xFFFFC000;
	s10 =	sadd.s32 s4, s10  }
0xba: {  	[hbm4b:s10+s5] =	stream.linear.scatter [tilespmem:s5], [sflag:$0x8], $0x4000, $0x38;
	[tilespmem:$0x1E080] =	vst v63  }
0xbb: {  	s10 =	simm.s32 @p2 $0x2  }
0xbc: {  	_ =	swait.ge @p2 [sflag:s10], $0x4000  }
0xbd: {  	s11 =	simm.s32 @p2 $0x0;
	[sflag:s10] =	ssyncset.done @p2 $0x0  }
0xbe: {  	s7 =	rddreg [dreg:$0x15];
	[sflag:s10] =	ssyncadd.s32 @p2 $0xFFFFC000;
	s10 =	simm.s32 @p2 $0x4000  }
0xbf: {  	[hbm4b:s7+s11] =	stream.linear.scatter @p2 [tilespmem:s10], [sflag:$0x9], $0x4000, $0x38;
	[tilespmem:$0x1E080] =	vst v63  }
0xc0: {  	s10 =	simm.s32 @!p2 $0x8  }
0xc1: {  	_ =	swait.ge @!p2 [sflag:s10], $0x4000  }
0xc2: {  	s7 =	rddreg [dreg:$0xd]  }
0xc3: {  	s12 =	sadd.s32 @!p2 s9, s7  }
0xc4: {  	[sflag:s10] =	ssyncset.done @!p2 $0x0;
	s12 =	sshll.u32 @!p2 s12, $0x6  }
0xc5: {  	[sflag:s10] =	ssyncadd.s32 @!p2 $0xFFFFC000;
	s10 =	simm.s32 @!p2 $0x0;
	s12 =	sadd.s32 @!p2 s1, s12  }
0xc6: {  	[tilespmem:s10], [sflag:$0x1] =	stream.linear.gather @!p2 [hbm4b:s12+s10], $0x4000, $0x38;
	[tilespmem:$0x1E080] =	vst v63  }
0xc7: {  	s12 =	simm.s32 @!p2 $0x2  }
0xc8: {  	_ =	swait.ge @!p2 [sflag:s12], $0x4000  }
0xc9: {  	s7 =	rddreg [dreg:$0xe]  }
0xca: {  	s13 =	sadd.s32 @!p2 s9, s7  }
0xcb: {  	[sflag:s12] =	ssyncset.done @!p2 $0x0;
	s13 =	sshll.u32 @!p2 s13, $0x6  }
0xcc: {  	[sflag:s12] =	ssyncadd.s32 @!p2 $0xFFFFC000;
	s12 =	sadd.s32 @!p2 s4, s13;
	s13 =	simm.s32 @!p2 $0x4000  }
0xcd: {  	[hbm4b:s12+s10] =	stream.linear.scatter @!p2 [tilespmem:s13], [sflag:$0x9], $0x4000, $0x38;
	[tilespmem:$0x1E080] =	vst v63  }
0xce: {  	s12 =	simm.s32 @!p2 $0x9  }
0xcf: {  	_ =	swait.ge @!p2 [sflag:s12], $0x4000  }
0xd0: {  	s7 =	rddreg [dreg:$0xf]  }
0xd1: {  	s7 =	sadd.s32 @!p2 s9, s7  }
0xd2: {  	[sflag:s12] =	ssyncset.done @!p2 $0x0;
	s7 =	sshll.u32 @!p2 s7, $0x6  }
0xd3: {  	[sflag:s12] =	ssyncadd.s32 @!p2 $0xFFFFC000;
	s7 =	sadd.s32 @!p2 s1, s7  }
0xd4: {  	[tilespmem:s13], [sflag:$0x2] =	stream.linear.gather @!p2 [hbm4b:s7+s10], $0x4000, $0x38;
	[tilespmem:$0x1E080] =	vst v63  }
0xd5: {  	_ =	swait.ge [sflag:s28], $0x4000  }
0xd6: {  	s13 =	rddreg [dreg:$0x10]  }
0xd7: {  	s7 =	sadd.s32 s9, s13  }
0xd8: {  	[sflag:s28] =	ssyncset.done $0x0;
	s7 =	sshll.u32 s7, $0x6  }
0xd9: {  	[sflag:s28] =	ssyncadd.s32 $0xFFFFC000;
	s7 =	sadd.s32 s4, s7  }
0xda: {  	[hbm4b:s7+s5] =	stream.linear.scatter [tilespmem:s23], [sflag:$0xA], $0x4000, $0x38;
	[tilespmem:$0x1E080] =	vst v63  }
0xdb: {  	s7 =	simm.s32 @p2 $0x4  }
0xdc: {  	_ =	swait.ge @p2 [sflag:s7], $0x4000  }
0xdd: {  	[sflag:s7] =	ssyncset.done @p2 $0x0  }
0xde: {  	s12 =	rddreg [dreg:$0x16];
	[sflag:s7] =	ssyncadd.s32 @p2 $0xFFFFC000;
	s7 =	simm.s32 @p2 $0xC000  }
0xdf: {  	[hbm4b:s12+s11] =	stream.linear.scatter @p2 [tilespmem:s7], [sflag:$0xB], $0x4000, $0x38;
	[tilespmem:$0x1E080] =	vst v63  }
0xe0: {  	s7 =	simm.s32 @!p2 $0xA  }
0xe1: {  	_ =	swait.ge @!p2 [sflag:s7], $0x4000  }
0xe2: {  	s12 =	rddreg [dreg:$0x11]  }
0xe3: {  	s12 =	sadd.s32 @!p2 s9, s12  }
0xe4: {  	[sflag:s7] =	ssyncset.done @!p2 $0x0;
	s12 =	sshll.u32 @!p2 s12, $0x6  }
0xe5: {  	[sflag:s7] =	ssyncadd.s32 @!p2 $0xFFFFC000;
	s7 =	sadd.s32 @!p2 s1, s12;
	s12 =	simm.s32 @!p2 $0x8000  }
0xe6: {  	[tilespmem:s12], [sflag:$0x3] =	stream.linear.gather @!p2 [hbm4b:s7+s10], $0x4000, $0x38;
	[tilespmem:$0x1E080] =	vst v63  }
0xe7: {  	s7 =	simm.s32 @!p2 $0x4  }
0xe8: {  	_ =	swait.ge @!p2 [sflag:s7], $0x4000  }
0xe9: {  	s12 =	rddreg [dreg:$0x12]  }
0xea: {  	s12 =	sadd.s32 @!p2 s9, s12  }
0xeb: {  	[sflag:s7] =	ssyncset.done @!p2 $0x0;
	s12 =	sshll.u32 @!p2 s12, $0x6  }
0xec: {  	[sflag:s7] =	ssyncadd.s32 @!p2 $0xFFFFC000;
	s7 =	sadd.s32 @!p2 s4, s12;
	s12 =	simm.s32 @!p2 $0xC000  }
0xed: {  	[hbm4b:s7+s10] =	stream.linear.scatter @!p2 [tilespmem:s12], [sflag:$0xB], $0x4000, $0x38;
	[tilespmem:$0x1E080] =	vst v63  }
0xee: {  	s7 =	simm.s32 @!p2 $0xB  }
0xef: {  	_ =	swait.ge @!p2 [sflag:s7], $0x4000  }
0xf0: {  	s13 =	rddreg [dreg:$0x18]  }
0xf1: {  	s13 =	sadd.s32 @!p2 s9, s13  }
0xf2: {  	[sflag:s7] =	ssyncset.done @!p2 $0x0;
	s13 =	sshll.u32 @!p2 s13, $0x6  }
0xf3: {  	[sflag:s7] =	ssyncadd.s32 @!p2 $0xFFFFC000;
	s7 =	sadd.s32 @!p2 s1, s13  }
0xf4: {  	[tilespmem:s12], [sflag:$0x4] =	stream.linear.gather @!p2 [hbm4b:s7+s10], $0x4000, $0x38;
	[tilespmem:$0x1E080] =	vst v63  }
0xf5: {  	_ =	swait.ge [sflag:s29], $0x4000  }
0xf6: {  	s12 =	rddreg [dreg:$0x19]  }
0xf7: {  	s7 =	sadd.s32 s9, s12  }
0xf8: {  	[sflag:s29] =	ssyncset.done $0x0;
	s7 =	sshll.u32 s7, $0x6  }
0xf9: {  	[sflag:s29] =	ssyncadd.s32 $0xFFFFC000;
	s7 =	sadd.s32 s4, s7  }
0xfa: {  	[hbm4b:s7+s5] =	stream.linear.scatter [tilespmem:s24], [sflag:$0xC], $0x4000, $0x38;
	[tilespmem:$0x1E080] =	vst v63  }
0xfb: {  	s7 =	simm.s32 @p2 $0x6  }
0xfc: {  	_ =	swait.ge @p2 [sflag:s7], $0x4000  }
0xfd: {  	[sflag:s7] =	ssyncset.done @p2 $0x0  }
0xfe: {  	s12 =	rddreg [dreg:$0x17];
	[sflag:s7] =	ssyncadd.s32 @p2 $0xFFFFC000;
	s7 =	simm.s32 @p2 $0x14000  }
0xff: {  	[hbm4b:s12+s11] =	stream.linear.scatter @p2 [tilespmem:s7], [sflag:$0xD], $0x4000, $0x38;
	[tilespmem:$0x1E080] =	vst v63  }
0x100: {  	s7 =	simm.s32 @!p2 $0xC  }
0x101: {  	_ =	swait.ge @!p2 [sflag:s7], $0x4000  }
0x102: {  	s11 =	rddreg [dreg:$0x1a]  }
0x103: {  	s11 =	sadd.s32 @!p2 s9, s11  }
0x104: {  	[sflag:s7] =	ssyncset.done @!p2 $0x0;
	s11 =	sshll.u32 @!p2 s11, $0x6  }
0x105: {  	[sflag:s7] =	ssyncadd.s32 @!p2 $0xFFFFC000;
	s7 =	sadd.s32 @!p2 s1, s11;
	s11 =	simm.s32 @!p2 $0x10000  }
0x106: {  	[tilespmem:s11], [sflag:$0x5] =	stream.linear.gather @!p2 [hbm4b:s7+s10], $0x4000, $0x38;
	[tilespmem:$0x1E080] =	vst v63  }
0x107: {  	s7 =	simm.s32 @!p2 $0x6  }
0x108: {  	_ =	swait.ge @!p2 [sflag:s7], $0x4000  }
0x109: {  	s11 =	rddreg [dreg:$0x1b]  }
0x10a: {  	s11 =	sadd.s32 @!p2 s9, s11  }
0x10b: {  	[sflag:s7] =	ssyncset.done @!p2 $0x0;
	s11 =	sshll.u32 @!p2 s11, $0x6  }
0x10c: {  	[sflag:s7] =	ssyncadd.s32 @!p2 $0xFFFFC000;
	s7 =	sadd.s32 @!p2 s4, s11;
	s11 =	simm.s32 @!p2 $0x14000  }
0x10d: {  	[hbm4b:s7+s10] =	stream.linear.scatter @!p2 [tilespmem:s11], [sflag:$0xD], $0x4000, $0x38;
	[tilespmem:$0x1E080] =	vst v63  }
0x10e: {  	s7 =	simm.s32 @!p2 $0xD  }
0x10f: {  	_ =	swait.ge @!p2 [sflag:s7], $0x4000  }
0x110: {  	s12 =	rddreg [dreg:$0x1c]  }
0x111: {  	s12 =	sadd.s32 @!p2 s9, s12  }
0x112: {  	[sflag:s7] =	ssyncset.done @!p2 $0x0;
	s12 =	sshll.u32 @!p2 s12, $0x6  }
0x113: {  	[sflag:s7] =	ssyncadd.s32 @!p2 $0xFFFFC000;
	s7 =	sadd.s32 @!p2 s1, s12  }
0x114: {  	[tilespmem:s11], [sflag:$0x6] =	stream.linear.gather @!p2 [hbm4b:s7+s10], $0x4000, $0x38;
	[tilespmem:$0x1E080] =	vst v63  }
0x115: {  	_ =	swait.ge [sflag:s30], $0x4000  }
.Ltmp5:
0x116: {  	s13 =	rddreg [dreg:$0x1d];
	(pc) =	sbr.rel @p2 .LBB2_9-.Ltmp5, $4  }
0x117: {  	s7 =	sadd.s32 s9, s13  }
0x118: {  	[sflag:s30] =	ssyncset.done $0x0;
	s7 =	sshll.u32 s7, $0x6  }
0x119: {  	[sflag:s30] =	ssyncadd.s32 $0xFFFFC000;
	s7 =	sadd.s32 s4, s7  }
0x11a: {  	[hbm4b:s7+s5] =	stream.linear.scatter [tilespmem:s25], [sflag:$0xE], $0x4000, $0x38;
	[tilespmem:$0x1E080] =	vst v63  }
0x11b: {  	_ =	swait.ge [sflag:s31], $0x4000;
	p2 =	sne.s32 s8, $0x6  }
.Ltmp6:
0x11c: {  	s7 =	rddreg [dreg:$0x1e];
	(pc) =	sbr.rel @p2 .LBB2_8-.Ltmp6, $4  }
0x11d: {  	s7 =	sadd.s32 s9, s7  }
0x11e: {  	[sflag:s31] =	ssyncset.done $0x0;
	s7 =	sshll.u32 s7, $0x6  }
0x11f: {  	[sflag:s31] =	ssyncadd.s32 $0xFFFFC000;
	s9 =	simm.s32 $0x0;
	s7 =	sadd.s32 s1, s7  }
0x120: {  	[tilespmem:s25], [sflag:$0x7] =	stream.linear.gather [hbm4b:s7+s9], $0x4000, $0x38;
	[tilespmem:$0x1E080] =	vst v63  }
0x121: {  	s7 =	sshra.s32 s9, $0x2  }
0x122: {  	s7 =	sld [smem:s7+$0x0];
	_ =	sdelay $0x2  }
0x123: {  	v4 =	vmov s7  }
0x124: {  	v4 =	vmul.u32 $0x3E8, v4  }
0x125: {  	s13 =	sadd.s32 $0x4, s9  }
0x126: {  	s9 =	sshra.s32 s13, $0x2;
	v4 =	vadd.s32 s6, v4  }
0x127: {  	s9 =	sld [smem:s9+$0x0];
	v4 =	vbroadcast v4, $0x0;
	_ =	sdelay $0x1  }
0x128: {  	v5 =	vshll.u32 v4, $0x2  }
0x129: {  	v6 =	vmov s9;
	v5 =	vadd.s32 v0, v5  }
0x12a: {  	v6 =	vmul.u32 $0x3E8, v6;
	v4 =	vand.u32 $0x7, v4;
	v5 =	vand.u32 $0xFFFFFFE0, v5  }
0x12b: {  	s9 =	sadd.s32 $0x1, s6;
	v7 =	vor.u32 v4, v5  }
0x12c: {  	v4 =	vadd.s32 s9, v6;
	v6 =	vperm.xlane v7, v1;
	_ =	sdelay $0x1  }
0x12d: {  	v5 =	vbroadcast v4, $0x0;
	v4 =	vadd.s32 v2, v6  }
0x12e: {  	s7 =	sadd.s32 $0x4, s13  }
0x12f: {  	s10 =	sshra.s32 s7, $0x2;
	v6 =	vperm.xlane v7, v3  }
0x130: {  	s11 =	sld [smem:s10+$0x0];
	s10 =	sadd.s32 $0x4, s7;
	v7 =	vshll.u32 v5, $0x2  }
.LBB2_6:
0x131: {  	p2 =	sne.s32 s10, $0x7C;
	v7 =	vadd.s32 v0, v7;
	v8 =	vadd.s32 v2, v6  }
0x132: {  	v5 =	vand.u32 $0x7, v5;
	v6 =	vand.u32 $0xFFFFFFE0, v7;
	[hbm4b:s4+s5] =	stream.indirect_vreg.scatter [tilespmem:s19], [sflag:$0xF], $0x80, v4, vm0, $0xb8;
	[tilespmem:$0x1E080] =	vst v63  }
0x133: {  	v7 =	vmov s11;
	v6 =	vor.u32 v5, v6  }
0x134: {  	v5 =	vmul.u32 $0x3E8, v7;
	v7 =	vperm.xlane v6, v1;
	[hbm4b:s16+s5] =	stream.indirect_vreg.scatter [tilespmem:s14], [sflag:$0xF], $0x80, v4, vm0, $0xb8;
	[tilespmem:$0x1E080] =	vst v63  }
.Ltmp7:
0x135: {  	s9 =	sadd.s32 $0x1, s9;
	(pc) =	sbr.rel @p2 .LBB2_6-.Ltmp7, $4  }
0x136: {  	v5 =	vadd.s32 s9, v5;
	v4 =	vadd.s32 v2, v7;
	[hbm4b:s4+s5] =	stream.indirect_vreg.scatter [tilespmem:s21], [sflag:$0xF], $0x80, v8, vm0, $0xb8;
	[tilespmem:$0x1E080] =	vst v63  }
0x137: {  	s7 =	sshra.s32 s10, $0x2;
	v5 =	vbroadcast v5, $0x0  }
0x138: {  	v6 =	vperm.xlane v6, v3;
	[hbm4b:s16+s5] =	stream.indirect_vreg.scatter [tilespmem:s2], [sflag:$0xF], $0x80, v8, vm0, $0xb8;
	[tilespmem:$0x1E080] =	vst v63  }
0x139: {  	s10 =	sadd.s32 $0x4, s10;
	s11 =	sld [smem:s7+$0x0];
	v7 =	vshll.u32 v5, $0x2  }
0x13a: {  	_ =	sdelay $0x1  }
0x13b: {  	v7 =	vadd.s32 v0, v7;
	v6 =	vadd.s32 v2, v6  }
0x13c: {  	v5 =	vand.u32 $0x7, v5;
	v7 =	vand.u32 $0xFFFFFFE0, v7;
	v8 =	vmov s11  }
0x13d: {  	[hbm4b:s4+s5] =	stream.indirect_vreg.scatter [tilespmem:s19], [sflag:$0xF], $0x80, v4, vm0, $0xb8;
	v5 =	vor.u32 v5, v7;
	v59 =	vmul.u32 $0x3E8, v8;
	[tilespmem:$0x1E080] =	vst v63  }
0x13e: {  	s7 =	sadd.s32 $0x1, s9;
	v60 =	vperm.xlane v5, v1  }
0x13f: {  	[hbm4b:s16+s5] =	stream.indirect_vreg.scatter [tilespmem:s14], [sflag:$0xF], $0x80, v4, vm0, $0xb8;
	v4 =	vadd.s32 s7, v59;
	[tilespmem:$0x1E080] =	vst v63  }
0x140: {  	v61 =	vadd.s32 v2, v60;
	v4 =	vbroadcast v4, $0x0  }
0x141: {  	[hbm4b:s4+s5] =	stream.indirect_vreg.scatter [tilespmem:s21], [sflag:$0xF], $0x80, v6, vm0, $0xb8;
	[tilespmem:$0x1E080] =	vst v63  }
0x142: {  	v5 =	vperm.xlane v5, v3;
	v62 =	vshll.u32 v4, $0x2  }
0x143: {  	[hbm4b:s16+s5] =	stream.indirect_vreg.scatter [tilespmem:s2], [sflag:$0xF], $0x80, v6, vm0, $0xb8;
	v63 =	vadd.s32 v0, v62;
	[tilespmem:$0x1E080] =	vst v63  }
0x144: {  	v5 =	vadd.s32 v2, v5;
	v4 =	vand.u32 $0x7, v4;
	v6 =	vand.u32 $0xFFFFFFE0, v63  }
0x145: {  	[hbm4b:s4+s5] =	stream.indirect_vreg.scatter [tilespmem:s19], [sflag:$0xF], $0x80, v61, vm0, $0xb8;
	v4 =	vor.u32 v4, v6;
	[tilespmem:$0x1E080] =	vst v63  }
0x146: {  	v6 =	vperm.xlane v4, v1  }
0x147: {  	[hbm4b:s16+s5] =	stream.indirect_vreg.scatter [tilespmem:s14], [sflag:$0xF], $0x80, v61, vm0, $0xb8;
	[tilespmem:$0x1E080] =	vst v63  }
0x148: {  	v6 =	vadd.s32 v2, v6  }
0x149: {  	[hbm4b:s4+s5] =	stream.indirect_vreg.scatter [tilespmem:s21], [sflag:$0xF], $0x80, v5, vm0, $0xb8;
	[tilespmem:$0x1E080] =	vst v63  }
0x14a: {  	_ = 	snop  }
0x14b: {  	v4 =	vperm.xlane v4, v3;
	[hbm4b:s16+s5] =	stream.indirect_vreg.scatter [tilespmem:s2], [sflag:$0xF], $0x80, v5, vm0, $0xb8;
	[tilespmem:$0x1E080] =	vst v63  }
0x14c: {  	_ = 	snop  }
0x14d: {  	v4 =	vadd.s32 v2, v4;
	[hbm4b:s4+s5] =	stream.indirect_vreg.scatter [tilespmem:s19], [sflag:$0xF], $0x80, v6, vm0, $0xb8;
	[tilespmem:$0x1E080] =	vst v63  }
0x14e: {  	_ = 	snop  }
0x14f: {  	[hbm4b:s16+s5] =	stream.indirect_vreg.scatter [tilespmem:s14], [sflag:$0xF], $0x80, v6, vm0, $0xb8;
	[tilespmem:$0x1E080] =	vst v63  }
.Ltmp8:
0x150: {  	_ = 	snop;
	(pc) =	sbr.rel .LBB2_8-.Ltmp8, $4  }
0x151: {  	_ = 	snop  }
0x152: {  	[hbm4b:s4+s5] =	stream.indirect_vreg.scatter [tilespmem:s21], [sflag:$0xF], $0x80, v4, vm0, $0xb8;
	[tilespmem:$0x1E080] =	vst v63  }
0x153: {  	_ = 	snop  }
0x154: {  	[hbm4b:s16+s5] =	stream.indirect_vreg.scatter [tilespmem:s2], [sflag:$0xF], $0x80, v4, vm0, $0xb8;
	[tilespmem:$0x1E080] =	vst v63  }
.LBB2_9:
0x155: {  	s7 =	simm.s32 $0x8  }
0x156: {  	_ =	swait.ge [sflag:s7], $0x4000  }
0x157: {  	[sflag:s7] =	ssyncset.done $0x0  }
0x158: {  	s9 =	simm.s32 $0x9;
	[sflag:s7] =	ssyncadd.s32 $0xFFFFC000  }
0x159: {  	_ =	swait.ge [sflag:s9], $0x4000  }
0x15a: {  	[sflag:s9] =	ssyncset.done $0x0  }
0x15b: {  	s10 =	simm.s32 $0xA;
	[sflag:s9] =	ssyncadd.s32 $0xFFFFC000  }
0x15c: {  	_ =	swait.ge [sflag:s10], $0x4000  }
0x15d: {  	[sflag:s10] =	ssyncset.done $0x0  }
0x15e: {  	s11 =	simm.s32 $0xB;
	[sflag:s10] =	ssyncadd.s32 $0xFFFFC000  }
0x15f: {  	_ =	swait.ge [sflag:s11], $0x4000  }
0x160: {  	[sflag:s11] =	ssyncset.done $0x0  }
0x161: {  	s12 =	simm.s32 $0xC;
	[sflag:s11] =	ssyncadd.s32 $0xFFFFC000  }
0x162: {  	_ =	swait.ge [sflag:s12], $0x4000  }
0x163: {  	[sflag:s12] =	ssyncset.done $0x0  }
0x164: {  	s13 =	simm.s32 $0xD;
	[sflag:s12] =	ssyncadd.s32 $0xFFFFC000  }
0x165: {  	_ =	swait.ge [sflag:s13], $0x4000  }
0x166: {  	[sflag:s13] =	ssyncset.done $0x0  }
0x167: {  	[sflag:s13] =	ssyncadd.s32 $0xFFFFC000  }
0x168: {  	_ =	swait.ge [sflag:s31], $0x4000  }
0x169: {  	[sflag:s31] =	ssyncset.done $0x0  }
0x16a: {  	[sflag:s31] =	ssyncadd.s32 $0xFFFFC000  }
0x16b: {  	_ =	swait.ge [sflag:s0], $0x2000  }
0x16c: {  	[sflag:s0] =	ssyncset.done $0x0  }
0x16d: {  	[sflag:s0] =	ssyncadd.s32 $0xFFFFE000  }
0x16e: {  	_ =	swait.ge [sflag:s0], $0x2000  }
0x16f: {  	[sflag:s0] =	ssyncset.done $0x0  }
0x170: {  	[sflag:s0] =	ssyncadd.s32 $0xFFFFE000  }
0x171: {  	_ =	swait.ge [sflag:s0], $0x2000  }
0x172: {  	[sflag:s0] =	ssyncset.done $0x0  }
0x173: {  	[sflag:s0] =	ssyncadd.s32 $0xFFFFE000  }
0x174: {  	_ =	swait.ge [sflag:s0], $0x2000  }
0x175: {  	[sflag:s0] =	ssyncset.done $0x0  }
0x176: {  	[sflag:s0] =	ssyncadd.s32 $0xFFFFE000  }
0x177: {  	_ =	swait.ge [sflag:s0], $0x2000  }
0x178: {  	[sflag:s0] =	ssyncset.done $0x0  }
0x179: {  	[sflag:s0] =	ssyncadd.s32 $0xFFFFE000  }
0x17a: {  	_ =	swait.ge [sflag:s0], $0x2000  }
0x17b: {  	[sflag:s0] =	ssyncset.done $0x0  }
0x17c: {  	[sflag:s0] =	ssyncadd.s32 $0xFFFFE000  }
0x17d: {  	_ =	swait.ge [sflag:s0], $0x2000  }
0x17e: {  	[sflag:s0] =	ssyncset.done $0x0  }
0x17f: {  	[sflag:s0] =	ssyncadd.s32 $0xFFFFE000  }
0x180: {  	_ =	swait.ge [sflag:s0], $0x2000  }
0x181: {  	[sflag:s0] =	ssyncset.done $0x0  }
0x182: {  	[sflag:s0] =	ssyncadd.s32 $0xFFFFE000  }
0x183: {  	_ =	swait.ge [sflag:s0], $0x2000  }
0x184: {  	[sflag:s0] =	ssyncset.done $0x0  }
0x185: {  	[sflag:s0] =	ssyncadd.s32 $0xFFFFE000  }
0x186: {  	_ =	swait.ge [sflag:s0], $0x2000  }
0x187: {  	[sflag:s0] =	ssyncset.done $0x0  }
0x188: {  	[sflag:s0] =	ssyncadd.s32 $0xFFFFE000  }
0x189: {  	_ =	swait.ge [sflag:s0], $0x2000  }
0x18a: {  	[sflag:s0] =	ssyncset.done $0x0  }
0x18b: {  	[sflag:s0] =	ssyncadd.s32 $0xFFFFE000  }
0x18c: {  	_ =	swait.ge [sflag:s0], $0x2000  }
0x18d: {  	[sflag:s0] =	ssyncset.done $0x0  }
0x18e: {  	[sflag:s0] =	ssyncadd.s32 $0xFFFFE000  }
0x18f: {  	_ =	swait.ge [sflag:s0], $0x2000  }
0x190: {  	[sflag:s0] =	ssyncset.done $0x0  }
0x191: {  	[sflag:s0] =	ssyncadd.s32 $0xFFFFE000  }
0x192: {  	_ =	swait.ge [sflag:s0], $0x2000  }
0x193: {  	[sflag:s0] =	ssyncset.done $0x0  }
0x194: {  	[sflag:s0] =	ssyncadd.s32 $0xFFFFE000  }
0x195: {  	_ =	swait.ge [sflag:s0], $0x2000  }
0x196: {  	[sflag:s0] =	ssyncset.done $0x0  }
0x197: {  	[sflag:s0] =	ssyncadd.s32 $0xFFFFE000  }
0x198: {  	_ =	swait.ge [sflag:s0], $0x2000  }
0x199: {  	[sflag:s0] =	ssyncset.done $0x0  }
0x19a: {  	[sflag:s0] =	ssyncadd.s32 $0xFFFFE000  }
0x19b: {  	_ =	swait.ge [sflag:s0], $0x2000  }
0x19c: {  	[sflag:s0] =	ssyncset.done $0x0  }
0x19d: {  	[sflag:s0] =	ssyncadd.s32 $0xFFFFE000  }
0x19e: {  	_ =	swait.ge [sflag:s0], $0x2000  }
0x19f: {  	[sflag:s0] =	ssyncset.done $0x0  }
0x1a0: {  	[sflag:s0] =	ssyncadd.s32 $0xFFFFE000  }
0x1a1: {  	_ =	swait.ge [sflag:s0], $0x2000  }
0x1a2: {  	[sflag:s0] =	ssyncset.done $0x0  }
0x1a3: {  	[sflag:s0] =	ssyncadd.s32 $0xFFFFE000  }
0x1a4: {  	_ =	swait.ge [sflag:s0], $0x2000  }
0x1a5: {  	[sflag:s0] =	ssyncset.done $0x0  }
0x1a6: {  	[sflag:s0] =	ssyncadd.s32 $0xFFFFE000  }
0x1a7: {  	_ =	swait.ge [sflag:s0], $0x2000  }
0x1a8: {  	[sflag:s0] =	ssyncset.done $0x0  }
0x1a9: {  	[sflag:s0] =	ssyncadd.s32 $0xFFFFE000  }
0x1aa: {  	_ =	swait.ge [sflag:s0], $0x2000  }
0x1ab: {  	[sflag:s0] =	ssyncset.done $0x0  }
0x1ac: {  	[sflag:s0] =	ssyncadd.s32 $0xFFFFE000  }
0x1ad: {  	_ =	swait.ge [sflag:s0], $0x2000  }
0x1ae: {  	[sflag:s0] =	ssyncset.done $0x0  }
0x1af: {  	[sflag:s0] =	ssyncadd.s32 $0xFFFFE000  }
0x1b0: {  	_ =	swait.ge [sflag:s0], $0x2000  }
0x1b1: {  	[sflag:s0] =	ssyncset.done $0x0  }
0x1b2: {  	[sflag:s0] =	ssyncadd.s32 $0xFFFFE000  }
0x1b3: {  	_ =	swait.ge [sflag:s0], $0x2000  }
0x1b4: {  	[sflag:s0] =	ssyncset.done $0x0  }
0x1b5: {  	[sflag:s0] =	ssyncadd.s32 $0xFFFFE000  }
0x1b6: {  	_ =	swait.ge [sflag:s0], $0x2000  }
0x1b7: {  	[sflag:s0] =	ssyncset.done $0x0  }
0x1b8: {  	[sflag:s0] =	ssyncadd.s32 $0xFFFFE000  }
0x1b9: {  	_ =	swait.ge [sflag:s0], $0x2000  }
0x1ba: {  	[sflag:s0] =	ssyncset.done $0x0  }
0x1bb: {  	[sflag:s0] =	ssyncadd.s32 $0xFFFFE000  }
0x1bc: {  	_ =	swait.ge [sflag:s0], $0x2000  }
0x1bd: {  	[sflag:s0] =	ssyncset.done $0x0  }
0x1be: {  	[sflag:s0] =	ssyncadd.s32 $0xFFFFE000  }
0x1bf: {  	_ =	swait.ge [sflag:s0], $0x2000  }
0x1c0: {  	[sflag:s0] =	ssyncset.done $0x0  }
0x1c1: {  	[sflag:s0] =	ssyncadd.s32 $0xFFFFE000  }
0x1c2: {  	_ =	swait.ge [sflag:s0], $0x2000  }
0x1c3: {  	[sflag:s0] =	ssyncset.done $0x0  }
0x1c4: {  	[sflag:s0] =	ssyncadd.s32 $0xFFFFE000  }
0x1c5: {  	_ =	swait.ge [sflag:s0], $0x2000  }
0x1c6: {  	[sflag:s0] =	ssyncset.done $0x0  }
0x1c7: {  	[sflag:s0] =	ssyncadd.s32 $0xFFFFE000  }
0x1c8: {  	_ =	swait.ge [sflag:s0], $0x2000  }
0x1c9: {  	[sflag:s0] =	ssyncset.done $0x0  }
0x1ca: {  	s13 =	sld [smem:$0x7EC];
	[sflag:s0] =	ssyncadd.s32 $0xFFFFE000  }
.LBB2_10:
.Ltmp9:
0x1cb: {  	(pc) =	sbr.rel @p1 .LBB2_19-.Ltmp9, $1  }
0x1cc: {  	_ =	sdelay $0x3  }
0x1cd: {  	s7 =	rddreg [dreg:$0x1f]  }
0x1ce: {  	s8 =	simm.s32 $0x0;
	s12 =	sld [smem:$0x7ED]  }
0x1cf: {  	[tilespmem:s8], [sflag:$0x1] =	stream.linear.gather [hbm4b:s7+s8], $0x1000, $0x38;
	[tilespmem:$0x1E080] =	vst v63  }
0x1d0: {  	s9 =	simm.s32 $0x4000;
	s10 =	sld [smem:$0x7EE]  }
0x1d1: {  	[tilespmem:s9], [sflag:$0x2] =	stream.linear.gather [hbm4b:s12+s8], $0x1000, $0x38;
	[tilespmem:$0x1E080] =	vst v63  }
0x1d2: {  	s11 =	sld [smem:$0x7EF]  }
0x1d3: {  	[tilespmem:s23], [sflag:$0x3] =	stream.linear.gather [hbm4b:s10+s8], $0x1000, $0x38;
	[tilespmem:$0x1E080] =	vst v63  }
0x1d4: {  	s12 =	simm.s32 $0xC000;
	s10 =	sld [smem:$0x7F0]  }
0x1d5: {  	[tilespmem:s12], [sflag:$0x4] =	stream.linear.gather [hbm4b:s11+s8], $0x1000, $0x38;
	[tilespmem:$0x1E080] =	vst v63  }
0x1d6: {  	s11 =	sld [smem:$0x7F1]  }
0x1d7: {  	[tilespmem:s24], [sflag:$0x5] =	stream.linear.gather [hbm4b:s10+s8], $0x1000, $0x38;
	[tilespmem:$0x1E080] =	vst v63  }
0x1d8: {  	s9 =	sld [smem:$0x7F2];
	s12 =	simm.s32 $0x14000  }
0x1d9: {  	[tilespmem:s12], [sflag:$0x6] =	stream.linear.gather [hbm4b:s11+s8], $0x1000, $0x38;
	[tilespmem:$0x1E080] =	vst v63  }
0x1da: {  	_ = 	snop  }
0x1db: {  	[tilespmem:s25], [sflag:$0x7] =	stream.linear.gather [hbm4b:s9+s8], $0x1000, $0x38;
	[tilespmem:$0x1E080] =	vst v63  }
0x1dc: {  	s10 =	rddreg [dreg:$0x1];
	s11 =	simm.s32 $0x10  }
0x1dd: {  	[tilespmem:s19], [sflag:$0x10] =	stream.linear.gather [hbm4b:s10+s8], $0x2000, $0x38;
	[tilespmem:$0x1E080] =	vst v63  }
0x1de: {  	_ =	swait.ge [sflag:s11], $0x2000  }
0x1df: {  	[sflag:s11] =	ssyncset.done $0x0  }
0x1e0: {  	s10 =	simm.s32 $0x1E000;
	s12 =	rddreg [dreg:$0x13];
	[sflag:s11] =	ssyncadd.s32 $0xFFFFE000  }
0x1e1: {  	[tilespmem:s10], [sflag:$0x10] =	stream.linear.gather [hbm4b:s12+s8], $0x20, $0x38;
	[tilespmem:$0x1E080] =	vst v63  }
0x1e2: {  	_ =	swait.ge [sflag:s11], $0x20  }
0x1e3: {  	[sflag:s11] =	ssyncset.done $0x0  }
0x1e4: {  	[sflag:s11] =	ssyncadd.s32 $0xFFFFFFE0  }
0x1e5: {  	v4 =	vld [tilespmem:$0x1E000]  }
0x1e6: {  	v5 =	vld [tilespmem:$0x1E010];
	_ =	sdelay $0x3  }
0x1e7: {  	(v2sf) =	vpush v4, $0x0  }
0x1e8: {  	(v2sf) =	vpush v5, $0x0  }
0x1e9: {  	(v2sf) =	vpush v4, $0x1  }
0x1ea: {  	(v2sf) =	vpush v5, $0x1  }
0x1eb: {  	(v2sf) =	vpush v4, $0x2  }
0x1ec: {  	(v2sf) =	vpush v5, $0x2  }
0x1ed: {  	(v2sf) =	vpush v4, $0x3  }
0x1ee: {  	(v2sf) =	vpush v5, $0x3  }
0x1ef: {  	(v2sf) =	vpush v4, $0x4  }
0x1f0: {  	(v2sf) =	vpush v5, $0x4  }
0x1f1: {  	(v2sf) =	vpush v4, $0x5  }
0x1f2: {  	(v2sf) =	vpush v5, $0x5  }
0x1f3: {  	(v2sf) =	vpush v4, $0x6  }
0x1f4: {  	(v2sf) =	vpush v5, $0x6  }
0x1f5: {  	(v2sf) =	vpush v4, $0x7  }
0x1f6: {  	s9 =	spop (v2sf);
	(v2sf) =	vpush v5, $0x7  }
0x1f7: {  	[smem:$0x0] =	sst s9;
	s10 =	spop (v2sf);
	(v2sf) =	vpush v4, $0x8  }
0x1f8: {  	[smem:$0x10] =	sst s10;
	s11 =	spop (v2sf);
	(v2sf) =	vpush v5, $0x8  }
0x1f9: {  	[smem:$0x1] =	sst s11;
	s12 =	spop (v2sf);
	(v2sf) =	vpush v4, $0x9  }
0x1fa: {  	[smem:$0x11] =	sst s12;
	s9 =	spop (v2sf);
	(v2sf) =	vpush v5, $0x9  }
0x1fb: {  	[smem:$0x2] =	sst s9;
	s10 =	spop (v2sf);
	(v2sf) =	vpush v4, $0xA  }
0x1fc: {  	[smem:$0x12] =	sst s10;
	s11 =	spop (v2sf);
	(v2sf) =	vpush v5, $0xA  }
0x1fd: {  	[smem:$0x3] =	sst s11;
	s12 =	spop (v2sf);
	(v2sf) =	vpush v4, $0xB  }
0x1fe: {  	[smem:$0x13] =	sst s12;
	s9 =	spop (v2sf);
	(v2sf) =	vpush v5, $0xB  }
0x1ff: {  	[smem:$0x4] =	sst s9;
	s10 =	spop (v2sf);
	(v2sf) =	vpush v4, $0xC  }
0x200: {  	[smem:$0x14] =	sst s10;
	s11 =	spop (v2sf);
	(v2sf) =	vpush v5, $0xC  }
0x201: {  	[smem:$0x5] =	sst s11;
	s12 =	spop (v2sf);
	(v2sf) =	vpush v4, $0xD  }
0x202: {  	[smem:$0x15] =	sst s12;
	s9 =	spop (v2sf);
	(v2sf) =	vpush v5, $0xD  }
0x203: {  	[smem:$0x6] =	sst s9;
	s10 =	spop (v2sf)  }
0x204: {  	(v2sf) =	vpush v4, $0xE;
	[smem:$0x16] =	sst s10;
	s11 =	spop (v2sf)  }
0x205: {  	(v2sf) =	vpush v5, $0xE;
	[smem:$0x7] =	sst s11;
	s12 =	spop (v2sf)  }
0x206: {  	(v2sf) =	vpush v4, $0xF;
	[smem:$0x17] =	sst s12;
	s9 =	spop (v2sf)  }
0x207: {  	(v2sf) =	vpush v5, $0xF;
	[smem:$0x8] =	sst s9;
	s10 =	spop (v2sf)  }
0x208: {  	[smem:$0x18] =	sst s10;
	s11 =	spop (v2sf)  }
0x209: {  	[smem:$0x9] =	sst s11;
	s12 =	spop (v2sf)  }
0x20a: {  	[smem:$0x19] =	sst s12;
	s9 =	spop (v2sf)  }
0x20b: {  	[smem:$0xA] =	sst s9;
	s10 =	spop (v2sf)  }
0x20c: {  	[smem:$0x1A] =	sst s10;
	s11 =	spop (v2sf)  }
0x20d: {  	[smem:$0xB] =	sst s11;
	s12 =	spop (v2sf)  }
0x20e: {  	[smem:$0x1B] =	sst s12;
	s9 =	spop (v2sf)  }
0x20f: {  	[smem:$0xC] =	sst s9;
	s10 =	spop (v2sf)  }
0x210: {  	[smem:$0x1C] =	sst s10;
	s11 =	spop (v2sf)  }
0x211: {  	[smem:$0xD] =	sst s11;
	s12 =	spop (v2sf)  }
0x212: {  	[smem:$0x1D] =	sst s12  }
.Ltmp10:
0x213: {  	s9 =	spop (v2sf);
	(pc) =	sbr.rel .LBB2_12-.Ltmp10, $4  }
0x214: {  	[smem:$0xE] =	sst s9;
	s10 =	spop (v2sf)  }
0x215: {  	[smem:$0x1E] =	sst s10;
	s11 =	spop (v2sf)  }
0x216: {  	[smem:$0xF] =	sst s11;
	s12 =	spop (v2sf)  }
0x217: {  	[smem:$0x1F] =	sst s12  }
.LBB2_17:
0x218: {  	s8 =	sadd.s32 $0x1, s8  }
0x219: {  	p2 =	sne.s32 s8, $0xB  }
.Ltmp11:
0x21a: {  	_ = 	snop;
	(pc) =	sbr.rel @!p2 .LBB2_18-.Ltmp11, $1  }
0x21b: {  	_ =	sdelay $0x3  }
.LBB2_12:
0x21c: {  	_ =	swait.ge [sflag:s26], $0x1000  }
0x21d: {  	s7 =	sld [smem:$0x7F3]  }
0x21e: {  	s9 =	smul.u32 $0x6D600, s8  }
0x21f: {  	[sflag:s26] =	ssyncset.done $0x0  }
0x220: {  	p2 =	seq.s32 s8, $0xA;
	[sflag:s26] =	ssyncadd.s32 $0xFFFFF000;
	s7 =	sadd.s32 s9, s7  }
0x221: {  	[hbm4b:s7+s5] =	stream.linear.scatter [tilespmem:s5], [sflag:$0x8], $0x1000, $0x38;
	[tilespmem:$0x1E080] =	vst v63  }
0x222: {  	s7 =	simm.s32 @p2 $0x2  }
0x223: {  	_ =	swait.ge @p2 [sflag:s7], $0x1000  }
0x224: {  	[sflag:s7] =	ssyncset.done @p2 $0x0  }
0x225: {  	s11 =	simm.s32 @p2 $0x0;
	[sflag:s7] =	ssyncadd.s32 @p2 $0xFFFFF000;
	s7 =	simm.s32 @p2 $0x4000  }
0x226: {  	[hbm4b:s17+s11] =	stream.linear.scatter @p2 [tilespmem:s7], [sflag:$0x9], $0x1000, $0x38;
	[tilespmem:$0x1E080] =	vst v63  }
0x227: {  	s7 =	simm.s32 @!p2 $0x8  }
0x228: {  	_ =	swait.ge @!p2 [sflag:s7], $0x1000  }
0x229: {  	[sflag:s7] =	ssyncset.done @!p2 $0x0  }
0x22a: {  	[sflag:s7] =	ssyncadd.s32 @!p2 $0xFFFFF000;
	s7 =	sld [smem:$0x7F4];
	_ =	sdelay $0x2  }
0x22b: {  	s10 =	simm.s32 @!p2 $0x0;
	s7 =	sadd.s32 @!p2 s9, s7  }
0x22c: {  	[tilespmem:s10], [sflag:$0x1] =	stream.linear.gather @!p2 [hbm4b:s7+s10], $0x1000, $0x38;
	[tilespmem:$0x1E080] =	vst v63  }
0x22d: {  	s7 =	simm.s32 @!p2 $0x2  }
0x22e: {  	_ =	swait.ge @!p2 [sflag:s7], $0x1000  }
0x22f: {  	[sflag:s7] =	ssyncset.done @!p2 $0x0  }
0x230: {  	[sflag:s7] =	ssyncadd.s32 @!p2 $0xFFFFF000;
	s7 =	sld [smem:$0x7F5];
	_ =	sdelay $0x2  }
0x231: {  	s12 =	simm.s32 @!p2 $0x4000;
	s7 =	sadd.s32 @!p2 s9, s7  }
0x232: {  	[hbm4b:s7+s10] =	stream.linear.scatter @!p2 [tilespmem:s12], [sflag:$0x9], $0x1000, $0x38;
	[tilespmem:$0x1E080] =	vst v63  }
0x233: {  	s7 =	simm.s32 @!p2 $0x9  }
0x234: {  	_ =	swait.ge @!p2 [sflag:s7], $0x1000  }
0x235: {  	[sflag:s7] =	ssyncset.done @!p2 $0x0  }
0x236: {  	[sflag:s7] =	ssyncadd.s32 @!p2 $0xFFFFF000;
	s7 =	sld [smem:$0x7F6];
	_ =	sdelay $0x2  }
0x237: {  	s7 =	sadd.s32 @!p2 s9, s7  }
0x238: {  	[tilespmem:s12], [sflag:$0x2] =	stream.linear.gather @!p2 [hbm4b:s7+s10], $0x1000, $0x38;
	[tilespmem:$0x1E080] =	vst v63  }
0x239: {  	_ =	swait.ge [sflag:s28], $0x1000  }
0x23a: {  	s12 =	sld [smem:$0x7F7];
	_ =	sdelay $0x1  }
0x23b: {  	[sflag:s28] =	ssyncset.done $0x0  }
0x23c: {  	[sflag:s28] =	ssyncadd.s32 $0xFFFFF000;
	s7 =	sadd.s32 s9, s12  }
0x23d: {  	[hbm4b:s7+s5] =	stream.linear.scatter [tilespmem:s23], [sflag:$0xA], $0x1000, $0x38;
	[tilespmem:$0x1E080] =	vst v63  }
0x23e: {  	s7 =	simm.s32 @p2 $0x4  }
0x23f: {  	_ =	swait.ge @p2 [sflag:s7], $0x1000  }
0x240: {  	[sflag:s7] =	ssyncset.done @p2 $0x0  }
0x241: {  	[sflag:s7] =	ssyncadd.s32 @p2 $0xFFFFF000;
	s7 =	simm.s32 @p2 $0xC000  }
0x242: {  	[hbm4b:s18+s11] =	stream.linear.scatter @p2 [tilespmem:s7], [sflag:$0xB], $0x1000, $0x38;
	[tilespmem:$0x1E080] =	vst v63  }
0x243: {  	s7 =	simm.s32 @!p2 $0xA  }
0x244: {  	_ =	swait.ge @!p2 [sflag:s7], $0x1000  }
0x245: {  	[sflag:s7] =	ssyncset.done @!p2 $0x0  }
0x246: {  	[sflag:s7] =	ssyncadd.s32 @!p2 $0xFFFFF000;
	s7 =	sld [smem:$0x7F8];
	_ =	sdelay $0x2  }
0x247: {  	s12 =	simm.s32 @!p2 $0x8000;
	s7 =	sadd.s32 @!p2 s9, s7  }
0x248: {  	[tilespmem:s12], [sflag:$0x3] =	stream.linear.gather @!p2 [hbm4b:s7+s10], $0x1000, $0x38;
	[tilespmem:$0x1E080] =	vst v63  }
0x249: {  	s7 =	simm.s32 @!p2 $0x4  }
0x24a: {  	_ =	swait.ge @!p2 [sflag:s7], $0x1000  }
0x24b: {  	[sflag:s7] =	ssyncset.done @!p2 $0x0  }
0x24c: {  	[sflag:s7] =	ssyncadd.s32 @!p2 $0xFFFFF000;
	s7 =	sld [smem:$0x7F9];
	_ =	sdelay $0x2  }
0x24d: {  	s12 =	simm.s32 @!p2 $0xC000;
	s7 =	sadd.s32 @!p2 s9, s7  }
0x24e: {  	[hbm4b:s7+s10] =	stream.linear.scatter @!p2 [tilespmem:s12], [sflag:$0xB], $0x1000, $0x38;
	[tilespmem:$0x1E080] =	vst v63  }
0x24f: {  	s7 =	simm.s32 @!p2 $0xB  }
0x250: {  	_ =	swait.ge @!p2 [sflag:s7], $0x1000  }
0x251: {  	[sflag:s7] =	ssyncset.done @!p2 $0x0  }
0x252: {  	[sflag:s7] =	ssyncadd.s32 @!p2 $0xFFFFF000;
	s7 =	sld [smem:$0x7FA];
	_ =	sdelay $0x2  }
0x253: {  	s7 =	sadd.s32 @!p2 s9, s7  }
0x254: {  	[tilespmem:s12], [sflag:$0x4] =	stream.linear.gather @!p2 [hbm4b:s7+s10], $0x1000, $0x38;
	[tilespmem:$0x1E080] =	vst v63  }
0x255: {  	_ =	swait.ge [sflag:s29], $0x1000  }
0x256: {  	s12 =	sld [smem:$0x7FB];
	_ =	sdelay $0x1  }
0x257: {  	[sflag:s29] =	ssyncset.done $0x0  }
0x258: {  	[sflag:s29] =	ssyncadd.s32 $0xFFFFF000;
	s7 =	sadd.s32 s9, s12  }
0x259: {  	[hbm4b:s7+s5] =	stream.linear.scatter [tilespmem:s24], [sflag:$0xC], $0x1000, $0x38;
	[tilespmem:$0x1E080] =	vst v63  }
0x25a: {  	s7 =	simm.s32 @p2 $0x6  }
0x25b: {  	_ =	swait.ge @p2 [sflag:s7], $0x1000  }
0x25c: {  	[sflag:s7] =	ssyncset.done @p2 $0x0  }
0x25d: {  	[sflag:s7] =	ssyncadd.s32 @p2 $0xFFFFF000;
	s7 =	simm.s32 @p2 $0x14000  }
0x25e: {  	[hbm4b:s20+s11] =	stream.linear.scatter @p2 [tilespmem:s7], [sflag:$0xD], $0x1000, $0x38;
	[tilespmem:$0x1E080] =	vst v63  }
0x25f: {  	s7 =	simm.s32 @!p2 $0xC  }
0x260: {  	_ =	swait.ge @!p2 [sflag:s7], $0x1000  }
0x261: {  	[sflag:s7] =	ssyncset.done @!p2 $0x0  }
0x262: {  	[sflag:s7] =	ssyncadd.s32 @!p2 $0xFFFFF000;
	s7 =	sld [smem:$0x7FC];
	_ =	sdelay $0x2  }
0x263: {  	s11 =	simm.s32 @!p2 $0x10000;
	s7 =	sadd.s32 @!p2 s9, s7  }
0x264: {  	[tilespmem:s11], [sflag:$0x5] =	stream.linear.gather @!p2 [hbm4b:s7+s10], $0x1000, $0x38;
	[tilespmem:$0x1E080] =	vst v63  }
0x265: {  	s7 =	simm.s32 @!p2 $0x6  }
0x266: {  	_ =	swait.ge @!p2 [sflag:s7], $0x1000  }
0x267: {  	[sflag:s7] =	ssyncset.done @!p2 $0x0  }
0x268: {  	s11 =	simm.s32 @!p2 $0x14000;
	[sflag:s7] =	ssyncadd.s32 @!p2 $0xFFFFF000;
	s7 =	sadd.s32 @!p2 s9, s22  }
0x269: {  	[hbm4b:s7+s10] =	stream.linear.scatter @!p2 [tilespmem:s11], [sflag:$0xD], $0x1000, $0x38;
	[tilespmem:$0x1E080] =	vst v63  }
0x26a: {  	s7 =	simm.s32 @!p2 $0xD  }
0x26b: {  	_ =	swait.ge @!p2 [sflag:s7], $0x1000  }
0x26c: {  	[sflag:s7] =	ssyncset.done @!p2 $0x0  }
0x26d: {  	[sflag:s7] =	ssyncadd.s32 @!p2 $0xFFFFF000;
	s7 =	sadd.s32 @!p2 s9, s3  }
0x26e: {  	[tilespmem:s11], [sflag:$0x6] =	stream.linear.gather @!p2 [hbm4b:s7+s10], $0x1000, $0x38;
	[tilespmem:$0x1E080] =	vst v63  }
.Ltmp12:
0x26f: {  	_ = 	snop;
	(pc) =	sbr.rel @p2 .LBB2_18-.Ltmp12, $4  }
0x270: {  	_ =	swait.ge [sflag:s30], $0x1000  }
0x271: {  	[sflag:s30] =	ssyncset.done $0x0  }
0x272: {  	s12 =	sadd.s32 s9, s15;
	[sflag:s30] =	ssyncadd.s32 $0xFFFFF000  }
0x273: {  	[hbm4b:s12+s5] =	stream.linear.scatter [tilespmem:s25], [sflag:$0xE], $0x1000, $0x38;
	[tilespmem:$0x1E080] =	vst v63  }
0x274: {  	_ =	swait.ge [sflag:s31], $0x1000;
	p2 =	sne.s32 s8, $0x6  }
.Ltmp13:
0x275: {  	s7 =	sld [smem:$0x7FD];
	(pc) =	sbr.rel @p2 .LBB2_17-.Ltmp13, $4  }
0x276: {  	_ = 	snop  }
0x277: {  	s12 =	simm.s32 $0x0;
	[sflag:s31] =	ssyncset.done $0x0  }
0x278: {  	[sflag:s31] =	ssyncadd.s32 $0xFFFFF000;
	s7 =	sadd.s32 s9, s7;
	s9 =	simm.s32 $0x3E0  }
0x279: {  	[tilespmem:s25], [sflag:$0x7] =	stream.linear.gather [hbm4b:s7+s12], $0x1000, $0x38;
	[tilespmem:$0x1E080] =	vst v63  }
0x27a: {  	s7 =	sld [smem:$0x0];
	_ =	sdelay $0x2  }
0x27b: {  	v4 =	vmov s7  }
0x27c: {  	v4 =	vmul.u32 $0x3E8, v4;
	_ =	sdelay $0x1  }
0x27d: {  	v4 =	vadd.s32 s9, v4  }
0x27e: {  	v4 =	vbroadcast v4, $0x0;
	_ =	sdelay $0x1  }
0x27f: {  	v5 =	vshll.u32 v4, $0x2  }
0x280: {  	s9 =	sld [smem:$0x1];
	v5 =	vadd.s32 v0, v5  }
0x281: {  	v4 =	vand.u32 $0x7, v4;
	v5 =	vand.u32 $0xFFFFFFE0, v5  }
0x282: {  	v4 =	vor.u32 v4, v5  }
0x283: {  	v6 =	vmov s9;
	v5 =	vperm.xlane v4, v1  }
0x284: {  	v6 =	vmul.u32 $0x3E8, v6  }
0x285: {  	s10 =	simm.s32 $0x3E1;
	v5 =	vadd.s32 v2, v5  }
0x286: {  	v6 =	vadd.s32 s10, v6  }
0x287: {  	s11 =	sld [smem:$0x2];
	v6 =	vbroadcast v6, $0x0;
	_ =	sdelay $0x1  }
0x288: {  	v7 =	vshll.u32 v6, $0x2  }
0x289: {  	v8 =	vmov s11;
	v4 =	vperm.xlane v4, v3;
	v7 =	vadd.s32 v0, v7;
	[hbm4b:s4+s5] =	stream.indirect_vreg.scatter [tilespmem:s19], [sflag:$0xF], $0x80, v5, vm0, $0xb8;
	[tilespmem:$0x1E080] =	vst v63  }
0x28a: {  	s12 =	simm.s32 $0x3E2;
	v8 =	vmul.u32 $0x3E8, v8;
	v6 =	vand.u32 $0x7, v6;
	v7 =	vand.u32 $0xFFFFFFE0, v7  }
0x28b: {  	v4 =	vadd.s32 v2, v4;
	[hbm4b:s16+s5] =	stream.indirect_vreg.scatter [tilespmem:s14], [sflag:$0xF], $0x80, v5, vm0, $0xb8;
	v5 =	vor.u32 v6, v7;
	[tilespmem:$0x1E080] =	vst v63  }
0x28c: {  	v6 =	vadd.s32 s12, v8;
	v8 =	vperm.xlane v5, v1;
	_ =	sdelay $0x1  }
0x28d: {  	s9 =	simm.s32 $0x3E3;
	v6 =	vbroadcast v6, $0x0;
	v7 =	vperm.xlane v5, v3;
	v5 =	vadd.s32 v2, v8  }
0x28e: {  	s11 =	simm.s32 $0x3;
	s10 =	simm.s32 $0x3E4;
	s12 =	sld [smem:$0x3]  }
0x28f: {  	[hbm4b:s4+s5] =	stream.indirect_vreg.scatter [tilespmem:s21], [sflag:$0xF], $0x80, v4, vm0, $0xb8;
	v8 =	vshll.u32 v6, $0x2;
	[tilespmem:$0x1E080] =	vst v63  }
.LBB2_15:
0x290: {  	v8 =	vadd.s32 v0, v8;
	[hbm4b:s16+s5] =	stream.indirect_vreg.scatter [tilespmem:s2], [sflag:$0xF], $0x80, v4, vm0, $0xb8;
	v4 =	vadd.s32 v2, v7;
	[tilespmem:$0x1E080] =	vst v63  }
0x291: {  	p2 =	sne.s32 s10, $0x3E7;
	v7 =	vmov s12;
	v6 =	vand.u32 $0x7, v6;
	s7 =	smov.u32 s10;
	s10 =	sadd.s32 $0x1, s10;
	v8 =	vand.u32 $0xFFFFFFE0, v8  }
0x292: {  	v9 =	vmul.u32 $0x3E8, v7;
	v6 =	vor.u32 v6, v8;
	[hbm4b:s4+s5] =	stream.indirect_vreg.scatter [tilespmem:s19], [sflag:$0xF], $0x80, v5, vm0, $0xb8;
	[tilespmem:$0x1E080] =	vst v63  }
.Ltmp14:
0x293: {  	s11 =	sadd.s32 $0x1, s11;
	v8 =	vperm.xlane v6, v1;
	v7 =	vperm.xlane v6, v3;
	(pc) =	sbr.rel @p2 .LBB2_15-.Ltmp14, $4  }
0x294: {  	v6 =	vadd.s32 s9, v9;
	[hbm4b:s16+s5] =	stream.indirect_vreg.scatter [tilespmem:s14], [sflag:$0xF], $0x80, v5, vm0, $0xb8;
	[tilespmem:$0x1E080] =	vst v63  }
0x295: {  	s9 =	smov.u32 s7;
	v6 =	vbroadcast v6, $0x0;
	s12 =	sld [smem:s11+$0x0];
	v5 =	vadd.s32 v2, v8  }
0x296: {  	[hbm4b:s4+s5] =	stream.indirect_vreg.scatter [tilespmem:s21], [sflag:$0xF], $0x80, v4, vm0, $0xb8;
	[tilespmem:$0x1E080] =	vst v63  }
0x297: {  	v8 =	vshll.u32 v6, $0x2  }
0x298: {  	_ =	sdelay $0x3  }
0x299: {  	v8 =	vadd.s32 v0, v8;
	v7 =	vadd.s32 v2, v7;
	[hbm4b:s16+s5] =	stream.indirect_vreg.scatter [tilespmem:s2], [sflag:$0xF], $0x80, v4, vm0, $0xb8;
	[tilespmem:$0x1E080] =	vst v63  }
0x29a: {  	v4 =	vmov s12;
	v6 =	vand.u32 $0x7, v6;
	v8 =	vand.u32 $0xFFFFFFE0, v8  }
0x29b: {  	v4 =	vmul.u32 $0x3E8, v4;
	v6 =	vor.u32 v6, v8;
	[hbm4b:s4+s5] =	stream.indirect_vreg.scatter [tilespmem:s19], [sflag:$0xF], $0x80, v5, vm0, $0xb8;
	[tilespmem:$0x1E080] =	vst v63  }
0x29c: {  	v8 =	vperm.xlane v6, v1  }
0x29d: {  	v4 =	vadd.s32 s9, v4;
	[hbm4b:s16+s5] =	stream.indirect_vreg.scatter [tilespmem:s14], [sflag:$0xF], $0x80, v5, vm0, $0xb8;
	[tilespmem:$0x1E080] =	vst v63  }
0x29e: {  	v4 =	vbroadcast v4, $0x0;
	v5 =	vadd.s32 v2, v8  }
0x29f: {  	[hbm4b:s4+s5] =	stream.indirect_vreg.scatter [tilespmem:s21], [sflag:$0xF], $0x80, v7, vm0, $0xb8;
	[tilespmem:$0x1E080] =	vst v63  }
0x2a0: {  	v6 =	vperm.xlane v6, v3;
	v62 =	vshll.u32 v4, $0x2  }
0x2a1: {  	v8 =	vadd.s32 v0, v62;
	[hbm4b:s16+s5] =	stream.indirect_vreg.scatter [tilespmem:s2], [sflag:$0xF], $0x80, v7, vm0, $0xb8;
	[tilespmem:$0x1E080] =	vst v63  }
0x2a2: {  	v6 =	vadd.s32 v2, v6;
	v4 =	vand.u32 $0x7, v4;
	v63 =	vand.u32 $0xFFFFFFE0, v8  }
0x2a3: {  	v4 =	vor.u32 v4, v63;
	[hbm4b:s4+s5] =	stream.indirect_vreg.scatter [tilespmem:s19], [sflag:$0xF], $0x80, v5, vm0, $0xb8;
	[tilespmem:$0x1E080] =	vst v63  }
0x2a4: {  	v7 =	vperm.xlane v4, v1  }
0x2a5: {  	[hbm4b:s16+s5] =	stream.indirect_vreg.scatter [tilespmem:s14], [sflag:$0xF], $0x80, v5, vm0, $0xb8;
	[tilespmem:$0x1E080] =	vst v63  }
0x2a6: {  	v5 =	vadd.s32 v2, v7  }
0x2a7: {  	[hbm4b:s4+s5] =	stream.indirect_vreg.scatter [tilespmem:s21], [sflag:$0xF], $0x80, v6, vm0, $0xb8;
	[tilespmem:$0x1E080] =	vst v63  }
0x2a8: {  	_ = 	snop  }
0x2a9: {  	v4 =	vperm.xlane v4, v3;
	[hbm4b:s16+s5] =	stream.indirect_vreg.scatter [tilespmem:s2], [sflag:$0xF], $0x80, v6, vm0, $0xb8;
	[tilespmem:$0x1E080] =	vst v63  }
0x2aa: {  	_ = 	snop  }
0x2ab: {  	v4 =	vadd.s32 v2, v4;
	[hbm4b:s4+s5] =	stream.indirect_vreg.scatter [tilespmem:s19], [sflag:$0xF], $0x80, v5, vm0, $0xb8;
	[tilespmem:$0x1E080] =	vst v63  }
0x2ac: {  	_ = 	snop  }
0x2ad: {  	[hbm4b:s16+s5] =	stream.indirect_vreg.scatter [tilespmem:s14], [sflag:$0xF], $0x80, v5, vm0, $0xb8;
	[tilespmem:$0x1E080] =	vst v63  }
.Ltmp15:
0x2ae: {  	_ = 	snop;
	(pc) =	sbr.rel .LBB2_17-.Ltmp15, $4  }
0x2af: {  	_ = 	snop  }
0x2b0: {  	[hbm4b:s4+s5] =	stream.indirect_vreg.scatter [tilespmem:s21], [sflag:$0xF], $0x80, v4, vm0, $0xb8;
	[tilespmem:$0x1E080] =	vst v63  }
0x2b1: {  	_ = 	snop  }
0x2b2: {  	[hbm4b:s16+s5] =	stream.indirect_vreg.scatter [tilespmem:s2], [sflag:$0xF], $0x80, v4, vm0, $0xb8;
	[tilespmem:$0x1E080] =	vst v63  }
.LBB2_20:
0x2b3: {  	_ =	sfence.sel $0x180000  }
0x2b4: {  	[bflag:$0x0] =	sbarrier.arrive $0xFFFF  }
0x2b5: {  	_ =	strace $0x90000047  }
0x2b6: {  	s0 =	stileid.u32;
	[bflag:$0x2] =	sbarrier.arrive $0xFFFF  }
0x2b7: {  	p0 =	sne.s32 s0, $0x0;
	s0 =	rddreg [dreg:$0x4]  }
0x2b8: {  	s0 =	sadd.s32 @!p0 $0x100000, s0  }
0x2b9: {  	[sflag:s0] =	ssyncadd.tile.s32 @!p0 $0x1;
	_ =	shalt  }
.Lfunc_end2:
_tile_overlayer_lowered:
.L_overlay_start_2:
0x2ba: {  	(tag) =	ssettag $0x2  }
0x2bb: {  	s0 =	rddreg [dreg:$0x0];
	s2 =	stileid.u32  }
0x2bc: {  	s1 =	rddreg [dreg:$0x1];
	p0 =	sne.s32 s2, $0x0  }
0x2bd: {  	s3 =	rddreg [dreg:$0x2];
	[bflag:$0x3] =	sbarrier.arrive $0xFFFF;
	s2 =	simm.s32 @!p0 $0x1C10  }
0x2be: {  	[timem:s3], [sflag:s2] =	dma.local @!p0 [hbm:s0], s1  }
0x2bf: {  	s0 =	simm.s32 @!p0 $0x10  }
0x2c0: {  	_ =	swait.ge @!p0 [sflag:s0], s1  }
0x2c1: {  	s1 =	ssub.s32 @!p0 $0x0, s1;
	[sflag:s0] =	ssyncset.done @!p0 $0x0  }
0x2c2: {  	[sflag:s0] =	ssyncadd.s32 @!p0 s1  }
0x2c3: {  	[bflag:$0x3] =	sbarrier.arrive $0xFFFF  }
0x2c4: {  	_ =	shalt  }

</sc_bundles>
